<compile_context>
chip_gen: v7x
topology: tpu7x:2x2x1
jax: 0.10.2.dev20260603
libtpu: 0.0.44.dev20260713+nightly
codegen_flags: <defaults>
</compile_context>

<pallas_src>
import functools

import jax
import jax.numpy as jnp
from jax import lax
from jax.experimental import pallas as pl
from jax.experimental.pallas import tpu as pltpu
from jax.experimental.pallas import tpu_sc as plsc

NUM_TOPIC = 18115
D = 64
H = 32
B, L = 16384, 50

NPAD = 18176
PKW = 48
BR = 2272

NC, NS = 2, 16
NW = NC * NS
BAGS_W = B // NW
BAGS_PER_CHUNK = 2
CHUNKS = BAGS_W // BAGS_PER_CHUNK
CPI = BAGS_PER_CHUNK * L
NBUF = 4
STAGE_ROWS = NPAD // NS
OUT_STAGE = 64


def _prep_body(tb_ref, w1_ref, b1_ref, w2_ref, b2_ref, out_ref):
    tb = tb_ref[...]
    e = jnp.tanh(
        lax.dot_general(tb, w1_ref[...], (((1,), (1,)), ((), ())),
                        preferred_element_type=jnp.float32) + b1_ref[...])
    s = jnp.exp(jnp.sum(e * w2_ref[...], axis=1, keepdims=True) + b2_ref[0, 0])
    rows = pl.program_id(0) * BR + lax.broadcasted_iota(jnp.int32, (BR, 1), 0)
    s = jnp.where(rows != 0, s, 0.0)
    num = tb * s
    den = jnp.broadcast_to(s, (BR, 16))
    zero = jnp.zeros((BR, 16), jnp.float32)

    def bf16_bits(x):
        bits = lax.bitcast_convert_type(x, jnp.int32)
        r = bits + 0x7FFF + ((bits >> 16) & 1)
        return (r >> 16) & 0xFFFF

    def word(lo, hi):
        return bf16_bits(lo) | (bf16_bits(hi) << 16)

    out_ref[...] = jnp.concatenate(
        [word(num[:, 0:16], num[:, 16:32]),
         word(num[:, 32:48], num[:, 48:64]),
         word(den, zero)], axis=1)


def _prep(table_p, W1, b1, W2, b2):
    return pl.pallas_call(
        _prep_body,
        grid=(NPAD // BR,),
        in_specs=[
            pl.BlockSpec((BR, D), lambda i: (i, 0)),
            pl.BlockSpec((H, D), lambda i: (0, 0)),
            pl.BlockSpec((1, H), lambda i: (0, 0)),
            pl.BlockSpec((1, H), lambda i: (0, 0)),
            pl.BlockSpec(memory_space=pltpu.SMEM),
        ],
        out_specs=pl.BlockSpec((BR, PKW), lambda i: (i, 0)),
        out_shape=jax.ShapeDtypeStruct((NPAD, PKW), jnp.int32),
    )(table_p, W1, b1.reshape(1, H), W2, b2.reshape(1, 1))


@functools.cache
def _make_pool():
    mesh = plsc.VectorSubcoreMesh(core_axis_name="c", subcore_axis_name="s")
    return functools.partial(
        pl.kernel,
        mesh=mesh,
        out_type=jax.ShapeDtypeStruct((B, D), jnp.float32),
        scratch_types=[
            pltpu.VMEM((CHUNKS, CPI), jnp.int32),
            pltpu.VMEM((NBUF, CPI, PKW), jnp.int32),
            pltpu.VMEM((OUT_STAGE, D), jnp.float32),
            pltpu.VMEM_SHARED((NPAD, PKW), jnp.int32),
            [pltpu.SemaphoreType.DMA] * NBUF,
        ],
        compiler_params=pltpu.CompilerParams(use_tc_tiling_on_sc=False),
    )(_pool_body)


def _bits_to_f32(w):
    return lax.bitcast_convert_type(w, jnp.float32)


def _pool_body(aug_hbm, ids_hbm, out_hbm, idx_v, rows_v, outs_v, aug_sh, sems):
    sub = lax.axis_index("s")
    wid = sub * NC + lax.axis_index("c")
    pltpu.sync_copy(aug_hbm.at[pl.ds(sub * STAGE_ROWS, STAGE_ROWS)],
                    aug_sh.at[pl.ds(sub * STAGE_ROWS, STAGE_ROWS)])
    pltpu.sync_copy(ids_hbm.at[wid], idx_v)
    plsc.subcore_barrier()

    def fire(c, slot):
        pltpu.async_copy(aug_sh.at[idx_v.at[c]], rows_v.at[slot], sems[slot])

    def wait(c, slot):
        pltpu.make_async_copy(
            aug_sh.at[idx_v.at[c]], rows_v.at[slot], sems[slot]).wait()

    for s in range(NBUF):
        fire(s, s)

    def outer(i, _):
        for slot in range(NBUF):
            c = NBUF * i + slot
            wait(c, slot)
            for bg in range(BAGS_PER_CHUNK):
                bag = BAGS_PER_CHUNK * c + bg

                def rbody(r2, acc, _bg=bg, _slot=slot):
                    new = list(acc)
                    for dr in range(2):
                        row = _bg * L + 2 * r2 + dr
                        for g in range(3):
                            w = rows_v[_slot, row, pl.ds(16 * g, 16)]
                            new[2 * g] = new[2 * g] + _bits_to_f32(w << 16)
                            if g < 2:
                                new[2 * g + 1] = (new[2 * g + 1]
                                                  + _bits_to_f32(w & -65536))
                    return tuple(new)

                acc = lax.fori_loop(
                    0, L // 2, rbody,
                    tuple(jnp.zeros((16,), jnp.float32) for _ in range(5)))
                inv = 1.0 / (acc[4] + 1e-8)
                for j in range(D // 16):
                    outs_v[bag % OUT_STAGE, pl.ds(16 * j, 16)] = acc[j] * inv

            @pl.when(c + NBUF < CHUNKS)
            def _(c=c, slot=slot):
                fire(c + NBUF, slot)

            cpb = OUT_STAGE // BAGS_PER_CHUNK

            @pl.when(c % cpb == cpb - 1)
            def _(c=c):
                pltpu.sync_copy(
                    outs_v,
                    out_hbm.at[pl.ds(
                        wid * BAGS_W + (c // cpb) * OUT_STAGE, OUT_STAGE)])

        return 0

    lax.fori_loop(0, CHUNKS // NBUF, outer, 0)


def kernel(topic_ids, table, W1, b1, W2, b2):
    aug = _prep(table, W1, b1, W2, b2)
    ids = topic_ids.astype(jnp.int32).reshape(NW, CHUNKS, CPI)
    return _make_pool()(aug, ids)

# --- scband reference (transcript-rebuilt; emitter-appended) ---
"""Pipeline reference for scband-topic-encoder-29265907155089 (READ-ONLY COPY).

The authoritative reference and input builder live on the scoring server;
editing this copy changes nothing except your own understanding.
"""

import jax, jax.numpy as jnp
import numpy as np

NUM_TOPIC = 18115
TOPIC_EMB_DIM = 64
HIDDEN = TOPIC_EMB_DIM // 2
B, L = 16384, 50


def setup_inputs(seed: int = 0) -> dict:
    key = jax.random.key(seed)
    k1, k2, k3, k4, k5, k6 = jax.random.split(key, 6)
    topic_ids = jax.random.randint(k1, (B, L), 0, NUM_TOPIC, dtype=jnp.int64 if jax.config.jax_enable_x64 else jnp.int32)
    table = jax.random.normal(k2, (NUM_TOPIC, TOPIC_EMB_DIM), dtype=jnp.float32) * 0.02
    lim1 = 1.0 / np.sqrt(TOPIC_EMB_DIM)
    W1 = jax.random.uniform(k3, (HIDDEN, TOPIC_EMB_DIM), minval=-lim1, maxval=lim1, dtype=jnp.float32)
    b1 = jax.random.uniform(k4, (HIDDEN,), minval=-lim1, maxval=lim1, dtype=jnp.float32)
    lim2 = 1.0 / np.sqrt(HIDDEN)
    W2 = jax.random.uniform(k5, (1, HIDDEN), minval=-lim2, maxval=lim2, dtype=jnp.float32)
    b2 = jax.random.uniform(k6, (1,), minval=-lim2, maxval=lim2, dtype=jnp.float32)
    return {"topic_ids": topic_ids, "table": table, "W1": W1, "b1": b1, "W2": W2, "b2": b2}


def reference(topic_ids, table, W1, b1, W2, b2):
    # embedding lookup
    emb = jnp.take(table, topic_ids, axis=0)  # [B, L, D]
    attn_mask = (topic_ids != 0).astype(jnp.float32)  # [B, L]
    # AttentionPooling
    e = jnp.tanh(emb @ W1.T + b1)  # [B, L, H]
    alpha = jnp.exp(e @ W2.T + b2)  # [B, L, 1]
    alpha = alpha * attn_mask[:, :, None]
    alpha = alpha / (jnp.sum(alpha, axis=1, keepdims=True) + 1e-08)
    out = jnp.squeeze(jnp.matmul(jnp.transpose(emb, (0, 2, 1)), alpha), axis=-1)  # [B, D]
    return out

if __name__ == "__main__":
    import jax
    _d = setup_inputs()
    print(jax.jit(kernel)(*tuple(_d.values())))

</pallas_src>

<mosaic_0001>
#map = affine_map<(d0, d1) -> (0, 0)>
#map1 = affine_map<(d0, d1) -> (0, 0, 0)>
module attributes {stable_mosaic.version = 14 : i64} {
  func.func @_pool_body(%arg0: i32, %arg1: i32, %arg2: memref<18176x48xi32, #tpu.memory_space<hbm>>, %arg3: memref<32x256x100xi32, #tpu.memory_space<hbm>>, %arg4: memref<16384x64xf32, #tpu.memory_space<hbm>>, %arg5: memref<256x100xi32, #tpu.memory_space<vmem>>, %arg6: memref<4x100x48xi32, #tpu.memory_space<vmem>>, %arg7: memref<64x64xf32, #tpu.memory_space<vmem>>, %arg8: memref<18176x48xi32, #tpu.memory_space<vmem_shared>>, %arg9: memref<!tpu.dma_semaphore, #tpu.memory_space<semaphore_mem>>, %arg10: memref<!tpu.dma_semaphore, #tpu.memory_space<semaphore_mem>>, %arg11: memref<!tpu.dma_semaphore, #tpu.memory_space<semaphore_mem>>, %arg12: memref<!tpu.dma_semaphore, #tpu.memory_space<semaphore_mem>>) attributes {dimension_semantics = [#tpu.dimension_semantics<core_parallel>, #tpu.dimension_semantics<subcore_parallel>], iteration_bounds = array<i64: 2, 16>, scalar_prefetch = 0 : i64, scratch_operands = 8 : i64, tpu.core_type = #tpu.core_type<sc_vector_subcore>, window_params = [{transform_indices = #map}, {transform_indices = #map1}, {transform_indices = #map}]} {
    %mul3A = arith.constant 2 : i32
    %mul3A_0 = arith.muli %arg1, %mul3A : i32
    %add3A = arith.addi %mul3A_0, %arg0 : i32
    %mul3A_1 = arith.constant 1136 : i32
    %mul3A_2 = arith.muli %arg1, %mul3A_1 : i32
    %mul3A_3 = arith.constant 1136 : i32
    %mul3A_4 = arith.muli %arg1, %mul3A_3 : i32
    "tpu.region"() ({
      %run_scoped3A = tpu.sem_alloc : memref<!tpu.dma_semaphore, #tpu.memory_space<semaphore_mem>>
      %dma_start3A_58 = arith.constant 0 : i32
      %dma_start3A_59 = tpu.memref_slice %arg8[%mul3A_4, %dma_start3A_58] : memref<18176x48xi32, #tpu.memory_space<vmem_shared>> -> memref<1136x48xi32, #tpu.memory_space<vmem_shared>>
      %dma_start3A_60 = arith.constant 0 : i32
      %dma_start3A_61 = tpu.memref_slice %arg2[%mul3A_2, %dma_start3A_60] : memref<18176x48xi32, #tpu.memory_space<hbm>> -> memref<1136x48xi32, #tpu.memory_space<hbm>>
      tpu.enqueue_dma source(%dma_start3A_61 : memref<1136x48xi32, #tpu.memory_space<hbm>>) target(%dma_start3A_59 : memref<1136x48xi32, #tpu.memory_space<vmem_shared>>) target_semaphore(%run_scoped3A : memref<!tpu.dma_semaphore, #tpu.memory_space<semaphore_mem>>)
      %dma_wait3A = arith.constant 0 : i32
      %dma_wait3A_62 = tpu.memref_slice %arg8[%mul3A_4, %dma_wait3A] : memref<18176x48xi32, #tpu.memory_space<vmem_shared>> -> memref<1136x48xi32, #tpu.memory_space<vmem_shared>>
      %dma_wait3A_63 = arith.constant 0 : i32
      %dma_wait3A_64 = tpu.memref_slice %arg2[%mul3A_2, %dma_wait3A_63] : memref<18176x48xi32, #tpu.memory_space<hbm>> -> memref<1136x48xi32, #tpu.memory_space<hbm>>
      tpu.wait_dma2 semaphore(%run_scoped3A : memref<!tpu.dma_semaphore, #tpu.memory_space<semaphore_mem>>) src(%dma_wait3A_64 : memref<1136x48xi32, #tpu.memory_space<hbm>>) dst(%dma_wait3A_62 : memref<1136x48xi32, #tpu.memory_space<vmem_shared>>)
      tpu.yield
    }) : () -> ()
    "tpu.region"() ({
      %run_scoped3A = tpu.sem_alloc : memref<!tpu.dma_semaphore, #tpu.memory_space<semaphore_mem>>
      %dma_start3A_58 = arith.constant 0 : i32
      %dma_start3A_59 = arith.constant 0 : i32
      %dma_start3A_60 = tpu.memref_slice %arg3[%add3A, %dma_start3A_58, %dma_start3A_59] : memref<32x256x100xi32, #tpu.memory_space<hbm>> -> memref<1x256x100xi32, #tpu.memory_space<hbm>>
      %dma_start3A_61 = tpu.memref_squeeze %dma_start3A_60 : memref<1x256x100xi32, #tpu.memory_space<hbm>> -> memref<256x100xi32, #tpu.memory_space<hbm>>
      %dma_start3A_62 = arith.constant 0 : i32
      %dma_start3A_63 = arith.constant 0 : i32
      %dma_start3A_64 = tpu.memref_slice %arg3[%add3A, %dma_start3A_62, %dma_start3A_63] : memref<32x256x100xi32, #tpu.memory_space<hbm>> -> memref<1x256x100xi32, #tpu.memory_space<hbm>>
      %dma_start3A_65 = tpu.memref_squeeze %dma_start3A_64 : memref<1x256x100xi32, #tpu.memory_space<hbm>> -> memref<256x100xi32, #tpu.memory_space<hbm>>
      tpu.enqueue_dma source(%dma_start3A_65 : memref<256x100xi32, #tpu.memory_space<hbm>>) target(%arg5 : memref<256x100xi32, #tpu.memory_space<vmem>>) target_semaphore(%run_scoped3A : memref<!tpu.dma_semaphore, #tpu.memory_space<semaphore_mem>>)
      %dma_wait3A = arith.constant 0 : i32
      %dma_wait3A_66 = arith.constant 0 : i32
      %dma_wait3A_67 = tpu.memref_slice %arg3[%add3A, %dma_wait3A, %dma_wait3A_66] : memref<32x256x100xi32, #tpu.memory_space<hbm>> -> memref<1x256x100xi32, #tpu.memory_space<hbm>>
      %dma_wait3A_68 = tpu.memref_squeeze %dma_wait3A_67 : memref<1x256x100xi32, #tpu.memory_space<hbm>> -> memref<256x100xi32, #tpu.memory_space<hbm>>
      %dma_wait3A_69 = arith.constant 0 : i32
      %dma_wait3A_70 = arith.constant 0 : i32
      %dma_wait3A_71 = tpu.memref_slice %arg3[%add3A, %dma_wait3A_69, %dma_wait3A_70] : memref<32x256x100xi32, #tpu.memory_space<hbm>> -> memref<1x256x100xi32, #tpu.memory_space<hbm>>
      %dma_wait3A_72 = tpu.memref_squeeze %dma_wait3A_71 : memref<1x256x100xi32, #tpu.memory_space<hbm>> -> memref<256x100xi32, #tpu.memory_space<hbm>>
      tpu.wait_dma2 semaphore(%run_scoped3A : memref<!tpu.dma_semaphore, #tpu.memory_space<semaphore_mem>>) src(%dma_wait3A_72 : memref<256x100xi32, #tpu.memory_space<hbm>>) dst(%arg5 : memref<256x100xi32, #tpu.memory_space<vmem>>)
      tpu.yield
    }) : () -> ()
    %barrier3A = arith.constant 0 : index
    tpu.barrier barrier_id(%barrier3A)
    %dma_start3A = arith.constant 0 : i32
    %dma_start3A_5 = arith.constant 0 : i32
    %dma_start3A_6 = arith.constant 0 : i32
    %dma_start3A_7 = arith.constant 0 : i32
    %dma_start3A_8 = tpu.memref_slice %arg6[%dma_start3A_5, %dma_start3A_6, %dma_start3A_7] : memref<4x100x48xi32, #tpu.memory_space<vmem>> -> memref<1x100x48xi32, #tpu.memory_space<vmem>>
    %dma_start3A_9 = tpu.memref_squeeze %dma_start3A_8 : memref<1x100x48xi32, #tpu.memory_space<vmem>> -> memref<100x48xi32, #tpu.memory_space<vmem>>
    %dma_start3A_10 = arith.constant 0 : i32
    %dma_start3A_11 = tpu.memref_slice %arg5[%dma_start3A, %dma_start3A_10] : memref<256x100xi32, #tpu.memory_space<vmem>> -> memref<1x100xi32, #tpu.memory_space<vmem>>
    %dma_start3A_12 = tpu.memref_squeeze %dma_start3A_11 : memref<1x100xi32, #tpu.memory_space<vmem>> -> memref<100xi32, #tpu.memory_space<vmem>>
    %dma_start3A_13 = arith.constant 0 : i32
    %dma_start3A_14 = arith.constant 0 : i32
    %dma_start3A_15 = tpu.memref_slice %arg8[%dma_start3A_13, %dma_start3A_14] : memref<18176x48xi32, #tpu.memory_space<vmem_shared>> -> memref<18176x48xi32, #tpu.memory_space<vmem_shared>>
    tpu.enqueue_indirect_dma source(%dma_start3A_15 : memref<18176x48xi32, #tpu.memory_space<vmem_shared>>) target(%dma_start3A_9 : memref<100x48xi32, #tpu.memory_space<vmem>>) offsets(%dma_start3A_12 : memref<100xi32, #tpu.memory_space<vmem>>) semaphore(%arg9 : memref<!tpu.dma_semaphore, #tpu.memory_space<semaphore_mem>>)
    %dma_start3A_16 = arith.constant 1 : i32
    %dma_start3A_17 = arith.constant 1 : i32
    %dma_start3A_18 = arith.constant 0 : i32
    %dma_start3A_19 = arith.constant 0 : i32
    %dma_start3A_20 = tpu.memref_slice %arg6[%dma_start3A_17, %dma_start3A_18, %dma_start3A_19] : memref<4x100x48xi32, #tpu.memory_space<vmem>> -> memref<1x100x48xi32, #tpu.memory_space<vmem>>
    %dma_start3A_21 = tpu.memref_squeeze %dma_start3A_20 : memref<1x100x48xi32, #tpu.memory_space<vmem>> -> memref<100x48xi32, #tpu.memory_space<vmem>>
    %dma_start3A_22 = arith.constant 0 : i32
    %dma_start3A_23 = tpu.memref_slice %arg5[%dma_start3A_16, %dma_start3A_22] : memref<256x100xi32, #tpu.memory_space<vmem>> -> memref<1x100xi32, #tpu.memory_space<vmem>>
    %dma_start3A_24 = tpu.memref_squeeze %dma_start3A_23 : memref<1x100xi32, #tpu.memory_space<vmem>> -> memref<100xi32, #tpu.memory_space<vmem>>
    %dma_start3A_25 = arith.constant 0 : i32
    %dma_start3A_26 = arith.constant 0 : i32
    %dma_start3A_27 = tpu.memref_slice %arg8[%dma_start3A_25, %dma_start3A_26] : memref<18176x48xi32, #tpu.memory_space<vmem_shared>> -> memref<18176x48xi32, #tpu.memory_space<vmem_shared>>
    tpu.enqueue_indirect_dma source(%dma_start3A_27 : memref<18176x48xi32, #tpu.memory_space<vmem_shared>>) target(%dma_start3A_21 : memref<100x48xi32, #tpu.memory_space<vmem>>) offsets(%dma_start3A_24 : memref<100xi32, #tpu.memory_space<vmem>>) semaphore(%arg10 : memref<!tpu.dma_semaphore, #tpu.memory_space<semaphore_mem>>)
    %dma_start3A_28 = arith.constant 2 : i32
    %dma_start3A_29 = arith.constant 2 : i32
    %dma_start3A_30 = arith.constant 0 : i32
    %dma_start3A_31 = arith.constant 0 : i32
    %dma_start3A_32 = tpu.memref_slice %arg6[%dma_start3A_29, %dma_start3A_30, %dma_start3A_31] : memref<4x100x48xi32, #tpu.memory_space<vmem>> -> memref<1x100x48xi32, #tpu.memory_space<vmem>>
    %dma_start3A_33 = tpu.memref_squeeze %dma_start3A_32 : memref<1x100x48xi32, #tpu.memory_space<vmem>> -> memref<100x48xi32, #tpu.memory_space<vmem>>
    %dma_start3A_34 = arith.constant 0 : i32
    %dma_start3A_35 = tpu.memref_slice %arg5[%dma_start3A_28, %dma_start3A_34] : memref<256x100xi32, #tpu.memory_space<vmem>> -> memref<1x100xi32, #tpu.memory_space<vmem>>
    %dma_start3A_36 = tpu.memref_squeeze %dma_start3A_35 : memref<1x100xi32, #tpu.memory_space<vmem>> -> memref<100xi32, #tpu.memory_space<vmem>>
    %dma_start3A_37 = arith.constant 0 : i32
    %dma_start3A_38 = arith.constant 0 : i32
    %dma_start3A_39 = tpu.memref_slice %arg8[%dma_start3A_37, %dma_start3A_38] : memref<18176x48xi32, #tpu.memory_space<vmem_shared>> -> memref<18176x48xi32, #tpu.memory_space<vmem_shared>>
    tpu.enqueue_indirect_dma source(%dma_start3A_39 : memref<18176x48xi32, #tpu.memory_space<vmem_shared>>) target(%dma_start3A_33 : memref<100x48xi32, #tpu.memory_space<vmem>>) offsets(%dma_start3A_36 : memref<100xi32, #tpu.memory_space<vmem>>) semaphore(%arg11 : memref<!tpu.dma_semaphore, #tpu.memory_space<semaphore_mem>>)
    %dma_start3A_40 = arith.constant 3 : i32
    %dma_start3A_41 = arith.constant 3 : i32
    %dma_start3A_42 = arith.constant 0 : i32
    %dma_start3A_43 = arith.constant 0 : i32
    %dma_start3A_44 = tpu.memref_slice %arg6[%dma_start3A_41, %dma_start3A_42, %dma_start3A_43] : memref<4x100x48xi32, #tpu.memory_space<vmem>> -> memref<1x100x48xi32, #tpu.memory_space<vmem>>
    %dma_start3A_45 = tpu.memref_squeeze %dma_start3A_44 : memref<1x100x48xi32, #tpu.memory_space<vmem>> -> memref<100x48xi32, #tpu.memory_space<vmem>>
    %dma_start3A_46 = arith.constant 0 : i32
    %dma_start3A_47 = tpu.memref_slice %arg5[%dma_start3A_40, %dma_start3A_46] : memref<256x100xi32, #tpu.memory_space<vmem>> -> memref<1x100xi32, #tpu.memory_space<vmem>>
    %dma_start3A_48 = tpu.memref_squeeze %dma_start3A_47 : memref<1x100xi32, #tpu.memory_space<vmem>> -> memref<100xi32, #tpu.memory_space<vmem>>
    %dma_start3A_49 = arith.constant 0 : i32
    %dma_start3A_50 = arith.constant 0 : i32
    %dma_start3A_51 = tpu.memref_slice %arg8[%dma_start3A_49, %dma_start3A_50] : memref<18176x48xi32, #tpu.memory_space<vmem_shared>> -> memref<18176x48xi32, #tpu.memory_space<vmem_shared>>
    tpu.enqueue_indirect_dma source(%dma_start3A_51 : memref<18176x48xi32, #tpu.memory_space<vmem_shared>>) target(%dma_start3A_45 : memref<100x48xi32, #tpu.memory_space<vmem>>) offsets(%dma_start3A_48 : memref<100xi32, #tpu.memory_space<vmem>>) semaphore(%arg12 : memref<!tpu.dma_semaphore, #tpu.memory_space<semaphore_mem>>)
    %scan3A = arith.constant 0 : i32
    %scan3A_52 = arith.constant 0 : i32
    %scan3A_53 = arith.constant 64 : i32
    %scan3A_54 = arith.addi %scan3A_52, %scan3A_53 : i32
    %scan3A_55 = arith.constant 1 : i32
    %scan3A_56 = scf.for %scan3A_58 = %scan3A_52 to %scan3A_54 step %scan3A_55 iter_args(%scan3A_59 = %scan3A) -> (i32)  : i32 {
      %mul3A_60 = arith.constant 4 : i32
      %mul3A_61 = arith.muli %mul3A_60, %scan3A_58 : i32
      %add3A_62 = arith.constant 0 : i32
      %add3A_63 = arith.addi %mul3A_61, %add3A_62 : i32
      %dma_wait3A = arith.constant 0 : i32
      %dma_wait3A_64 = arith.constant 0 : i32
      %dma_wait3A_65 = arith.constant 0 : i32
      %dma_wait3A_66 = tpu.memref_slice %arg6[%dma_wait3A, %dma_wait3A_64, %dma_wait3A_65] : memref<4x100x48xi32, #tpu.memory_space<vmem>> -> memref<1x100x48xi32, #tpu.memory_space<vmem>>
      %dma_wait3A_67 = tpu.memref_squeeze %dma_wait3A_66 : memref<1x100x48xi32, #tpu.memory_space<vmem>> -> memref<100x48xi32, #tpu.memory_space<vmem>>
      %dma_wait3A_68 = arith.constant 0 : i32
      %dma_wait3A_69 = tpu.memref_slice %arg5[%add3A_63, %dma_wait3A_68] : memref<256x100xi32, #tpu.memory_space<vmem>> -> memref<1x100xi32, #tpu.memory_space<vmem>>
      %dma_wait3A_70 = tpu.memref_squeeze %dma_wait3A_69 : memref<1x100xi32, #tpu.memory_space<vmem>> -> memref<100xi32, #tpu.memory_space<vmem>>
      %dma_wait3A_71 = arith.constant 0 : i32
      %dma_wait3A_72 = arith.constant 0 : i32
      %dma_wait3A_73 = tpu.memref_slice %arg8[%dma_wait3A_71, %dma_wait3A_72] : memref<18176x48xi32, #tpu.memory_space<vmem_shared>> -> memref<18176x48xi32, #tpu.memory_space<vmem_shared>>
      tpu.wait_indirect_dma semaphore(%arg9 : memref<!tpu.dma_semaphore, #tpu.memory_space<semaphore_mem>>) src(%dma_wait3A_73 : memref<18176x48xi32, #tpu.memory_space<vmem_shared>>) dst(%dma_wait3A_67 : memref<100x48xi32, #tpu.memory_space<vmem>>)
      %mul3A_74 = arith.constant 2 : i32
      %mul3A_75 = arith.muli %mul3A_74, %add3A_63 : i32
      %add3A_76 = arith.constant 0 : i32
      %add3A_77 = arith.addi %mul3A_75, %add3A_76 : i32
      %broadcast_in_dim3A = arith.constant 0.000000e+00 : f32
      %broadcast_in_dim3A_78 = vector.broadcast %broadcast_in_dim3A : f32 to vector<16xf32>
      %broadcast_in_dim3A_79 = arith.constant 0.000000e+00 : f32
      %broadcast_in_dim3A_80 = vector.broadcast %broadcast_in_dim3A_79 : f32 to vector<16xf32>
      %broadcast_in_dim3A_81 = arith.constant 0.000000e+00 : f32
      %broadcast_in_dim3A_82 = vector.broadcast %broadcast_in_dim3A_81 : f32 to vector<16xf32>
      %broadcast_in_dim3A_83 = arith.constant 0.000000e+00 : f32
      %broadcast_in_dim3A_84 = vector.broadcast %broadcast_in_dim3A_83 : f32 to vector<16xf32>
      %broadcast_in_dim3A_85 = arith.constant 0.000000e+00 : f32
      %broadcast_in_dim3A_86 = vector.broadcast %broadcast_in_dim3A_85 : f32 to vector<16xf32>
      %scan3A_87 = arith.constant 0 : i32
      %scan3A_88 = arith.constant 25 : i32
      %scan3A_89 = arith.addi %scan3A_87, %scan3A_88 : i32
      %scan3A_90 = arith.constant 1 : i32
      %scan3A_91:5 = scf.for %scan3A_1132 = %scan3A_87 to %scan3A_89 step %scan3A_90 iter_args(%scan3A_1133 = %broadcast_in_dim3A_78, %scan3A_1134 = %broadcast_in_dim3A_80, %scan3A_1135 = %broadcast_in_dim3A_82, %scan3A_1136 = %broadcast_in_dim3A_84, %scan3A_1137 = %broadcast_in_dim3A_86) -> (vector<16xf32>, vector<16xf32>, vector<16xf32>, vector<16xf32>, vector<16xf32>)  : i32 {
        %mul3A_1138 = arith.constant 2 : i32
        %mul3A_1139 = arith.muli %mul3A_1138, %scan3A_1132 : i32
        %add3A_1140 = arith.constant 0 : i32
        %add3A_1141 = arith.addi %add3A_1140, %mul3A_1139 : i32
        %add3A_1142 = arith.constant 0 : i32
        %add3A_1143 = arith.addi %add3A_1141, %add3A_1142 : i32
        %get3A = arith.constant 0 : i32
        %get3A_1144 = arith.index_cast %get3A : i32 to index
        %get3A_1145 = arith.index_cast %add3A_1143 : i32 to index
        %get3A_1146 = arith.constant 0 : index
        %get3A_1147 = tpu.vector_load %arg6[%get3A_1144, %get3A_1145, %get3A_1146] {strides = array<i32>} : memref<4x100x48xi32, #tpu.memory_space<vmem>>, vector<1x1x16xi32>,
        %get3A_1148 = vector.shape_cast %get3A_1147 : vector<1x1x16xi32> to vector<16xi32>
        %shift_left3A = arith.constant 16 : i32
        %shift_left3A_1149 = vector.broadcast %shift_left3A : i32 to vector<16xi32>
        %shift_left3A_1150 = arith.shli %get3A_1148, %shift_left3A_1149 : vector<16xi32>
        %bitcast_convert_type3A = tpu.bitcast %shift_left3A_1150 : vector<16xi32> -> vector<16xf32>
        %add3A_1151 = arith.addf %scan3A_1133, %bitcast_convert_type3A : vector<16xf32>
        %and3A_1152 = arith.constant -65536 : i32
        %and3A_1153 = vector.broadcast %and3A_1152 : i32 to vector<16xi32>
        %and3A_1154 = arith.andi %get3A_1148, %and3A_1153 : vector<16xi32>
        %bitcast_convert_type3A_1155 = tpu.bitcast %and3A_1154 : vector<16xi32> -> vector<16xf32>
        %add3A_1156 = arith.addf %scan3A_1134, %bitcast_convert_type3A_1155 : vector<16xf32>
        %get3A_1157 = arith.constant 0 : i32
        %get3A_1158 = arith.index_cast %get3A_1157 : i32 to index
        %get3A_1159 = arith.index_cast %add3A_1143 : i32 to index
        %get3A_1160 = arith.constant 16 : index
        %get3A_1161 = tpu.vector_load %arg6[%get3A_1158, %get3A_1159, %get3A_1160] {strides = array<i32>} : memref<4x100x48xi32, #tpu.memory_space<vmem>>, vector<1x1x16xi32>,
        %get3A_1162 = vector.shape_cast %get3A_1161 : vector<1x1x16xi32> to vector<16xi32>
        %shift_left3A_1163 = arith.constant 16 : i32
        %shift_left3A_1164 = vector.broadcast %shift_left3A_1163 : i32 to vector<16xi32>
        %shift_left3A_1165 = arith.shli %get3A_1162, %shift_left3A_1164 : vector<16xi32>
        %bitcast_convert_type3A_1166 = tpu.bitcast %shift_left3A_1165 : vector<16xi32> -> vector<16xf32>
        %add3A_1167 = arith.addf %scan3A_1135, %bitcast_convert_type3A_1166 : vector<16xf32>
        %and3A_1168 = arith.constant -65536 : i32
        %and3A_1169 = vector.broadcast %and3A_1168 : i32 to vector<16xi32>
        %and3A_1170 = arith.andi %get3A_1162, %and3A_1169 : vector<16xi32>
        %bitcast_convert_type3A_1171 = tpu.bitcast %and3A_1170 : vector<16xi32> -> vector<16xf32>
        %add3A_1172 = arith.addf %scan3A_1136, %bitcast_convert_type3A_1171 : vector<16xf32>
        %get3A_1173 = arith.constant 0 : i32
        %get3A_1174 = arith.index_cast %get3A_1173 : i32 to index
        %get3A_1175 = arith.index_cast %add3A_1143 : i32 to index
        %get3A_1176 = arith.constant 32 : index
        %get3A_1177 = tpu.vector_load %arg6[%get3A_1174, %get3A_1175, %get3A_1176] {strides = array<i32>} : memref<4x100x48xi32, #tpu.memory_space<vmem>>, vector<1x1x16xi32>,
        %get3A_1178 = vector.shape_cast %get3A_1177 : vector<1x1x16xi32> to vector<16xi32>
        %shift_left3A_1179 = arith.constant 16 : i32
        %shift_left3A_1180 = vector.broadcast %shift_left3A_1179 : i32 to vector<16xi32>
        %shift_left3A_1181 = arith.shli %get3A_1178, %shift_left3A_1180 : vector<16xi32>
        %bitcast_convert_type3A_1182 = tpu.bitcast %shift_left3A_1181 : vector<16xi32> -> vector<16xf32>
        %add3A_1183 = arith.addf %scan3A_1137, %bitcast_convert_type3A_1182 : vector<16xf32>
        %mul3A_1184 = arith.constant 2 : i32
        %mul3A_1185 = arith.muli %mul3A_1184, %scan3A_1132 : i32
        %add3A_1186 = arith.constant 0 : i32
        %add3A_1187 = arith.addi %add3A_1186, %mul3A_1185 : i32
        %add3A_1188 = arith.constant 1 : i32
        %add3A_1189 = arith.addi %add3A_1187, %add3A_1188 : i32
        %get3A_1190 = arith.constant 0 : i32
        %get3A_1191 = arith.index_cast %get3A_1190 : i32 to index
        %get3A_1192 = arith.index_cast %add3A_1189 : i32 to index
        %get3A_1193 = arith.constant 0 : index
        %get3A_1194 = tpu.vector_load %arg6[%get3A_1191, %get3A_1192, %get3A_1193] {strides = array<i32>} : memref<4x100x48xi32, #tpu.memory_space<vmem>>, vector<1x1x16xi32>,
        %get3A_1195 = vector.shape_cast %get3A_1194 : vector<1x1x16xi32> to vector<16xi32>
        %shift_left3A_1196 = arith.constant 16 : i32
        %shift_left3A_1197 = vector.broadcast %shift_left3A_1196 : i32 to vector<16xi32>
        %shift_left3A_1198 = arith.shli %get3A_1195, %shift_left3A_1197 : vector<16xi32>
        %bitcast_convert_type3A_1199 = tpu.bitcast %shift_left3A_1198 : vector<16xi32> -> vector<16xf32>
        %add3A_1200 = arith.addf %add3A_1151, %bitcast_convert_type3A_1199 : vector<16xf32>
        %and3A_1201 = arith.constant -65536 : i32
        %and3A_1202 = vector.broadcast %and3A_1201 : i32 to vector<16xi32>
        %and3A_1203 = arith.andi %get3A_1195, %and3A_1202 : vector<16xi32>
        %bitcast_convert_type3A_1204 = tpu.bitcast %and3A_1203 : vector<16xi32> -> vector<16xf32>
        %add3A_1205 = arith.addf %add3A_1156, %bitcast_convert_type3A_1204 : vector<16xf32>
        %get3A_1206 = arith.constant 0 : i32
        %get3A_1207 = arith.index_cast %get3A_1206 : i32 to index
        %get3A_1208 = arith.index_cast %add3A_1189 : i32 to index
        %get3A_1209 = arith.constant 16 : index
        %get3A_1210 = tpu.vector_load %arg6[%get3A_1207, %get3A_1208, %get3A_1209] {strides = array<i32>} : memref<4x100x48xi32, #tpu.memory_space<vmem>>, vector<1x1x16xi32>,
        %get3A_1211 = vector.shape_cast %get3A_1210 : vector<1x1x16xi32> to vector<16xi32>
        %shift_left3A_1212 = arith.constant 16 : i32
        %shift_left3A_1213 = vector.broadcast %shift_left3A_1212 : i32 to vector<16xi32>
        %shift_left3A_1214 = arith.shli %get3A_1211, %shift_left3A_1213 : vector<16xi32>
        %bitcast_convert_type3A_1215 = tpu.bitcast %shift_left3A_1214 : vector<16xi32> -> vector<16xf32>
        %add3A_1216 = arith.addf %add3A_1167, %bitcast_convert_type3A_1215 : vector<16xf32>
        %and3A_1217 = arith.constant -65536 : i32
        %and3A_1218 = vector.broadcast %and3A_1217 : i32 to vector<16xi32>
        %and3A_1219 = arith.andi %get3A_1211, %and3A_1218 : vector<16xi32>
        %bitcast_convert_type3A_1220 = tpu.bitcast %and3A_1219 : vector<16xi32> -> vector<16xf32>
        %add3A_1221 = arith.addf %add3A_1172, %bitcast_convert_type3A_1220 : vector<16xf32>
        %get3A_1222 = arith.constant 0 : i32
        %get3A_1223 = arith.index_cast %get3A_1222 : i32 to index
        %get3A_1224 = arith.index_cast %add3A_1189 : i32 to index
        %get3A_1225 = arith.constant 32 : index
        %get3A_1226 = tpu.vector_load %arg6[%get3A_1223, %get3A_1224, %get3A_1225] {strides = array<i32>} : memref<4x100x48xi32, #tpu.memory_space<vmem>>, vector<1x1x16xi32>,
        %get3A_1227 = vector.shape_cast %get3A_1226 : vector<1x1x16xi32> to vector<16xi32>
        %shift_left3A_1228 = arith.constant 16 : i32
        %shift_left3A_1229 = vector.broadcast %shift_left3A_1228 : i32 to vector<16xi32>
        %shift_left3A_1230 = arith.shli %get3A_1227, %shift_left3A_1229 : vector<16xi32>
        %bitcast_convert_type3A_1231 = tpu.bitcast %shift_left3A_1230 : vector<16xi32> -> vector<16xf32>
        %add3A_1232 = arith.addf %add3A_1183, %bitcast_convert_type3A_1231 : vector<16xf32>
        scf.yield %add3A_1200, %add3A_1205, %add3A_1216, %add3A_1221, %add3A_1232 : vector<16xf32>, vector<16xf32>, vector<16xf32>, vector<16xf32>, vector<16xf32>
      }
      %scan3A_92 = arith.constant 25 : i32
      %add3A_93 = arith.constant 9.99999993E-9 : f32
      %add3A_94 = vector.broadcast %add3A_93 : f32 to vector<16xf32>
      %add3A_95 = arith.addf %scan3A_91#4, %add3A_94 : vector<16xf32>
      %div3A = arith.constant 1.000000e+00 : f32
      %div3A_96 = vector.broadcast %div3A : f32 to vector<16xf32>
      %div3A_97 = arith.divf %div3A_96, %add3A_95 : vector<16xf32>
      %mul3A_98 = arith.mulf %scan3A_91#0, %div3A_97 : vector<16xf32>
      %jit3A = arith.constant 64 : i32
      %eq3A = arith.constant 0 : i32
      %eq3A_99 = arith.cmpi eq, %jit3A, %eq3A : i32
      %jit3A_100 = arith.constant 1 : i32
      %select_n3A = arith.select %eq3A_99, %jit3A_100, %jit3A : i32
      %rem3A = arith.remsi %add3A_77, %select_n3A : i32
      %ne3A = arith.constant 0 : i32
      %ne3A_101 = arith.cmpi ne, %rem3A, %ne3A : i32
      %lt3A = arith.constant 0 : i32
      %lt3A_102 = arith.cmpi slt, %rem3A, %lt3A : i32
      %lt3A_103 = arith.constant 0 : i32
      %lt3A_104 = arith.cmpi slt, %select_n3A, %lt3A_103 : i32
      %ne3A_105 = arith.xori %lt3A_102, %lt3A_104 : i1
      %and3A = arith.andi %ne3A_105, %ne3A_101 : i1
      %add3A_106 = arith.addi %rem3A, %select_n3A : i32
      %select_n3A_107 = arith.select %and3A, %add3A_106, %rem3A : i32
      %swap3A = arith.index_cast %select_n3A_107 : i32 to index
      %swap3A_108 = arith.constant 0 : index
      %swap3A_109 = tpu.vector_load %arg7[%swap3A, %swap3A_108] {strides = array<i32>} : memref<64x64xf32, #tpu.memory_space<vmem>>, vector<1x16xf32>,
      %swap3A_110 = vector.shape_cast %swap3A_109 : vector<1x16xf32> to vector<16xf32>
      %swap3A_111 = vector.shape_cast %mul3A_98 : vector<16xf32> to vector<1x16xf32>
      tpu.vector_store %arg7[%swap3A, %swap3A_108], %swap3A_111 {strides = array<i32>} : memref<64x64xf32, #tpu.memory_space<vmem>>, vector<1x16xf32>,
      %mul3A_112 = arith.mulf %scan3A_91#1, %div3A_97 : vector<16xf32>
      %jit3A_113 = arith.constant 64 : i32
      %eq3A_114 = arith.constant 0 : i32
      %eq3A_115 = arith.cmpi eq, %jit3A_113, %eq3A_114 : i32
      %jit3A_116 = arith.constant 1 : i32
      %select_n3A_117 = arith.select %eq3A_115, %jit3A_116, %jit3A_113 : i32
      %rem3A_118 = arith.remsi %add3A_77, %select_n3A_117 : i32
      %ne3A_119 = arith.constant 0 : i32
      %ne3A_120 = arith.cmpi ne, %rem3A_118, %ne3A_119 : i32
      %lt3A_121 = arith.constant 0 : i32
      %lt3A_122 = arith.cmpi slt, %rem3A_118, %lt3A_121 : i32
      %lt3A_123 = arith.constant 0 : i32
      %lt3A_124 = arith.cmpi slt, %select_n3A_117, %lt3A_123 : i32
      %ne3A_125 = arith.xori %lt3A_122, %lt3A_124 : i1
      %and3A_126 = arith.andi %ne3A_125, %ne3A_120 : i1
      %add3A_127 = arith.addi %rem3A_118, %select_n3A_117 : i32
      %select_n3A_128 = arith.select %and3A_126, %add3A_127, %rem3A_118 : i32
      %swap3A_129 = arith.index_cast %select_n3A_128 : i32 to index
      %swap3A_130 = arith.constant 16 : index
      %swap3A_131 = tpu.vector_load %arg7[%swap3A_129, %swap3A_130] {strides = array<i32>} : memref<64x64xf32, #tpu.memory_space<vmem>>, vector<1x16xf32>,
      %swap3A_132 = vector.shape_cast %swap3A_131 : vector<1x16xf32> to vector<16xf32>
      %swap3A_133 = vector.shape_cast %mul3A_112 : vector<16xf32> to vector<1x16xf32>
      tpu.vector_store %arg7[%swap3A_129, %swap3A_130], %swap3A_133 {strides = array<i32>} : memref<64x64xf32, #tpu.memory_space<vmem>>, vector<1x16xf32>,
      %mul3A_134 = arith.mulf %scan3A_91#2, %div3A_97 : vector<16xf32>
      %jit3A_135 = arith.constant 64 : i32
      %eq3A_136 = arith.constant 0 : i32
      %eq3A_137 = arith.cmpi eq, %jit3A_135, %eq3A_136 : i32
      %jit3A_138 = arith.constant 1 : i32
      %select_n3A_139 = arith.select %eq3A_137, %jit3A_138, %jit3A_135 : i32
      %rem3A_140 = arith.remsi %add3A_77, %select_n3A_139 : i32
      %ne3A_141 = arith.constant 0 : i32
      %ne3A_142 = arith.cmpi ne, %rem3A_140, %ne3A_141 : i32
      %lt3A_143 = arith.constant 0 : i32
      %lt3A_144 = arith.cmpi slt, %rem3A_140, %lt3A_143 : i32
      %lt3A_145 = arith.constant 0 : i32
      %lt3A_146 = arith.cmpi slt, %select_n3A_139, %lt3A_145 : i32
      %ne3A_147 = arith.xori %lt3A_144, %lt3A_146 : i1
      %and3A_148 = arith.andi %ne3A_147, %ne3A_142 : i1
      %add3A_149 = arith.addi %rem3A_140, %select_n3A_139 : i32
      %select_n3A_150 = arith.select %and3A_148, %add3A_149, %rem3A_140 : i32
      %swap3A_151 = arith.index_cast %select_n3A_150 : i32 to index
      %swap3A_152 = arith.constant 32 : index
      %swap3A_153 = tpu.vector_load %arg7[%swap3A_151, %swap3A_152] {strides = array<i32>} : memref<64x64xf32, #tpu.memory_space<vmem>>, vector<1x16xf32>,
      %swap3A_154 = vector.shape_cast %swap3A_153 : vector<1x16xf32> to vector<16xf32>
      %swap3A_155 = vector.shape_cast %mul3A_134 : vector<16xf32> to vector<1x16xf32>
      tpu.vector_store %arg7[%swap3A_151, %swap3A_152], %swap3A_155 {strides = array<i32>} : memref<64x64xf32, #tpu.memory_space<vmem>>, vector<1x16xf32>,
      %mul3A_156 = arith.mulf %scan3A_91#3, %div3A_97 : vector<16xf32>
      %jit3A_157 = arith.constant 64 : i32
      %eq3A_158 = arith.constant 0 : i32
      %eq3A_159 = arith.cmpi eq, %jit3A_157, %eq3A_158 : i32
      %jit3A_160 = arith.constant 1 : i32
      %select_n3A_161 = arith.select %eq3A_159, %jit3A_160, %jit3A_157 : i32
      %rem3A_162 = arith.remsi %add3A_77, %select_n3A_161 : i32
      %ne3A_163 = arith.constant 0 : i32
      %ne3A_164 = arith.cmpi ne, %rem3A_162, %ne3A_163 : i32
      %lt3A_165 = arith.constant 0 : i32
      %lt3A_166 = arith.cmpi slt, %rem3A_162, %lt3A_165 : i32
      %lt3A_167 = arith.constant 0 : i32
      %lt3A_168 = arith.cmpi slt, %select_n3A_161, %lt3A_167 : i32
      %ne3A_169 = arith.xori %lt3A_166, %lt3A_168 : i1
      %and3A_170 = arith.andi %ne3A_169, %ne3A_164 : i1
      %add3A_171 = arith.addi %rem3A_162, %select_n3A_161 : i32
      %select_n3A_172 = arith.select %and3A_170, %add3A_171, %rem3A_162 : i32
      %swap3A_173 = arith.index_cast %select_n3A_172 : i32 to index
      %swap3A_174 = arith.constant 48 : index
      %swap3A_175 = tpu.vector_load %arg7[%swap3A_173, %swap3A_174] {strides = array<i32>} : memref<64x64xf32, #tpu.memory_space<vmem>>, vector<1x16xf32>,
      %swap3A_176 = vector.shape_cast %swap3A_175 : vector<1x16xf32> to vector<16xf32>
      %swap3A_177 = vector.shape_cast %mul3A_156 : vector<16xf32> to vector<1x16xf32>
      tpu.vector_store %arg7[%swap3A_173, %swap3A_174], %swap3A_177 {strides = array<i32>} : memref<64x64xf32, #tpu.memory_space<vmem>>, vector<1x16xf32>,
      %mul3A_178 = arith.constant 2 : i32
      %mul3A_179 = arith.muli %mul3A_178, %add3A_63 : i32
      %add3A_180 = arith.constant 1 : i32
      %add3A_181 = arith.addi %mul3A_179, %add3A_180 : i32
      %broadcast_in_dim3A_182 = arith.constant 0.000000e+00 : f32
      %broadcast_in_dim3A_183 = vector.broadcast %broadcast_in_dim3A_182 : f32 to vector<16xf32>
      %broadcast_in_dim3A_184 = arith.constant 0.000000e+00 : f32
      %broadcast_in_dim3A_185 = vector.broadcast %broadcast_in_dim3A_184 : f32 to vector<16xf32>
      %broadcast_in_dim3A_186 = arith.constant 0.000000e+00 : f32
      %broadcast_in_dim3A_187 = vector.broadcast %broadcast_in_dim3A_186 : f32 to vector<16xf32>
      %broadcast_in_dim3A_188 = arith.constant 0.000000e+00 : f32
      %broadcast_in_dim3A_189 = vector.broadcast %broadcast_in_dim3A_188 : f32 to vector<16xf32>
      %broadcast_in_dim3A_190 = arith.constant 0.000000e+00 : f32
      %broadcast_in_dim3A_191 = vector.broadcast %broadcast_in_dim3A_190 : f32 to vector<16xf32>
      %scan3A_192 = arith.constant 0 : i32
      %scan3A_193 = arith.constant 25 : i32
      %scan3A_194 = arith.addi %scan3A_192, %scan3A_193 : i32
      %scan3A_195 = arith.constant 1 : i32
      %scan3A_196:5 = scf.for %scan3A_1132 = %scan3A_192 to %scan3A_194 step %scan3A_195 iter_args(%scan3A_1133 = %broadcast_in_dim3A_183, %scan3A_1134 = %broadcast_in_dim3A_185, %scan3A_1135 = %broadcast_in_dim3A_187, %scan3A_1136 = %broadcast_in_dim3A_189, %scan3A_1137 = %broadcast_in_dim3A_191) -> (vector<16xf32>, vector<16xf32>, vector<16xf32>, vector<16xf32>, vector<16xf32>)  : i32 {
        %mul3A_1138 = arith.constant 2 : i32
        %mul3A_1139 = arith.muli %mul3A_1138, %scan3A_1132 : i32
        %add3A_1140 = arith.constant 50 : i32
        %add3A_1141 = arith.addi %add3A_1140, %mul3A_1139 : i32
        %add3A_1142 = arith.constant 0 : i32
        %add3A_1143 = arith.addi %add3A_1141, %add3A_1142 : i32
        %get3A = arith.constant 0 : i32
        %get3A_1144 = arith.index_cast %get3A : i32 to index
        %get3A_1145 = arith.index_cast %add3A_1143 : i32 to index
        %get3A_1146 = arith.constant 0 : index
        %get3A_1147 = tpu.vector_load %arg6[%get3A_1144, %get3A_1145, %get3A_1146] {strides = array<i32>} : memref<4x100x48xi32, #tpu.memory_space<vmem>>, vector<1x1x16xi32>,
        %get3A_1148 = vector.shape_cast %get3A_1147 : vector<1x1x16xi32> to vector<16xi32>
        %shift_left3A = arith.constant 16 : i32
        %shift_left3A_1149 = vector.broadcast %shift_left3A : i32 to vector<16xi32>
        %shift_left3A_1150 = arith.shli %get3A_1148, %shift_left3A_1149 : vector<16xi32>
        %bitcast_convert_type3A = tpu.bitcast %shift_left3A_1150 : vector<16xi32> -> vector<16xf32>
        %add3A_1151 = arith.addf %scan3A_1133, %bitcast_convert_type3A : vector<16xf32>
        %and3A_1152 = arith.constant -65536 : i32
        %and3A_1153 = vector.broadcast %and3A_1152 : i32 to vector<16xi32>
        %and3A_1154 = arith.andi %get3A_1148, %and3A_1153 : vector<16xi32>
        %bitcast_convert_type3A_1155 = tpu.bitcast %and3A_1154 : vector<16xi32> -> vector<16xf32>
        %add3A_1156 = arith.addf %scan3A_1134, %bitcast_convert_type3A_1155 : vector<16xf32>
        %get3A_1157 = arith.constant 0 : i32
        %get3A_1158 = arith.index_cast %get3A_1157 : i32 to index
        %get3A_1159 = arith.index_cast %add3A_1143 : i32 to index
        %get3A_1160 = arith.constant 16 : index
        %get3A_1161 = tpu.vector_load %arg6[%get3A_1158, %get3A_1159, %get3A_1160] {strides = array<i32>} : memref<4x100x48xi32, #tpu.memory_space<vmem>>, vector<1x1x16xi32>,
        %get3A_1162 = vector.shape_cast %get3A_1161 : vector<1x1x16xi32> to vector<16xi32>
        %shift_left3A_1163 = arith.constant 16 : i32
        %shift_left3A_1164 = vector.broadcast %shift_left3A_1163 : i32 to vector<16xi32>
        %shift_left3A_1165 = arith.shli %get3A_1162, %shift_left3A_1164 : vector<16xi32>
        %bitcast_convert_type3A_1166 = tpu.bitcast %shift_left3A_1165 : vector<16xi32> -> vector<16xf32>
        %add3A_1167 = arith.addf %scan3A_1135, %bitcast_convert_type3A_1166 : vector<16xf32>
        %and3A_1168 = arith.constant -65536 : i32
        %and3A_1169 = vector.broadcast %and3A_1168 : i32 to vector<16xi32>
        %and3A_1170 = arith.andi %get3A_1162, %and3A_1169 : vector<16xi32>
        %bitcast_convert_type3A_1171 = tpu.bitcast %and3A_1170 : vector<16xi32> -> vector<16xf32>
        %add3A_1172 = arith.addf %scan3A_1136, %bitcast_convert_type3A_1171 : vector<16xf32>
        %get3A_1173 = arith.constant 0 : i32
        %get3A_1174 = arith.index_cast %get3A_1173 : i32 to index
        %get3A_1175 = arith.index_cast %add3A_1143 : i32 to index
        %get3A_1176 = arith.constant 32 : index
        %get3A_1177 = tpu.vector_load %arg6[%get3A_1174, %get3A_1175, %get3A_1176] {strides = array<i32>} : memref<4x100x48xi32, #tpu.memory_space<vmem>>, vector<1x1x16xi32>,
        %get3A_1178 = vector.shape_cast %get3A_1177 : vector<1x1x16xi32> to vector<16xi32>
        %shift_left3A_1179 = arith.constant 16 : i32
        %shift_left3A_1180 = vector.broadcast %shift_left3A_1179 : i32 to vector<16xi32>
        %shift_left3A_1181 = arith.shli %get3A_1178, %shift_left3A_1180 : vector<16xi32>
        %bitcast_convert_type3A_1182 = tpu.bitcast %shift_left3A_1181 : vector<16xi32> -> vector<16xf32>
        %add3A_1183 = arith.addf %scan3A_1137, %bitcast_convert_type3A_1182 : vector<16xf32>
        %mul3A_1184 = arith.constant 2 : i32
        %mul3A_1185 = arith.muli %mul3A_1184, %scan3A_1132 : i32
        %add3A_1186 = arith.constant 50 : i32
        %add3A_1187 = arith.addi %add3A_1186, %mul3A_1185 : i32
        %add3A_1188 = arith.constant 1 : i32
        %add3A_1189 = arith.addi %add3A_1187, %add3A_1188 : i32
        %get3A_1190 = arith.constant 0 : i32
        %get3A_1191 = arith.index_cast %get3A_1190 : i32 to index
        %get3A_1192 = arith.index_cast %add3A_1189 : i32 to index
        %get3A_1193 = arith.constant 0 : index
        %get3A_1194 = tpu.vector_load %arg6[%get3A_1191, %get3A_1192, %get3A_1193] {strides = array<i32>} : memref<4x100x48xi32, #tpu.memory_space<vmem>>, vector<1x1x16xi32>,
        %get3A_1195 = vector.shape_cast %get3A_1194 : vector<1x1x16xi32> to vector<16xi32>
        %shift_left3A_1196 = arith.constant 16 : i32
        %shift_left3A_1197 = vector.broadcast %shift_left3A_1196 : i32 to vector<16xi32>
        %shift_left3A_1198 = arith.shli %get3A_1195, %shift_left3A_1197 : vector<16xi32>
        %bitcast_convert_type3A_1199 = tpu.bitcast %shift_left3A_1198 : vector<16xi32> -> vector<16xf32>
        %add3A_1200 = arith.addf %add3A_1151, %bitcast_convert_type3A_1199 : vector<16xf32>
        %and3A_1201 = arith.constant -65536 : i32
        %and3A_1202 = vector.broadcast %and3A_1201 : i32 to vector<16xi32>
        %and3A_1203 = arith.andi %get3A_1195, %and3A_1202 : vector<16xi32>
        %bitcast_convert_type3A_1204 = tpu.bitcast %and3A_1203 : vector<16xi32> -> vector<16xf32>
        %add3A_1205 = arith.addf %add3A_1156, %bitcast_convert_type3A_1204 : vector<16xf32>
        %get3A_1206 = arith.constant 0 : i32
        %get3A_1207 = arith.index_cast %get3A_1206 : i32 to index
        %get3A_1208 = arith.index_cast %add3A_1189 : i32 to index
        %get3A_1209 = arith.constant 16 : index
        %get3A_1210 = tpu.vector_load %arg6[%get3A_1207, %get3A_1208, %get3A_1209] {strides = array<i32>} : memref<4x100x48xi32, #tpu.memory_space<vmem>>, vector<1x1x16xi32>,
        %get3A_1211 = vector.shape_cast %get3A_1210 : vector<1x1x16xi32> to vector<16xi32>
        %shift_left3A_1212 = arith.constant 16 : i32
        %shift_left3A_1213 = vector.broadcast %shift_left3A_1212 : i32 to vector<16xi32>
        %shift_left3A_1214 = arith.shli %get3A_1211, %shift_left3A_1213 : vector<16xi32>
        %bitcast_convert_type3A_1215 = tpu.bitcast %shift_left3A_1214 : vector<16xi32> -> vector<16xf32>
        %add3A_1216 = arith.addf %add3A_1167, %bitcast_convert_type3A_1215 : vector<16xf32>
        %and3A_1217 = arith.constant -65536 : i32
        %and3A_1218 = vector.broadcast %and3A_1217 : i32 to vector<16xi32>
        %and3A_1219 = arith.andi %get3A_1211, %and3A_1218 : vector<16xi32>
        %bitcast_convert_type3A_1220 = tpu.bitcast %and3A_1219 : vector<16xi32> -> vector<16xf32>
        %add3A_1221 = arith.addf %add3A_1172, %bitcast_convert_type3A_1220 : vector<16xf32>
        %get3A_1222 = arith.constant 0 : i32
        %get3A_1223 = arith.index_cast %get3A_1222 : i32 to index
        %get3A_1224 = arith.index_cast %add3A_1189 : i32 to index
        %get3A_1225 = arith.constant 32 : index
        %get3A_1226 = tpu.vector_load %arg6[%get3A_1223, %get3A_1224, %get3A_1225] {strides = array<i32>} : memref<4x100x48xi32, #tpu.memory_space<vmem>>, vector<1x1x16xi32>,
        %get3A_1227 = vector.shape_cast %get3A_1226 : vector<1x1x16xi32> to vector<16xi32>
        %shift_left3A_1228 = arith.constant 16 : i32
        %shift_left3A_1229 = vector.broadcast %shift_left3A_1228 : i32 to vector<16xi32>
        %shift_left3A_1230 = arith.shli %get3A_1227, %shift_left3A_1229 : vector<16xi32>
        %bitcast_convert_type3A_1231 = tpu.bitcast %shift_left3A_1230 : vector<16xi32> -> vector<16xf32>
        %add3A_1232 = arith.addf %add3A_1183, %bitcast_convert_type3A_1231 : vector<16xf32>
        scf.yield %add3A_1200, %add3A_1205, %add3A_1216, %add3A_1221, %add3A_1232 : vector<16xf32>, vector<16xf32>, vector<16xf32>, vector<16xf32>, vector<16xf32>
      }
      %scan3A_197 = arith.constant 25 : i32
      %add3A_198 = arith.constant 9.99999993E-9 : f32
      %add3A_199 = vector.broadcast %add3A_198 : f32 to vector<16xf32>
      %add3A_200 = arith.addf %scan3A_196#4, %add3A_199 : vector<16xf32>
      %div3A_201 = arith.constant 1.000000e+00 : f32
      %div3A_202 = vector.broadcast %div3A_201 : f32 to vector<16xf32>
      %div3A_203 = arith.divf %div3A_202, %add3A_200 : vector<16xf32>
      %mul3A_204 = arith.mulf %scan3A_196#0, %div3A_203 : vector<16xf32>
      %jit3A_205 = arith.constant 64 : i32
      %eq3A_206 = arith.constant 0 : i32
      %eq3A_207 = arith.cmpi eq, %jit3A_205, %eq3A_206 : i32
      %jit3A_208 = arith.constant 1 : i32
      %select_n3A_209 = arith.select %eq3A_207, %jit3A_208, %jit3A_205 : i32
      %rem3A_210 = arith.remsi %add3A_181, %select_n3A_209 : i32
      %ne3A_211 = arith.constant 0 : i32
      %ne3A_212 = arith.cmpi ne, %rem3A_210, %ne3A_211 : i32
      %lt3A_213 = arith.constant 0 : i32
      %lt3A_214 = arith.cmpi slt, %rem3A_210, %lt3A_213 : i32
      %lt3A_215 = arith.constant 0 : i32
      %lt3A_216 = arith.cmpi slt, %select_n3A_209, %lt3A_215 : i32
      %ne3A_217 = arith.xori %lt3A_214, %lt3A_216 : i1
      %and3A_218 = arith.andi %ne3A_217, %ne3A_212 : i1
      %add3A_219 = arith.addi %rem3A_210, %select_n3A_209 : i32
      %select_n3A_220 = arith.select %and3A_218, %add3A_219, %rem3A_210 : i32
      %swap3A_221 = arith.index_cast %select_n3A_220 : i32 to index
      %swap3A_222 = arith.constant 0 : index
      %swap3A_223 = tpu.vector_load %arg7[%swap3A_221, %swap3A_222] {strides = array<i32>} : memref<64x64xf32, #tpu.memory_space<vmem>>, vector<1x16xf32>,
      %swap3A_224 = vector.shape_cast %swap3A_223 : vector<1x16xf32> to vector<16xf32>
      %swap3A_225 = vector.shape_cast %mul3A_204 : vector<16xf32> to vector<1x16xf32>
      tpu.vector_store %arg7[%swap3A_221, %swap3A_222], %swap3A_225 {strides = array<i32>} : memref<64x64xf32, #tpu.memory_space<vmem>>, vector<1x16xf32>,
      %mul3A_226 = arith.mulf %scan3A_196#1, %div3A_203 : vector<16xf32>
      %jit3A_227 = arith.constant 64 : i32
      %eq3A_228 = arith.constant 0 : i32
      %eq3A_229 = arith.cmpi eq, %jit3A_227, %eq3A_228 : i32
      %jit3A_230 = arith.constant 1 : i32
      %select_n3A_231 = arith.select %eq3A_229, %jit3A_230, %jit3A_227 : i32
      %rem3A_232 = arith.remsi %add3A_181, %select_n3A_231 : i32
      %ne3A_233 = arith.constant 0 : i32
      %ne3A_234 = arith.cmpi ne, %rem3A_232, %ne3A_233 : i32
      %lt3A_235 = arith.constant 0 : i32
      %lt3A_236 = arith.cmpi slt, %rem3A_232, %lt3A_235 : i32
      %lt3A_237 = arith.constant 0 : i32
      %lt3A_238 = arith.cmpi slt, %select_n3A_231, %lt3A_237 : i32
      %ne3A_239 = arith.xori %lt3A_236, %lt3A_238 : i1
      %and3A_240 = arith.andi %ne3A_239, %ne3A_234 : i1
      %add3A_241 = arith.addi %rem3A_232, %select_n3A_231 : i32
      %select_n3A_242 = arith.select %and3A_240, %add3A_241, %rem3A_232 : i32
      %swap3A_243 = arith.index_cast %select_n3A_242 : i32 to index
      %swap3A_244 = arith.constant 16 : index
      %swap3A_245 = tpu.vector_load %arg7[%swap3A_243, %swap3A_244] {strides = array<i32>} : memref<64x64xf32, #tpu.memory_space<vmem>>, vector<1x16xf32>,
      %swap3A_246 = vector.shape_cast %swap3A_245 : vector<1x16xf32> to vector<16xf32>
      %swap3A_247 = vector.shape_cast %mul3A_226 : vector<16xf32> to vector<1x16xf32>
      tpu.vector_store %arg7[%swap3A_243, %swap3A_244], %swap3A_247 {strides = array<i32>} : memref<64x64xf32, #tpu.memory_space<vmem>>, vector<1x16xf32>,
      %mul3A_248 = arith.mulf %scan3A_196#2, %div3A_203 : vector<16xf32>
      %jit3A_249 = arith.constant 64 : i32
      %eq3A_250 = arith.constant 0 : i32
      %eq3A_251 = arith.cmpi eq, %jit3A_249, %eq3A_250 : i32
      %jit3A_252 = arith.constant 1 : i32
      %select_n3A_253 = arith.select %eq3A_251, %jit3A_252, %jit3A_249 : i32
      %rem3A_254 = arith.remsi %add3A_181, %select_n3A_253 : i32
      %ne3A_255 = arith.constant 0 : i32
      %ne3A_256 = arith.cmpi ne, %rem3A_254, %ne3A_255 : i32
      %lt3A_257 = arith.constant 0 : i32
      %lt3A_258 = arith.cmpi slt, %rem3A_254, %lt3A_257 : i32
      %lt3A_259 = arith.constant 0 : i32
      %lt3A_260 = arith.cmpi slt, %select_n3A_253, %lt3A_259 : i32
      %ne3A_261 = arith.xori %lt3A_258, %lt3A_260 : i1
      %and3A_262 = arith.andi %ne3A_261, %ne3A_256 : i1
      %add3A_263 = arith.addi %rem3A_254, %select_n3A_253 : i32
      %select_n3A_264 = arith.select %and3A_262, %add3A_263, %rem3A_254 : i32
      %swap3A_265 = arith.index_cast %select_n3A_264 : i32 to index
      %swap3A_266 = arith.constant 32 : index
      %swap3A_267 = tpu.vector_load %arg7[%swap3A_265, %swap3A_266] {strides = array<i32>} : memref<64x64xf32, #tpu.memory_space<vmem>>, vector<1x16xf32>,
      %swap3A_268 = vector.shape_cast %swap3A_267 : vector<1x16xf32> to vector<16xf32>
      %swap3A_269 = vector.shape_cast %mul3A_248 : vector<16xf32> to vector<1x16xf32>
      tpu.vector_store %arg7[%swap3A_265, %swap3A_266], %swap3A_269 {strides = array<i32>} : memref<64x64xf32, #tpu.memory_space<vmem>>, vector<1x16xf32>,
      %mul3A_270 = arith.mulf %scan3A_196#3, %div3A_203 : vector<16xf32>
      %jit3A_271 = arith.constant 64 : i32
      %eq3A_272 = arith.constant 0 : i32
      %eq3A_273 = arith.cmpi eq, %jit3A_271, %eq3A_272 : i32
      %jit3A_274 = arith.constant 1 : i32
      %select_n3A_275 = arith.select %eq3A_273, %jit3A_274, %jit3A_271 : i32
      %rem3A_276 = arith.remsi %add3A_181, %select_n3A_275 : i32
      %ne3A_277 = arith.constant 0 : i32
      %ne3A_278 = arith.cmpi ne, %rem3A_276, %ne3A_277 : i32
      %lt3A_279 = arith.constant 0 : i32
      %lt3A_280 = arith.cmpi slt, %rem3A_276, %lt3A_279 : i32
      %lt3A_281 = arith.constant 0 : i32
      %lt3A_282 = arith.cmpi slt, %select_n3A_275, %lt3A_281 : i32
      %ne3A_283 = arith.xori %lt3A_280, %lt3A_282 : i1
      %and3A_284 = arith.andi %ne3A_283, %ne3A_278 : i1
      %add3A_285 = arith.addi %rem3A_276, %select_n3A_275 : i32
      %select_n3A_286 = arith.select %and3A_284, %add3A_285, %rem3A_276 : i32
      %swap3A_287 = arith.index_cast %select_n3A_286 : i32 to index
      %swap3A_288 = arith.constant 48 : index
      %swap3A_289 = tpu.vector_load %arg7[%swap3A_287, %swap3A_288] {strides = array<i32>} : memref<64x64xf32, #tpu.memory_space<vmem>>, vector<1x16xf32>,
      %swap3A_290 = vector.shape_cast %swap3A_289 : vector<1x16xf32> to vector<16xf32>
      %swap3A_291 = vector.shape_cast %mul3A_270 : vector<16xf32> to vector<1x16xf32>
      tpu.vector_store %arg7[%swap3A_287, %swap3A_288], %swap3A_291 {strides = array<i32>} : memref<64x64xf32, #tpu.memory_space<vmem>>, vector<1x16xf32>,
      %add3A_292 = arith.constant 4 : i32
      %add3A_293 = arith.addi %add3A_63, %add3A_292 : i32
      %lt3A_294 = arith.constant 256 : i32
      %lt3A_295 = arith.cmpi slt, %add3A_293, %lt3A_294 : i32
      %convert_element_type3A = arith.extui %lt3A_295 : i1 to i32
      %cond3A = arith.constant 0 : i32
      %cond3A_296 = arith.cmpi ne, %convert_element_type3A, %cond3A : i32
      scf.if %cond3A_296 {
        %add3A_1132 = arith.constant 4 : i32
        %add3A_1133 = arith.addi %add3A_63, %add3A_1132 : i32
        %dma_start3A_1134 = arith.constant 0 : i32
        %dma_start3A_1135 = arith.constant 0 : i32
        %dma_start3A_1136 = arith.constant 0 : i32
        %dma_start3A_1137 = tpu.memref_slice %arg6[%dma_start3A_1134, %dma_start3A_1135, %dma_start3A_1136] : memref<4x100x48xi32, #tpu.memory_space<vmem>> -> memref<1x100x48xi32, #tpu.memory_space<vmem>>
        %dma_start3A_1138 = tpu.memref_squeeze %dma_start3A_1137 : memref<1x100x48xi32, #tpu.memory_space<vmem>> -> memref<100x48xi32, #tpu.memory_space<vmem>>
        %dma_start3A_1139 = arith.constant 0 : i32
        %dma_start3A_1140 = tpu.memref_slice %arg5[%add3A_1133, %dma_start3A_1139] : memref<256x100xi32, #tpu.memory_space<vmem>> -> memref<1x100xi32, #tpu.memory_space<vmem>>
        %dma_start3A_1141 = tpu.memref_squeeze %dma_start3A_1140 : memref<1x100xi32, #tpu.memory_space<vmem>> -> memref<100xi32, #tpu.memory_space<vmem>>
        %dma_start3A_1142 = arith.constant 0 : i32
        %dma_start3A_1143 = arith.constant 0 : i32
        %dma_start3A_1144 = tpu.memref_slice %arg8[%dma_start3A_1142, %dma_start3A_1143] : memref<18176x48xi32, #tpu.memory_space<vmem_shared>> -> memref<18176x48xi32, #tpu.memory_space<vmem_shared>>
        tpu.enqueue_indirect_dma source(%dma_start3A_1144 : memref<18176x48xi32, #tpu.memory_space<vmem_shared>>) target(%dma_start3A_1138 : memref<100x48xi32, #tpu.memory_space<vmem>>) offsets(%dma_start3A_1141 : memref<100xi32, #tpu.memory_space<vmem>>) semaphore(%arg9 : memref<!tpu.dma_semaphore, #tpu.memory_space<semaphore_mem>>)
      } else {
      }
      %jit3A_297 = arith.constant 32 : i32
      %eq3A_298 = arith.constant 0 : i32
      %eq3A_299 = arith.cmpi eq, %jit3A_297, %eq3A_298 : i32
      %jit3A_300 = arith.constant 1 : i32
      %select_n3A_301 = arith.select %eq3A_299, %jit3A_300, %jit3A_297 : i32
      %rem3A_302 = arith.remsi %add3A_63, %select_n3A_301 : i32
      %ne3A_303 = arith.constant 0 : i32
      %ne3A_304 = arith.cmpi ne, %rem3A_302, %ne3A_303 : i32
      %lt3A_305 = arith.constant 0 : i32
      %lt3A_306 = arith.cmpi slt, %rem3A_302, %lt3A_305 : i32
      %lt3A_307 = arith.constant 0 : i32
      %lt3A_308 = arith.cmpi slt, %select_n3A_301, %lt3A_307 : i32
      %ne3A_309 = arith.xori %lt3A_306, %lt3A_308 : i1
      %and3A_310 = arith.andi %ne3A_309, %ne3A_304 : i1
      %add3A_311 = arith.addi %rem3A_302, %select_n3A_301 : i32
      %select_n3A_312 = arith.select %and3A_310, %add3A_311, %rem3A_302 : i32
      %eq3A_313 = arith.constant 31 : i32
      %eq3A_314 = arith.cmpi eq, %select_n3A_312, %eq3A_313 : i32
      %convert_element_type3A_315 = arith.extui %eq3A_314 : i1 to i32
      %cond3A_316 = arith.constant 0 : i32
      %cond3A_317 = arith.cmpi ne, %convert_element_type3A_315, %cond3A_316 : i32
      scf.if %cond3A_317 {
        %mul3A_1132 = arith.constant 512 : i32
        %mul3A_1133 = arith.muli %add3A, %mul3A_1132 : i32
        %jit3A_1134 = arith.constant 32 : i32
        %div3A_1135 = arith.divsi %add3A_63, %jit3A_1134 : i32
        %sign3A = arith.constant 0 : i32
        %sign3A_1136 = arith.cmpi sgt, %add3A_63, %sign3A : i32
        %sign3A_1137 = arith.extui %sign3A_1136 : i1 to i32
        %sign3A_1138 = arith.constant 0 : i32
        %sign3A_1139 = arith.cmpi slt, %add3A_63, %sign3A_1138 : i32
        %sign3A_1140 = arith.extui %sign3A_1139 : i1 to i32
        %sign3A_1141 = arith.subi %sign3A_1137, %sign3A_1140 : i32
        %sign3A_1142 = arith.constant 0 : i32
        %sign3A_1143 = arith.cmpi sgt, %jit3A_1134, %sign3A_1142 : i32
        %sign3A_1144 = arith.extui %sign3A_1143 : i1 to i32
        %sign3A_1145 = arith.constant 0 : i32
        %sign3A_1146 = arith.cmpi slt, %jit3A_1134, %sign3A_1145 : i32
        %sign3A_1147 = arith.extui %sign3A_1146 : i1 to i32
        %sign3A_1148 = arith.subi %sign3A_1144, %sign3A_1147 : i32
        %ne3A_1149 = arith.cmpi ne, %sign3A_1141, %sign3A_1148 : i32
        %rem3A_1150 = arith.remsi %add3A_63, %jit3A_1134 : i32
        %ne3A_1151 = arith.constant 0 : i32
        %ne3A_1152 = arith.cmpi ne, %rem3A_1150, %ne3A_1151 : i32
        %and3A_1153 = arith.andi %ne3A_1149, %ne3A_1152 : i1
        %sub3A = arith.constant 1 : i32
        %sub3A_1154 = arith.subi %div3A_1135, %sub3A : i32
        %select_n3A_1155 = arith.select %and3A_1153, %sub3A_1154, %div3A_1135 : i32
        %mul3A_1156 = arith.constant 64 : i32
        %mul3A_1157 = arith.muli %select_n3A_1155, %mul3A_1156 : i32
        %add3A_1158 = arith.addi %mul3A_1133, %mul3A_1157 : i32
        "tpu.region"() ({
          %run_scoped3A = tpu.sem_alloc : memref<!tpu.dma_semaphore, #tpu.memory_space<semaphore_mem>>
          %dma_start3A_1159 = arith.constant 0 : i32
          %dma_start3A_1160 = tpu.memref_slice %arg4[%add3A_1158, %dma_start3A_1159] : memref<16384x64xf32, #tpu.memory_space<hbm>> -> memref<64x64xf32, #tpu.memory_space<hbm>>
          %dma_start3A_1161 = arith.constant 0 : i32
          %dma_start3A_1162 = tpu.memref_slice %arg4[%add3A_1158, %dma_start3A_1161] : memref<16384x64xf32, #tpu.memory_space<hbm>> -> memref<64x64xf32, #tpu.memory_space<hbm>>
          tpu.enqueue_dma source(%arg7 : memref<64x64xf32, #tpu.memory_space<vmem>>) target(%dma_start3A_1162 : memref<64x64xf32, #tpu.memory_space<hbm>>) target_semaphore(%run_scoped3A : memref<!tpu.dma_semaphore, #tpu.memory_space<semaphore_mem>>)
          %dma_wait3A_1163 = arith.constant 0 : i32
          %dma_wait3A_1164 = tpu.memref_slice %arg4[%add3A_1158, %dma_wait3A_1163] : memref<16384x64xf32, #tpu.memory_space<hbm>> -> memref<64x64xf32, #tpu.memory_space<hbm>>
          %dma_wait3A_1165 = arith.constant 0 : i32
          %dma_wait3A_1166 = tpu.memref_slice %arg4[%add3A_1158, %dma_wait3A_1165] : memref<16384x64xf32, #tpu.memory_space<hbm>> -> memref<64x64xf32, #tpu.memory_space<hbm>>
          tpu.wait_dma2 semaphore(%run_scoped3A : memref<!tpu.dma_semaphore, #tpu.memory_space<semaphore_mem>>) src(%arg7 : memref<64x64xf32, #tpu.memory_space<vmem>>) dst(%dma_wait3A_1166 : memref<64x64xf32, #tpu.memory_space<hbm>>)
          tpu.yield
        }) : () -> ()
      } else {
      }
      %mul3A_318 = arith.constant 4 : i32
      %mul3A_319 = arith.muli %mul3A_318, %scan3A_58 : i32
      %add3A_320 = arith.constant 1 : i32
      %add3A_321 = arith.addi %mul3A_319, %add3A_320 : i32
      %dma_wait3A_322 = arith.constant 1 : i32
      %dma_wait3A_323 = arith.constant 0 : i32
      %dma_wait3A_324 = arith.constant 0 : i32
      %dma_wait3A_325 = tpu.memref_slice %arg6[%dma_wait3A_322, %dma_wait3A_323, %dma_wait3A_324] : memref<4x100x48xi32, #tpu.memory_space<vmem>> -> memref<1x100x48xi32, #tpu.memory_space<vmem>>
      %dma_wait3A_326 = tpu.memref_squeeze %dma_wait3A_325 : memref<1x100x48xi32, #tpu.memory_space<vmem>> -> memref<100x48xi32, #tpu.memory_space<vmem>>
      %dma_wait3A_327 = arith.constant 0 : i32
      %dma_wait3A_328 = tpu.memref_slice %arg5[%add3A_321, %dma_wait3A_327] : memref<256x100xi32, #tpu.memory_space<vmem>> -> memref<1x100xi32, #tpu.memory_space<vmem>>
      %dma_wait3A_329 = tpu.memref_squeeze %dma_wait3A_328 : memref<1x100xi32, #tpu.memory_space<vmem>> -> memref<100xi32, #tpu.memory_space<vmem>>
      %dma_wait3A_330 = arith.constant 0 : i32
      %dma_wait3A_331 = arith.constant 0 : i32
      %dma_wait3A_332 = tpu.memref_slice %arg8[%dma_wait3A_330, %dma_wait3A_331] : memref<18176x48xi32, #tpu.memory_space<vmem_shared>> -> memref<18176x48xi32, #tpu.memory_space<vmem_shared>>
      tpu.wait_indirect_dma semaphore(%arg10 : memref<!tpu.dma_semaphore, #tpu.memory_space<semaphore_mem>>) src(%dma_wait3A_332 : memref<18176x48xi32, #tpu.memory_space<vmem_shared>>) dst(%dma_wait3A_326 : memref<100x48xi32, #tpu.memory_space<vmem>>)
      %mul3A_333 = arith.constant 2 : i32
      %mul3A_334 = arith.muli %mul3A_333, %add3A_321 : i32
      %add3A_335 = arith.constant 0 : i32
      %add3A_336 = arith.addi %mul3A_334, %add3A_335 : i32
      %broadcast_in_dim3A_337 = arith.constant 0.000000e+00 : f32
      %broadcast_in_dim3A_338 = vector.broadcast %broadcast_in_dim3A_337 : f32 to vector<16xf32>
      %broadcast_in_dim3A_339 = arith.constant 0.000000e+00 : f32
      %broadcast_in_dim3A_340 = vector.broadcast %broadcast_in_dim3A_339 : f32 to vector<16xf32>
      %broadcast_in_dim3A_341 = arith.constant 0.000000e+00 : f32
      %broadcast_in_dim3A_342 = vector.broadcast %broadcast_in_dim3A_341 : f32 to vector<16xf32>
      %broadcast_in_dim3A_343 = arith.constant 0.000000e+00 : f32
      %broadcast_in_dim3A_344 = vector.broadcast %broadcast_in_dim3A_343 : f32 to vector<16xf32>
      %broadcast_in_dim3A_345 = arith.constant 0.000000e+00 : f32
      %broadcast_in_dim3A_346 = vector.broadcast %broadcast_in_dim3A_345 : f32 to vector<16xf32>
      %scan3A_347 = arith.constant 0 : i32
      %scan3A_348 = arith.constant 25 : i32
      %scan3A_349 = arith.addi %scan3A_347, %scan3A_348 : i32
      %scan3A_350 = arith.constant 1 : i32
      %scan3A_351:5 = scf.for %scan3A_1132 = %scan3A_347 to %scan3A_349 step %scan3A_350 iter_args(%scan3A_1133 = %broadcast_in_dim3A_338, %scan3A_1134 = %broadcast_in_dim3A_340, %scan3A_1135 = %broadcast_in_dim3A_342, %scan3A_1136 = %broadcast_in_dim3A_344, %scan3A_1137 = %broadcast_in_dim3A_346) -> (vector<16xf32>, vector<16xf32>, vector<16xf32>, vector<16xf32>, vector<16xf32>)  : i32 {
        %mul3A_1138 = arith.constant 2 : i32
        %mul3A_1139 = arith.muli %mul3A_1138, %scan3A_1132 : i32
        %add3A_1140 = arith.constant 0 : i32
        %add3A_1141 = arith.addi %add3A_1140, %mul3A_1139 : i32
        %add3A_1142 = arith.constant 0 : i32
        %add3A_1143 = arith.addi %add3A_1141, %add3A_1142 : i32
        %get3A = arith.constant 1 : i32
        %get3A_1144 = arith.index_cast %get3A : i32 to index
        %get3A_1145 = arith.index_cast %add3A_1143 : i32 to index
        %get3A_1146 = arith.constant 0 : index
        %get3A_1147 = tpu.vector_load %arg6[%get3A_1144, %get3A_1145, %get3A_1146] {strides = array<i32>} : memref<4x100x48xi32, #tpu.memory_space<vmem>>, vector<1x1x16xi32>,
        %get3A_1148 = vector.shape_cast %get3A_1147 : vector<1x1x16xi32> to vector<16xi32>
        %shift_left3A = arith.constant 16 : i32
        %shift_left3A_1149 = vector.broadcast %shift_left3A : i32 to vector<16xi32>
        %shift_left3A_1150 = arith.shli %get3A_1148, %shift_left3A_1149 : vector<16xi32>
        %bitcast_convert_type3A = tpu.bitcast %shift_left3A_1150 : vector<16xi32> -> vector<16xf32>
        %add3A_1151 = arith.addf %scan3A_1133, %bitcast_convert_type3A : vector<16xf32>
        %and3A_1152 = arith.constant -65536 : i32
        %and3A_1153 = vector.broadcast %and3A_1152 : i32 to vector<16xi32>
        %and3A_1154 = arith.andi %get3A_1148, %and3A_1153 : vector<16xi32>
        %bitcast_convert_type3A_1155 = tpu.bitcast %and3A_1154 : vector<16xi32> -> vector<16xf32>
        %add3A_1156 = arith.addf %scan3A_1134, %bitcast_convert_type3A_1155 : vector<16xf32>
        %get3A_1157 = arith.constant 1 : i32
        %get3A_1158 = arith.index_cast %get3A_1157 : i32 to index
        %get3A_1159 = arith.index_cast %add3A_1143 : i32 to index
        %get3A_1160 = arith.constant 16 : index
        %get3A_1161 = tpu.vector_load %arg6[%get3A_1158, %get3A_1159, %get3A_1160] {strides = array<i32>} : memref<4x100x48xi32, #tpu.memory_space<vmem>>, vector<1x1x16xi32>,
        %get3A_1162 = vector.shape_cast %get3A_1161 : vector<1x1x16xi32> to vector<16xi32>
        %shift_left3A_1163 = arith.constant 16 : i32
        %shift_left3A_1164 = vector.broadcast %shift_left3A_1163 : i32 to vector<16xi32>
        %shift_left3A_1165 = arith.shli %get3A_1162, %shift_left3A_1164 : vector<16xi32>
        %bitcast_convert_type3A_1166 = tpu.bitcast %shift_left3A_1165 : vector<16xi32> -> vector<16xf32>
        %add3A_1167 = arith.addf %scan3A_1135, %bitcast_convert_type3A_1166 : vector<16xf32>
        %and3A_1168 = arith.constant -65536 : i32
        %and3A_1169 = vector.broadcast %and3A_1168 : i32 to vector<16xi32>
        %and3A_1170 = arith.andi %get3A_1162, %and3A_1169 : vector<16xi32>
        %bitcast_convert_type3A_1171 = tpu.bitcast %and3A_1170 : vector<16xi32> -> vector<16xf32>
        %add3A_1172 = arith.addf %scan3A_1136, %bitcast_convert_type3A_1171 : vector<16xf32>
        %get3A_1173 = arith.constant 1 : i32
        %get3A_1174 = arith.index_cast %get3A_1173 : i32 to index
        %get3A_1175 = arith.index_cast %add3A_1143 : i32 to index
        %get3A_1176 = arith.constant 32 : index
        %get3A_1177 = tpu.vector_load %arg6[%get3A_1174, %get3A_1175, %get3A_1176] {strides = array<i32>} : memref<4x100x48xi32, #tpu.memory_space<vmem>>, vector<1x1x16xi32>,
        %get3A_1178 = vector.shape_cast %get3A_1177 : vector<1x1x16xi32> to vector<16xi32>
        %shift_left3A_1179 = arith.constant 16 : i32
        %shift_left3A_1180 = vector.broadcast %shift_left3A_1179 : i32 to vector<16xi32>
        %shift_left3A_1181 = arith.shli %get3A_1178, %shift_left3A_1180 : vector<16xi32>
        %bitcast_convert_type3A_1182 = tpu.bitcast %shift_left3A_1181 : vector<16xi32> -> vector<16xf32>
        %add3A_1183 = arith.addf %scan3A_1137, %bitcast_convert_type3A_1182 : vector<16xf32>
        %mul3A_1184 = arith.constant 2 : i32
        %mul3A_1185 = arith.muli %mul3A_1184, %scan3A_1132 : i32
        %add3A_1186 = arith.constant 0 : i32
        %add3A_1187 = arith.addi %add3A_1186, %mul3A_1185 : i32
        %add3A_1188 = arith.constant 1 : i32
        %add3A_1189 = arith.addi %add3A_1187, %add3A_1188 : i32
        %get3A_1190 = arith.constant 1 : i32
        %get3A_1191 = arith.index_cast %get3A_1190 : i32 to index
        %get3A_1192 = arith.index_cast %add3A_1189 : i32 to index
        %get3A_1193 = arith.constant 0 : index
        %get3A_1194 = tpu.vector_load %arg6[%get3A_1191, %get3A_1192, %get3A_1193] {strides = array<i32>} : memref<4x100x48xi32, #tpu.memory_space<vmem>>, vector<1x1x16xi32>,
        %get3A_1195 = vector.shape_cast %get3A_1194 : vector<1x1x16xi32> to vector<16xi32>
        %shift_left3A_1196 = arith.constant 16 : i32
        %shift_left3A_1197 = vector.broadcast %shift_left3A_1196 : i32 to vector<16xi32>
        %shift_left3A_1198 = arith.shli %get3A_1195, %shift_left3A_1197 : vector<16xi32>
        %bitcast_convert_type3A_1199 = tpu.bitcast %shift_left3A_1198 : vector<16xi32> -> vector<16xf32>
        %add3A_1200 = arith.addf %add3A_1151, %bitcast_convert_type3A_1199 : vector<16xf32>
        %and3A_1201 = arith.constant -65536 : i32
        %and3A_1202 = vector.broadcast %and3A_1201 : i32 to vector<16xi32>
        %and3A_1203 = arith.andi %get3A_1195, %and3A_1202 : vector<16xi32>
        %bitcast_convert_type3A_1204 = tpu.bitcast %and3A_1203 : vector<16xi32> -> vector<16xf32>
        %add3A_1205 = arith.addf %add3A_1156, %bitcast_convert_type3A_1204 : vector<16xf32>
        %get3A_1206 = arith.constant 1 : i32
        %get3A_1207 = arith.index_cast %get3A_1206 : i32 to index
        %get3A_1208 = arith.index_cast %add3A_1189 : i32 to index
        %get3A_1209 = arith.constant 16 : index
        %get3A_1210 = tpu.vector_load %arg6[%get3A_1207, %get3A_1208, %get3A_1209] {strides = array<i32>} : memref<4x100x48xi32, #tpu.memory_space<vmem>>, vector<1x1x16xi32>,
        %get3A_1211 = vector.shape_cast %get3A_1210 : vector<1x1x16xi32> to vector<16xi32>
        %shift_left3A_1212 = arith.constant 16 : i32
        %shift_left3A_1213 = vector.broadcast %shift_left3A_1212 : i32 to vector<16xi32>
        %shift_left3A_1214 = arith.shli %get3A_1211, %shift_left3A_1213 : vector<16xi32>
        %bitcast_convert_type3A_1215 = tpu.bitcast %shift_left3A_1214 : vector<16xi32> -> vector<16xf32>
        %add3A_1216 = arith.addf %add3A_1167, %bitcast_convert_type3A_1215 : vector<16xf32>
        %and3A_1217 = arith.constant -65536 : i32
        %and3A_1218 = vector.broadcast %and3A_1217 : i32 to vector<16xi32>
        %and3A_1219 = arith.andi %get3A_1211, %and3A_1218 : vector<16xi32>
        %bitcast_convert_type3A_1220 = tpu.bitcast %and3A_1219 : vector<16xi32> -> vector<16xf32>
        %add3A_1221 = arith.addf %add3A_1172, %bitcast_convert_type3A_1220 : vector<16xf32>
        %get3A_1222 = arith.constant 1 : i32
        %get3A_1223 = arith.index_cast %get3A_1222 : i32 to index
        %get3A_1224 = arith.index_cast %add3A_1189 : i32 to index
        %get3A_1225 = arith.constant 32 : index
        %get3A_1226 = tpu.vector_load %arg6[%get3A_1223, %get3A_1224, %get3A_1225] {strides = array<i32>} : memref<4x100x48xi32, #tpu.memory_space<vmem>>, vector<1x1x16xi32>,
        %get3A_1227 = vector.shape_cast %get3A_1226 : vector<1x1x16xi32> to vector<16xi32>
        %shift_left3A_1228 = arith.constant 16 : i32
        %shift_left3A_1229 = vector.broadcast %shift_left3A_1228 : i32 to vector<16xi32>
        %shift_left3A_1230 = arith.shli %get3A_1227, %shift_left3A_1229 : vector<16xi32>
        %bitcast_convert_type3A_1231 = tpu.bitcast %shift_left3A_1230 : vector<16xi32> -> vector<16xf32>
        %add3A_1232 = arith.addf %add3A_1183, %bitcast_convert_type3A_1231 : vector<16xf32>
        scf.yield %add3A_1200, %add3A_1205, %add3A_1216, %add3A_1221, %add3A_1232 : vector<16xf32>, vector<16xf32>, vector<16xf32>, vector<16xf32>, vector<16xf32>
      }
      %scan3A_352 = arith.constant 25 : i32
      %add3A_353 = arith.constant 9.99999993E-9 : f32
      %add3A_354 = vector.broadcast %add3A_353 : f32 to vector<16xf32>
      %add3A_355 = arith.addf %scan3A_351#4, %add3A_354 : vector<16xf32>
      %div3A_356 = arith.constant 1.000000e+00 : f32
      %div3A_357 = vector.broadcast %div3A_356 : f32 to vector<16xf32>
      %div3A_358 = arith.divf %div3A_357, %add3A_355 : vector<16xf32>
      %mul3A_359 = arith.mulf %scan3A_351#0, %div3A_358 : vector<16xf32>
      %jit3A_360 = arith.constant 64 : i32
      %eq3A_361 = arith.constant 0 : i32
      %eq3A_362 = arith.cmpi eq, %jit3A_360, %eq3A_361 : i32
      %jit3A_363 = arith.constant 1 : i32
      %select_n3A_364 = arith.select %eq3A_362, %jit3A_363, %jit3A_360 : i32
      %rem3A_365 = arith.remsi %add3A_336, %select_n3A_364 : i32
      %ne3A_366 = arith.constant 0 : i32
      %ne3A_367 = arith.cmpi ne, %rem3A_365, %ne3A_366 : i32
      %lt3A_368 = arith.constant 0 : i32
      %lt3A_369 = arith.cmpi slt, %rem3A_365, %lt3A_368 : i32
      %lt3A_370 = arith.constant 0 : i32
      %lt3A_371 = arith.cmpi slt, %select_n3A_364, %lt3A_370 : i32
      %ne3A_372 = arith.xori %lt3A_369, %lt3A_371 : i1
      %and3A_373 = arith.andi %ne3A_372, %ne3A_367 : i1
      %add3A_374 = arith.addi %rem3A_365, %select_n3A_364 : i32
      %select_n3A_375 = arith.select %and3A_373, %add3A_374, %rem3A_365 : i32
      %swap3A_376 = arith.index_cast %select_n3A_375 : i32 to index
      %swap3A_377 = arith.constant 0 : index
      %swap3A_378 = tpu.vector_load %arg7[%swap3A_376, %swap3A_377] {strides = array<i32>} : memref<64x64xf32, #tpu.memory_space<vmem>>, vector<1x16xf32>,
      %swap3A_379 = vector.shape_cast %swap3A_378 : vector<1x16xf32> to vector<16xf32>
      %swap3A_380 = vector.shape_cast %mul3A_359 : vector<16xf32> to vector<1x16xf32>
      tpu.vector_store %arg7[%swap3A_376, %swap3A_377], %swap3A_380 {strides = array<i32>} : memref<64x64xf32, #tpu.memory_space<vmem>>, vector<1x16xf32>,
      %mul3A_381 = arith.mulf %scan3A_351#1, %div3A_358 : vector<16xf32>
      %jit3A_382 = arith.constant 64 : i32
      %eq3A_383 = arith.constant 0 : i32
      %eq3A_384 = arith.cmpi eq, %jit3A_382, %eq3A_383 : i32
      %jit3A_385 = arith.constant 1 : i32
      %select_n3A_386 = arith.select %eq3A_384, %jit3A_385, %jit3A_382 : i32
      %rem3A_387 = arith.remsi %add3A_336, %select_n3A_386 : i32
      %ne3A_388 = arith.constant 0 : i32
      %ne3A_389 = arith.cmpi ne, %rem3A_387, %ne3A_388 : i32
      %lt3A_390 = arith.constant 0 : i32
      %lt3A_391 = arith.cmpi slt, %rem3A_387, %lt3A_390 : i32
      %lt3A_392 = arith.constant 0 : i32
      %lt3A_393 = arith.cmpi slt, %select_n3A_386, %lt3A_392 : i32
      %ne3A_394 = arith.xori %lt3A_391, %lt3A_393 : i1
      %and3A_395 = arith.andi %ne3A_394, %ne3A_389 : i1
      %add3A_396 = arith.addi %rem3A_387, %select_n3A_386 : i32
      %select_n3A_397 = arith.select %and3A_395, %add3A_396, %rem3A_387 : i32
      %swap3A_398 = arith.index_cast %select_n3A_397 : i32 to index
      %swap3A_399 = arith.constant 16 : index
      %swap3A_400 = tpu.vector_load %arg7[%swap3A_398, %swap3A_399] {strides = array<i32>} : memref<64x64xf32, #tpu.memory_space<vmem>>, vector<1x16xf32>,
      %swap3A_401 = vector.shape_cast %swap3A_400 : vector<1x16xf32> to vector<16xf32>
      %swap3A_402 = vector.shape_cast %mul3A_381 : vector<16xf32> to vector<1x16xf32>
      tpu.vector_store %arg7[%swap3A_398, %swap3A_399], %swap3A_402 {strides = array<i32>} : memref<64x64xf32, #tpu.memory_space<vmem>>, vector<1x16xf32>,
      %mul3A_403 = arith.mulf %scan3A_351#2, %div3A_358 : vector<16xf32>
      %jit3A_404 = arith.constant 64 : i32
      %eq3A_405 = arith.constant 0 : i32
      %eq3A_406 = arith.cmpi eq, %jit3A_404, %eq3A_405 : i32
      %jit3A_407 = arith.constant 1 : i32
      %select_n3A_408 = arith.select %eq3A_406, %jit3A_407, %jit3A_404 : i32
      %rem3A_409 = arith.remsi %add3A_336, %select_n3A_408 : i32
      %ne3A_410 = arith.constant 0 : i32
      %ne3A_411 = arith.cmpi ne, %rem3A_409, %ne3A_410 : i32
      %lt3A_412 = arith.constant 0 : i32
      %lt3A_413 = arith.cmpi slt, %rem3A_409, %lt3A_412 : i32
      %lt3A_414 = arith.constant 0 : i32
      %lt3A_415 = arith.cmpi slt, %select_n3A_408, %lt3A_414 : i32
      %ne3A_416 = arith.xori %lt3A_413, %lt3A_415 : i1
      %and3A_417 = arith.andi %ne3A_416, %ne3A_411 : i1
      %add3A_418 = arith.addi %rem3A_409, %select_n3A_408 : i32
      %select_n3A_419 = arith.select %and3A_417, %add3A_418, %rem3A_409 : i32
      %swap3A_420 = arith.index_cast %select_n3A_419 : i32 to index
      %swap3A_421 = arith.constant 32 : index
      %swap3A_422 = tpu.vector_load %arg7[%swap3A_420, %swap3A_421] {strides = array<i32>} : memref<64x64xf32, #tpu.memory_space<vmem>>, vector<1x16xf32>,
      %swap3A_423 = vector.shape_cast %swap3A_422 : vector<1x16xf32> to vector<16xf32>
      %swap3A_424 = vector.shape_cast %mul3A_403 : vector<16xf32> to vector<1x16xf32>
      tpu.vector_store %arg7[%swap3A_420, %swap3A_421], %swap3A_424 {strides = array<i32>} : memref<64x64xf32, #tpu.memory_space<vmem>>, vector<1x16xf32>,
      %mul3A_425 = arith.mulf %scan3A_351#3, %div3A_358 : vector<16xf32>
      %jit3A_426 = arith.constant 64 : i32
      %eq3A_427 = arith.constant 0 : i32
      %eq3A_428 = arith.cmpi eq, %jit3A_426, %eq3A_427 : i32
      %jit3A_429 = arith.constant 1 : i32
      %select_n3A_430 = arith.select %eq3A_428, %jit3A_429, %jit3A_426 : i32
      %rem3A_431 = arith.remsi %add3A_336, %select_n3A_430 : i32
      %ne3A_432 = arith.constant 0 : i32
      %ne3A_433 = arith.cmpi ne, %rem3A_431, %ne3A_432 : i32
      %lt3A_434 = arith.constant 0 : i32
      %lt3A_435 = arith.cmpi slt, %rem3A_431, %lt3A_434 : i32
      %lt3A_436 = arith.constant 0 : i32
      %lt3A_437 = arith.cmpi slt, %select_n3A_430, %lt3A_436 : i32
      %ne3A_438 = arith.xori %lt3A_435, %lt3A_437 : i1
      %and3A_439 = arith.andi %ne3A_438, %ne3A_433 : i1
      %add3A_440 = arith.addi %rem3A_431, %select_n3A_430 : i32
      %select_n3A_441 = arith.select %and3A_439, %add3A_440, %rem3A_431 : i32
      %swap3A_442 = arith.index_cast %select_n3A_441 : i32 to index
      %swap3A_443 = arith.constant 48 : index
      %swap3A_444 = tpu.vector_load %arg7[%swap3A_442, %swap3A_443] {strides = array<i32>} : memref<64x64xf32, #tpu.memory_space<vmem>>, vector<1x16xf32>,
      %swap3A_445 = vector.shape_cast %swap3A_444 : vector<1x16xf32> to vector<16xf32>
      %swap3A_446 = vector.shape_cast %mul3A_425 : vector<16xf32> to vector<1x16xf32>
      tpu.vector_store %arg7[%swap3A_442, %swap3A_443], %swap3A_446 {strides = array<i32>} : memref<64x64xf32, #tpu.memory_space<vmem>>, vector<1x16xf32>,
      %mul3A_447 = arith.constant 2 : i32
      %mul3A_448 = arith.muli %mul3A_447, %add3A_321 : i32
      %add3A_449 = arith.constant 1 : i32
      %add3A_450 = arith.addi %mul3A_448, %add3A_449 : i32
      %broadcast_in_dim3A_451 = arith.constant 0.000000e+00 : f32
      %broadcast_in_dim3A_452 = vector.broadcast %broadcast_in_dim3A_451 : f32 to vector<16xf32>
      %broadcast_in_dim3A_453 = arith.constant 0.000000e+00 : f32
      %broadcast_in_dim3A_454 = vector.broadcast %broadcast_in_dim3A_453 : f32 to vector<16xf32>
      %broadcast_in_dim3A_455 = arith.constant 0.000000e+00 : f32
      %broadcast_in_dim3A_456 = vector.broadcast %broadcast_in_dim3A_455 : f32 to vector<16xf32>
      %broadcast_in_dim3A_457 = arith.constant 0.000000e+00 : f32
      %broadcast_in_dim3A_458 = vector.broadcast %broadcast_in_dim3A_457 : f32 to vector<16xf32>
      %broadcast_in_dim3A_459 = arith.constant 0.000000e+00 : f32
      %broadcast_in_dim3A_460 = vector.broadcast %broadcast_in_dim3A_459 : f32 to vector<16xf32>
      %scan3A_461 = arith.constant 0 : i32
      %scan3A_462 = arith.constant 25 : i32
      %scan3A_463 = arith.addi %scan3A_461, %scan3A_462 : i32
      %scan3A_464 = arith.constant 1 : i32
      %scan3A_465:5 = scf.for %scan3A_1132 = %scan3A_461 to %scan3A_463 step %scan3A_464 iter_args(%scan3A_1133 = %broadcast_in_dim3A_452, %scan3A_1134 = %broadcast_in_dim3A_454, %scan3A_1135 = %broadcast_in_dim3A_456, %scan3A_1136 = %broadcast_in_dim3A_458, %scan3A_1137 = %broadcast_in_dim3A_460) -> (vector<16xf32>, vector<16xf32>, vector<16xf32>, vector<16xf32>, vector<16xf32>)  : i32 {
        %mul3A_1138 = arith.constant 2 : i32
        %mul3A_1139 = arith.muli %mul3A_1138, %scan3A_1132 : i32
        %add3A_1140 = arith.constant 50 : i32
        %add3A_1141 = arith.addi %add3A_1140, %mul3A_1139 : i32
        %add3A_1142 = arith.constant 0 : i32
        %add3A_1143 = arith.addi %add3A_1141, %add3A_1142 : i32
        %get3A = arith.constant 1 : i32
        %get3A_1144 = arith.index_cast %get3A : i32 to index
        %get3A_1145 = arith.index_cast %add3A_1143 : i32 to index
        %get3A_1146 = arith.constant 0 : index
        %get3A_1147 = tpu.vector_load %arg6[%get3A_1144, %get3A_1145, %get3A_1146] {strides = array<i32>} : memref<4x100x48xi32, #tpu.memory_space<vmem>>, vector<1x1x16xi32>,
        %get3A_1148 = vector.shape_cast %get3A_1147 : vector<1x1x16xi32> to vector<16xi32>
        %shift_left3A = arith.constant 16 : i32
        %shift_left3A_1149 = vector.broadcast %shift_left3A : i32 to vector<16xi32>
        %shift_left3A_1150 = arith.shli %get3A_1148, %shift_left3A_1149 : vector<16xi32>
        %bitcast_convert_type3A = tpu.bitcast %shift_left3A_1150 : vector<16xi32> -> vector<16xf32>
        %add3A_1151 = arith.addf %scan3A_1133, %bitcast_convert_type3A : vector<16xf32>
        %and3A_1152 = arith.constant -65536 : i32
        %and3A_1153 = vector.broadcast %and3A_1152 : i32 to vector<16xi32>
        %and3A_1154 = arith.andi %get3A_1148, %and3A_1153 : vector<16xi32>
        %bitcast_convert_type3A_1155 = tpu.bitcast %and3A_1154 : vector<16xi32> -> vector<16xf32>
        %add3A_1156 = arith.addf %scan3A_1134, %bitcast_convert_type3A_1155 : vector<16xf32>
        %get3A_1157 = arith.constant 1 : i32
        %get3A_1158 = arith.index_cast %get3A_1157 : i32 to index
        %get3A_1159 = arith.index_cast %add3A_1143 : i32 to index
        %get3A_1160 = arith.constant 16 : index
        %get3A_1161 = tpu.vector_load %arg6[%get3A_1158, %get3A_1159, %get3A_1160] {strides = array<i32>} : memref<4x100x48xi32, #tpu.memory_space<vmem>>, vector<1x1x16xi32>,
        %get3A_1162 = vector.shape_cast %get3A_1161 : vector<1x1x16xi32> to vector<16xi32>
        %shift_left3A_1163 = arith.constant 16 : i32
        %shift_left3A_1164 = vector.broadcast %shift_left3A_1163 : i32 to vector<16xi32>
        %shift_left3A_1165 = arith.shli %get3A_1162, %shift_left3A_1164 : vector<16xi32>
        %bitcast_convert_type3A_1166 = tpu.bitcast %shift_left3A_1165 : vector<16xi32> -> vector<16xf32>
        %add3A_1167 = arith.addf %scan3A_1135, %bitcast_convert_type3A_1166 : vector<16xf32>
        %and3A_1168 = arith.constant -65536 : i32
        %and3A_1169 = vector.broadcast %and3A_1168 : i32 to vector<16xi32>
        %and3A_1170 = arith.andi %get3A_1162, %and3A_1169 : vector<16xi32>
        %bitcast_convert_type3A_1171 = tpu.bitcast %and3A_1170 : vector<16xi32> -> vector<16xf32>
        %add3A_1172 = arith.addf %scan3A_1136, %bitcast_convert_type3A_1171 : vector<16xf32>
        %get3A_1173 = arith.constant 1 : i32
        %get3A_1174 = arith.index_cast %get3A_1173 : i32 to index
        %get3A_1175 = arith.index_cast %add3A_1143 : i32 to index
        %get3A_1176 = arith.constant 32 : index
        %get3A_1177 = tpu.vector_load %arg6[%get3A_1174, %get3A_1175, %get3A_1176] {strides = array<i32>} : memref<4x100x48xi32, #tpu.memory_space<vmem>>, vector<1x1x16xi32>,
        %get3A_1178 = vector.shape_cast %get3A_1177 : vector<1x1x16xi32> to vector<16xi32>
        %shift_left3A_1179 = arith.constant 16 : i32
        %shift_left3A_1180 = vector.broadcast %shift_left3A_1179 : i32 to vector<16xi32>
        %shift_left3A_1181 = arith.shli %get3A_1178, %shift_left3A_1180 : vector<16xi32>
        %bitcast_convert_type3A_1182 = tpu.bitcast %shift_left3A_1181 : vector<16xi32> -> vector<16xf32>
        %add3A_1183 = arith.addf %scan3A_1137, %bitcast_convert_type3A_1182 : vector<16xf32>
        %mul3A_1184 = arith.constant 2 : i32
        %mul3A_1185 = arith.muli %mul3A_1184, %scan3A_1132 : i32
        %add3A_1186 = arith.constant 50 : i32
        %add3A_1187 = arith.addi %add3A_1186, %mul3A_1185 : i32
        %add3A_1188 = arith.constant 1 : i32
        %add3A_1189 = arith.addi %add3A_1187, %add3A_1188 : i32
        %get3A_1190 = arith.constant 1 : i32
        %get3A_1191 = arith.index_cast %get3A_1190 : i32 to index
        %get3A_1192 = arith.index_cast %add3A_1189 : i32 to index
        %get3A_1193 = arith.constant 0 : index
        %get3A_1194 = tpu.vector_load %arg6[%get3A_1191, %get3A_1192, %get3A_1193] {strides = array<i32>} : memref<4x100x48xi32, #tpu.memory_space<vmem>>, vector<1x1x16xi32>,
        %get3A_1195 = vector.shape_cast %get3A_1194 : vector<1x1x16xi32> to vector<16xi32>
        %shift_left3A_1196 = arith.constant 16 : i32
        %shift_left3A_1197 = vector.broadcast %shift_left3A_1196 : i32 to vector<16xi32>
        %shift_left3A_1198 = arith.shli %get3A_1195, %shift_left3A_1197 : vector<16xi32>
        %bitcast_convert_type3A_1199 = tpu.bitcast %shift_left3A_1198 : vector<16xi32> -> vector<16xf32>
        %add3A_1200 = arith.addf %add3A_1151, %bitcast_convert_type3A_1199 : vector<16xf32>
        %and3A_1201 = arith.constant -65536 : i32
        %and3A_1202 = vector.broadcast %and3A_1201 : i32 to vector<16xi32>
        %and3A_1203 = arith.andi %get3A_1195, %and3A_1202 : vector<16xi32>
        %bitcast_convert_type3A_1204 = tpu.bitcast %and3A_1203 : vector<16xi32> -> vector<16xf32>
        %add3A_1205 = arith.addf %add3A_1156, %bitcast_convert_type3A_1204 : vector<16xf32>
        %get3A_1206 = arith.constant 1 : i32
        %get3A_1207 = arith.index_cast %get3A_1206 : i32 to index
        %get3A_1208 = arith.index_cast %add3A_1189 : i32 to index
        %get3A_1209 = arith.constant 16 : index
        %get3A_1210 = tpu.vector_load %arg6[%get3A_1207, %get3A_1208, %get3A_1209] {strides = array<i32>} : memref<4x100x48xi32, #tpu.memory_space<vmem>>, vector<1x1x16xi32>,
        %get3A_1211 = vector.shape_cast %get3A_1210 : vector<1x1x16xi32> to vector<16xi32>
        %shift_left3A_1212 = arith.constant 16 : i32
        %shift_left3A_1213 = vector.broadcast %shift_left3A_1212 : i32 to vector<16xi32>
        %shift_left3A_1214 = arith.shli %get3A_1211, %shift_left3A_1213 : vector<16xi32>
        %bitcast_convert_type3A_1215 = tpu.bitcast %shift_left3A_1214 : vector<16xi32> -> vector<16xf32>
        %add3A_1216 = arith.addf %add3A_1167, %bitcast_convert_type3A_1215 : vector<16xf32>
        %and3A_1217 = arith.constant -65536 : i32
        %and3A_1218 = vector.broadcast %and3A_1217 : i32 to vector<16xi32>
        %and3A_1219 = arith.andi %get3A_1211, %and3A_1218 : vector<16xi32>
        %bitcast_convert_type3A_1220 = tpu.bitcast %and3A_1219 : vector<16xi32> -> vector<16xf32>
        %add3A_1221 = arith.addf %add3A_1172, %bitcast_convert_type3A_1220 : vector<16xf32>
        %get3A_1222 = arith.constant 1 : i32
        %get3A_1223 = arith.index_cast %get3A_1222 : i32 to index
        %get3A_1224 = arith.index_cast %add3A_1189 : i32 to index
        %get3A_1225 = arith.constant 32 : index
        %get3A_1226 = tpu.vector_load %arg6[%get3A_1223, %get3A_1224, %get3A_1225] {strides = array<i32>} : memref<4x100x48xi32, #tpu.memory_space<vmem>>, vector<1x1x16xi32>,
        %get3A_1227 = vector.shape_cast %get3A_1226 : vector<1x1x16xi32> to vector<16xi32>
        %shift_left3A_1228 = arith.constant 16 : i32
        %shift_left3A_1229 = vector.broadcast %shift_left3A_1228 : i32 to vector<16xi32>
        %shift_left3A_1230 = arith.shli %get3A_1227, %shift_left3A_1229 : vector<16xi32>
        %bitcast_convert_type3A_1231 = tpu.bitcast %shift_left3A_1230 : vector<16xi32> -> vector<16xf32>
        %add3A_1232 = arith.addf %add3A_1183, %bitcast_convert_type3A_1231 : vector<16xf32>
        scf.yield %add3A_1200, %add3A_1205, %add3A_1216, %add3A_1221, %add3A_1232 : vector<16xf32>, vector<16xf32>, vector<16xf32>, vector<16xf32>, vector<16xf32>
      }
      %scan3A_466 = arith.constant 25 : i32
      %add3A_467 = arith.constant 9.99999993E-9 : f32
      %add3A_468 = vector.broadcast %add3A_467 : f32 to vector<16xf32>
      %add3A_469 = arith.addf %scan3A_465#4, %add3A_468 : vector<16xf32>
      %div3A_470 = arith.constant 1.000000e+00 : f32
      %div3A_471 = vector.broadcast %div3A_470 : f32 to vector<16xf32>
      %div3A_472 = arith.divf %div3A_471, %add3A_469 : vector<16xf32>
      %mul3A_473 = arith.mulf %scan3A_465#0, %div3A_472 : vector<16xf32>
      %jit3A_474 = arith.constant 64 : i32
      %eq3A_475 = arith.constant 0 : i32
      %eq3A_476 = arith.cmpi eq, %jit3A_474, %eq3A_475 : i32
      %jit3A_477 = arith.constant 1 : i32
      %select_n3A_478 = arith.select %eq3A_476, %jit3A_477, %jit3A_474 : i32
      %rem3A_479 = arith.remsi %add3A_450, %select_n3A_478 : i32
      %ne3A_480 = arith.constant 0 : i32
      %ne3A_481 = arith.cmpi ne, %rem3A_479, %ne3A_480 : i32
      %lt3A_482 = arith.constant 0 : i32
      %lt3A_483 = arith.cmpi slt, %rem3A_479, %lt3A_482 : i32
      %lt3A_484 = arith.constant 0 : i32
      %lt3A_485 = arith.cmpi slt, %select_n3A_478, %lt3A_484 : i32
      %ne3A_486 = arith.xori %lt3A_483, %lt3A_485 : i1
      %and3A_487 = arith.andi %ne3A_486, %ne3A_481 : i1
      %add3A_488 = arith.addi %rem3A_479, %select_n3A_478 : i32
      %select_n3A_489 = arith.select %and3A_487, %add3A_488, %rem3A_479 : i32
      %swap3A_490 = arith.index_cast %select_n3A_489 : i32 to index
      %swap3A_491 = arith.constant 0 : index
      %swap3A_492 = tpu.vector_load %arg7[%swap3A_490, %swap3A_491] {strides = array<i32>} : memref<64x64xf32, #tpu.memory_space<vmem>>, vector<1x16xf32>,
      %swap3A_493 = vector.shape_cast %swap3A_492 : vector<1x16xf32> to vector<16xf32>
      %swap3A_494 = vector.shape_cast %mul3A_473 : vector<16xf32> to vector<1x16xf32>
      tpu.vector_store %arg7[%swap3A_490, %swap3A_491], %swap3A_494 {strides = array<i32>} : memref<64x64xf32, #tpu.memory_space<vmem>>, vector<1x16xf32>,
      %mul3A_495 = arith.mulf %scan3A_465#1, %div3A_472 : vector<16xf32>
      %jit3A_496 = arith.constant 64 : i32
      %eq3A_497 = arith.constant 0 : i32
      %eq3A_498 = arith.cmpi eq, %jit3A_496, %eq3A_497 : i32
      %jit3A_499 = arith.constant 1 : i32
      %select_n3A_500 = arith.select %eq3A_498, %jit3A_499, %jit3A_496 : i32
      %rem3A_501 = arith.remsi %add3A_450, %select_n3A_500 : i32
      %ne3A_502 = arith.constant 0 : i32
      %ne3A_503 = arith.cmpi ne, %rem3A_501, %ne3A_502 : i32
      %lt3A_504 = arith.constant 0 : i32
      %lt3A_505 = arith.cmpi slt, %rem3A_501, %lt3A_504 : i32
      %lt3A_506 = arith.constant 0 : i32
      %lt3A_507 = arith.cmpi slt, %select_n3A_500, %lt3A_506 : i32
      %ne3A_508 = arith.xori %lt3A_505, %lt3A_507 : i1
      %and3A_509 = arith.andi %ne3A_508, %ne3A_503 : i1
      %add3A_510 = arith.addi %rem3A_501, %select_n3A_500 : i32
      %select_n3A_511 = arith.select %and3A_509, %add3A_510, %rem3A_501 : i32
      %swap3A_512 = arith.index_cast %select_n3A_511 : i32 to index
      %swap3A_513 = arith.constant 16 : index
      %swap3A_514 = tpu.vector_load %arg7[%swap3A_512, %swap3A_513] {strides = array<i32>} : memref<64x64xf32, #tpu.memory_space<vmem>>, vector<1x16xf32>,
      %swap3A_515 = vector.shape_cast %swap3A_514 : vector<1x16xf32> to vector<16xf32>
      %swap3A_516 = vector.shape_cast %mul3A_495 : vector<16xf32> to vector<1x16xf32>
      tpu.vector_store %arg7[%swap3A_512, %swap3A_513], %swap3A_516 {strides = array<i32>} : memref<64x64xf32, #tpu.memory_space<vmem>>, vector<1x16xf32>,
      %mul3A_517 = arith.mulf %scan3A_465#2, %div3A_472 : vector<16xf32>
      %jit3A_518 = arith.constant 64 : i32
      %eq3A_519 = arith.constant 0 : i32
      %eq3A_520 = arith.cmpi eq, %jit3A_518, %eq3A_519 : i32
      %jit3A_521 = arith.constant 1 : i32
      %select_n3A_522 = arith.select %eq3A_520, %jit3A_521, %jit3A_518 : i32
      %rem3A_523 = arith.remsi %add3A_450, %select_n3A_522 : i32
      %ne3A_524 = arith.constant 0 : i32
      %ne3A_525 = arith.cmpi ne, %rem3A_523, %ne3A_524 : i32
      %lt3A_526 = arith.constant 0 : i32
      %lt3A_527 = arith.cmpi slt, %rem3A_523, %lt3A_526 : i32
      %lt3A_528 = arith.constant 0 : i32
      %lt3A_529 = arith.cmpi slt, %select_n3A_522, %lt3A_528 : i32
      %ne3A_530 = arith.xori %lt3A_527, %lt3A_529 : i1
      %and3A_531 = arith.andi %ne3A_530, %ne3A_525 : i1
      %add3A_532 = arith.addi %rem3A_523, %select_n3A_522 : i32
      %select_n3A_533 = arith.select %and3A_531, %add3A_532, %rem3A_523 : i32
      %swap3A_534 = arith.index_cast %select_n3A_533 : i32 to index
      %swap3A_535 = arith.constant 32 : index
      %swap3A_536 = tpu.vector_load %arg7[%swap3A_534, %swap3A_535] {strides = array<i32>} : memref<64x64xf32, #tpu.memory_space<vmem>>, vector<1x16xf32>,
      %swap3A_537 = vector.shape_cast %swap3A_536 : vector<1x16xf32> to vector<16xf32>
      %swap3A_538 = vector.shape_cast %mul3A_517 : vector<16xf32> to vector<1x16xf32>
      tpu.vector_store %arg7[%swap3A_534, %swap3A_535], %swap3A_538 {strides = array<i32>} : memref<64x64xf32, #tpu.memory_space<vmem>>, vector<1x16xf32>,
      %mul3A_539 = arith.mulf %scan3A_465#3, %div3A_472 : vector<16xf32>
      %jit3A_540 = arith.constant 64 : i32
      %eq3A_541 = arith.constant 0 : i32
      %eq3A_542 = arith.cmpi eq, %jit3A_540, %eq3A_541 : i32
      %jit3A_543 = arith.constant 1 : i32
      %select_n3A_544 = arith.select %eq3A_542, %jit3A_543, %jit3A_540 : i32
      %rem3A_545 = arith.remsi %add3A_450, %select_n3A_544 : i32
      %ne3A_546 = arith.constant 0 : i32
      %ne3A_547 = arith.cmpi ne, %rem3A_545, %ne3A_546 : i32
      %lt3A_548 = arith.constant 0 : i32
      %lt3A_549 = arith.cmpi slt, %rem3A_545, %lt3A_548 : i32
      %lt3A_550 = arith.constant 0 : i32
      %lt3A_551 = arith.cmpi slt, %select_n3A_544, %lt3A_550 : i32
      %ne3A_552 = arith.xori %lt3A_549, %lt3A_551 : i1
      %and3A_553 = arith.andi %ne3A_552, %ne3A_547 : i1
      %add3A_554 = arith.addi %rem3A_545, %select_n3A_544 : i32
      %select_n3A_555 = arith.select %and3A_553, %add3A_554, %rem3A_545 : i32
      %swap3A_556 = arith.index_cast %select_n3A_555 : i32 to index
      %swap3A_557 = arith.constant 48 : index
      %swap3A_558 = tpu.vector_load %arg7[%swap3A_556, %swap3A_557] {strides = array<i32>} : memref<64x64xf32, #tpu.memory_space<vmem>>, vector<1x16xf32>,
      %swap3A_559 = vector.shape_cast %swap3A_558 : vector<1x16xf32> to vector<16xf32>
      %swap3A_560 = vector.shape_cast %mul3A_539 : vector<16xf32> to vector<1x16xf32>
      tpu.vector_store %arg7[%swap3A_556, %swap3A_557], %swap3A_560 {strides = array<i32>} : memref<64x64xf32, #tpu.memory_space<vmem>>, vector<1x16xf32>,
      %add3A_561 = arith.constant 4 : i32
      %add3A_562 = arith.addi %add3A_321, %add3A_561 : i32
      %lt3A_563 = arith.constant 256 : i32
      %lt3A_564 = arith.cmpi slt, %add3A_562, %lt3A_563 : i32
      %convert_element_type3A_565 = arith.extui %lt3A_564 : i1 to i32
      %cond3A_566 = arith.constant 0 : i32
      %cond3A_567 = arith.cmpi ne, %convert_element_type3A_565, %cond3A_566 : i32
      scf.if %cond3A_567 {
        %add3A_1132 = arith.constant 4 : i32
        %add3A_1133 = arith.addi %add3A_321, %add3A_1132 : i32
        %dma_start3A_1134 = arith.constant 1 : i32
        %dma_start3A_1135 = arith.constant 0 : i32
        %dma_start3A_1136 = arith.constant 0 : i32
        %dma_start3A_1137 = tpu.memref_slice %arg6[%dma_start3A_1134, %dma_start3A_1135, %dma_start3A_1136] : memref<4x100x48xi32, #tpu.memory_space<vmem>> -> memref<1x100x48xi32, #tpu.memory_space<vmem>>
        %dma_start3A_1138 = tpu.memref_squeeze %dma_start3A_1137 : memref<1x100x48xi32, #tpu.memory_space<vmem>> -> memref<100x48xi32, #tpu.memory_space<vmem>>
        %dma_start3A_1139 = arith.constant 0 : i32
        %dma_start3A_1140 = tpu.memref_slice %arg5[%add3A_1133, %dma_start3A_1139] : memref<256x100xi32, #tpu.memory_space<vmem>> -> memref<1x100xi32, #tpu.memory_space<vmem>>
        %dma_start3A_1141 = tpu.memref_squeeze %dma_start3A_1140 : memref<1x100xi32, #tpu.memory_space<vmem>> -> memref<100xi32, #tpu.memory_space<vmem>>
        %dma_start3A_1142 = arith.constant 0 : i32
        %dma_start3A_1143 = arith.constant 0 : i32
        %dma_start3A_1144 = tpu.memref_slice %arg8[%dma_start3A_1142, %dma_start3A_1143] : memref<18176x48xi32, #tpu.memory_space<vmem_shared>> -> memref<18176x48xi32, #tpu.memory_space<vmem_shared>>
        tpu.enqueue_indirect_dma source(%dma_start3A_1144 : memref<18176x48xi32, #tpu.memory_space<vmem_shared>>) target(%dma_start3A_1138 : memref<100x48xi32, #tpu.memory_space<vmem>>) offsets(%dma_start3A_1141 : memref<100xi32, #tpu.memory_space<vmem>>) semaphore(%arg10 : memref<!tpu.dma_semaphore, #tpu.memory_space<semaphore_mem>>)
      } else {
      }
      %jit3A_568 = arith.constant 32 : i32
      %eq3A_569 = arith.constant 0 : i32
      %eq3A_570 = arith.cmpi eq, %jit3A_568, %eq3A_569 : i32
      %jit3A_571 = arith.constant 1 : i32
      %select_n3A_572 = arith.select %eq3A_570, %jit3A_571, %jit3A_568 : i32
      %rem3A_573 = arith.remsi %add3A_321, %select_n3A_572 : i32
      %ne3A_574 = arith.constant 0 : i32
      %ne3A_575 = arith.cmpi ne, %rem3A_573, %ne3A_574 : i32
      %lt3A_576 = arith.constant 0 : i32
      %lt3A_577 = arith.cmpi slt, %rem3A_573, %lt3A_576 : i32
      %lt3A_578 = arith.constant 0 : i32
      %lt3A_579 = arith.cmpi slt, %select_n3A_572, %lt3A_578 : i32
      %ne3A_580 = arith.xori %lt3A_577, %lt3A_579 : i1
      %and3A_581 = arith.andi %ne3A_580, %ne3A_575 : i1
      %add3A_582 = arith.addi %rem3A_573, %select_n3A_572 : i32
      %select_n3A_583 = arith.select %and3A_581, %add3A_582, %rem3A_573 : i32
      %eq3A_584 = arith.constant 31 : i32
      %eq3A_585 = arith.cmpi eq, %select_n3A_583, %eq3A_584 : i32
      %convert_element_type3A_586 = arith.extui %eq3A_585 : i1 to i32
      %cond3A_587 = arith.constant 0 : i32
      %cond3A_588 = arith.cmpi ne, %convert_element_type3A_586, %cond3A_587 : i32
      scf.if %cond3A_588 {
        %mul3A_1132 = arith.constant 512 : i32
        %mul3A_1133 = arith.muli %add3A, %mul3A_1132 : i32
        %jit3A_1134 = arith.constant 32 : i32
        %div3A_1135 = arith.divsi %add3A_321, %jit3A_1134 : i32
        %sign3A = arith.constant 0 : i32
        %sign3A_1136 = arith.cmpi sgt, %add3A_321, %sign3A : i32
        %sign3A_1137 = arith.extui %sign3A_1136 : i1 to i32
        %sign3A_1138 = arith.constant 0 : i32
        %sign3A_1139 = arith.cmpi slt, %add3A_321, %sign3A_1138 : i32
        %sign3A_1140 = arith.extui %sign3A_1139 : i1 to i32
        %sign3A_1141 = arith.subi %sign3A_1137, %sign3A_1140 : i32
        %sign3A_1142 = arith.constant 0 : i32
        %sign3A_1143 = arith.cmpi sgt, %jit3A_1134, %sign3A_1142 : i32
        %sign3A_1144 = arith.extui %sign3A_1143 : i1 to i32
        %sign3A_1145 = arith.constant 0 : i32
        %sign3A_1146 = arith.cmpi slt, %jit3A_1134, %sign3A_1145 : i32
        %sign3A_1147 = arith.extui %sign3A_1146 : i1 to i32
        %sign3A_1148 = arith.subi %sign3A_1144, %sign3A_1147 : i32
        %ne3A_1149 = arith.cmpi ne, %sign3A_1141, %sign3A_1148 : i32
        %rem3A_1150 = arith.remsi %add3A_321, %jit3A_1134 : i32
        %ne3A_1151 = arith.constant 0 : i32
        %ne3A_1152 = arith.cmpi ne, %rem3A_1150, %ne3A_1151 : i32
        %and3A_1153 = arith.andi %ne3A_1149, %ne3A_1152 : i1
        %sub3A = arith.constant 1 : i32
        %sub3A_1154 = arith.subi %div3A_1135, %sub3A : i32
        %select_n3A_1155 = arith.select %and3A_1153, %sub3A_1154, %div3A_1135 : i32
        %mul3A_1156 = arith.constant 64 : i32
        %mul3A_1157 = arith.muli %select_n3A_1155, %mul3A_1156 : i32
        %add3A_1158 = arith.addi %mul3A_1133, %mul3A_1157 : i32
        "tpu.region"() ({
          %run_scoped3A = tpu.sem_alloc : memref<!tpu.dma_semaphore, #tpu.memory_space<semaphore_mem>>
          %dma_start3A_1159 = arith.constant 0 : i32
          %dma_start3A_1160 = tpu.memref_slice %arg4[%add3A_1158, %dma_start3A_1159] : memref<16384x64xf32, #tpu.memory_space<hbm>> -> memref<64x64xf32, #tpu.memory_space<hbm>>
          %dma_start3A_1161 = arith.constant 0 : i32
          %dma_start3A_1162 = tpu.memref_slice %arg4[%add3A_1158, %dma_start3A_1161] : memref<16384x64xf32, #tpu.memory_space<hbm>> -> memref<64x64xf32, #tpu.memory_space<hbm>>
          tpu.enqueue_dma source(%arg7 : memref<64x64xf32, #tpu.memory_space<vmem>>) target(%dma_start3A_1162 : memref<64x64xf32, #tpu.memory_space<hbm>>) target_semaphore(%run_scoped3A : memref<!tpu.dma_semaphore, #tpu.memory_space<semaphore_mem>>)
          %dma_wait3A_1163 = arith.constant 0 : i32
          %dma_wait3A_1164 = tpu.memref_slice %arg4[%add3A_1158, %dma_wait3A_1163] : memref<16384x64xf32, #tpu.memory_space<hbm>> -> memref<64x64xf32, #tpu.memory_space<hbm>>
          %dma_wait3A_1165 = arith.constant 0 : i32
          %dma_wait3A_1166 = tpu.memref_slice %arg4[%add3A_1158, %dma_wait3A_1165] : memref<16384x64xf32, #tpu.memory_space<hbm>> -> memref<64x64xf32, #tpu.memory_space<hbm>>
          tpu.wait_dma2 semaphore(%run_scoped3A : memref<!tpu.dma_semaphore, #tpu.memory_space<semaphore_mem>>) src(%arg7 : memref<64x64xf32, #tpu.memory_space<vmem>>) dst(%dma_wait3A_1166 : memref<64x64xf32, #tpu.memory_space<hbm>>)
          tpu.yield
        }) : () -> ()
      } else {
      }
      %mul3A_589 = arith.constant 4 : i32
      %mul3A_590 = arith.muli %mul3A_589, %scan3A_58 : i32
      %add3A_591 = arith.constant 2 : i32
      %add3A_592 = arith.addi %mul3A_590, %add3A_591 : i32
      %dma_wait3A_593 = arith.constant 2 : i32
      %dma_wait3A_594 = arith.constant 0 : i32
      %dma_wait3A_595 = arith.constant 0 : i32
      %dma_wait3A_596 = tpu.memref_slice %arg6[%dma_wait3A_593, %dma_wait3A_594, %dma_wait3A_595] : memref<4x100x48xi32, #tpu.memory_space<vmem>> -> memref<1x100x48xi32, #tpu.memory_space<vmem>>
      %dma_wait3A_597 = tpu.memref_squeeze %dma_wait3A_596 : memref<1x100x48xi32, #tpu.memory_space<vmem>> -> memref<100x48xi32, #tpu.memory_space<vmem>>
      %dma_wait3A_598 = arith.constant 0 : i32
      %dma_wait3A_599 = tpu.memref_slice %arg5[%add3A_592, %dma_wait3A_598] : memref<256x100xi32, #tpu.memory_space<vmem>> -> memref<1x100xi32, #tpu.memory_space<vmem>>
      %dma_wait3A_600 = tpu.memref_squeeze %dma_wait3A_599 : memref<1x100xi32, #tpu.memory_space<vmem>> -> memref<100xi32, #tpu.memory_space<vmem>>
      %dma_wait3A_601 = arith.constant 0 : i32
      %dma_wait3A_602 = arith.constant 0 : i32
      %dma_wait3A_603 = tpu.memref_slice %arg8[%dma_wait3A_601, %dma_wait3A_602] : memref<18176x48xi32, #tpu.memory_space<vmem_shared>> -> memref<18176x48xi32, #tpu.memory_space<vmem_shared>>
      tpu.wait_indirect_dma semaphore(%arg11 : memref<!tpu.dma_semaphore, #tpu.memory_space<semaphore_mem>>) src(%dma_wait3A_603 : memref<18176x48xi32, #tpu.memory_space<vmem_shared>>) dst(%dma_wait3A_597 : memref<100x48xi32, #tpu.memory_space<vmem>>)
      %mul3A_604 = arith.constant 2 : i32
      %mul3A_605 = arith.muli %mul3A_604, %add3A_592 : i32
      %add3A_606 = arith.constant 0 : i32
      %add3A_607 = arith.addi %mul3A_605, %add3A_606 : i32
      %broadcast_in_dim3A_608 = arith.constant 0.000000e+00 : f32
      %broadcast_in_dim3A_609 = vector.broadcast %broadcast_in_dim3A_608 : f32 to vector<16xf32>
      %broadcast_in_dim3A_610 = arith.constant 0.000000e+00 : f32
      %broadcast_in_dim3A_611 = vector.broadcast %broadcast_in_dim3A_610 : f32 to vector<16xf32>
      %broadcast_in_dim3A_612 = arith.constant 0.000000e+00 : f32
      %broadcast_in_dim3A_613 = vector.broadcast %broadcast_in_dim3A_612 : f32 to vector<16xf32>
      %broadcast_in_dim3A_614 = arith.constant 0.000000e+00 : f32
      %broadcast_in_dim3A_615 = vector.broadcast %broadcast_in_dim3A_614 : f32 to vector<16xf32>
      %broadcast_in_dim3A_616 = arith.constant 0.000000e+00 : f32
      %broadcast_in_dim3A_617 = vector.broadcast %broadcast_in_dim3A_616 : f32 to vector<16xf32>
      %scan3A_618 = arith.constant 0 : i32
      %scan3A_619 = arith.constant 25 : i32
      %scan3A_620 = arith.addi %scan3A_618, %scan3A_619 : i32
      %scan3A_621 = arith.constant 1 : i32
      %scan3A_622:5 = scf.for %scan3A_1132 = %scan3A_618 to %scan3A_620 step %scan3A_621 iter_args(%scan3A_1133 = %broadcast_in_dim3A_609, %scan3A_1134 = %broadcast_in_dim3A_611, %scan3A_1135 = %broadcast_in_dim3A_613, %scan3A_1136 = %broadcast_in_dim3A_615, %scan3A_1137 = %broadcast_in_dim3A_617) -> (vector<16xf32>, vector<16xf32>, vector<16xf32>, vector<16xf32>, vector<16xf32>)  : i32 {
        %mul3A_1138 = arith.constant 2 : i32
        %mul3A_1139 = arith.muli %mul3A_1138, %scan3A_1132 : i32
        %add3A_1140 = arith.constant 0 : i32
        %add3A_1141 = arith.addi %add3A_1140, %mul3A_1139 : i32
        %add3A_1142 = arith.constant 0 : i32
        %add3A_1143 = arith.addi %add3A_1141, %add3A_1142 : i32
        %get3A = arith.constant 2 : i32
        %get3A_1144 = arith.index_cast %get3A : i32 to index
        %get3A_1145 = arith.index_cast %add3A_1143 : i32 to index
        %get3A_1146 = arith.constant 0 : index
        %get3A_1147 = tpu.vector_load %arg6[%get3A_1144, %get3A_1145, %get3A_1146] {strides = array<i32>} : memref<4x100x48xi32, #tpu.memory_space<vmem>>, vector<1x1x16xi32>,
        %get3A_1148 = vector.shape_cast %get3A_1147 : vector<1x1x16xi32> to vector<16xi32>
        %shift_left3A = arith.constant 16 : i32
        %shift_left3A_1149 = vector.broadcast %shift_left3A : i32 to vector<16xi32>
        %shift_left3A_1150 = arith.shli %get3A_1148, %shift_left3A_1149 : vector<16xi32>
        %bitcast_convert_type3A = tpu.bitcast %shift_left3A_1150 : vector<16xi32> -> vector<16xf32>
        %add3A_1151 = arith.addf %scan3A_1133, %bitcast_convert_type3A : vector<16xf32>
        %and3A_1152 = arith.constant -65536 : i32
        %and3A_1153 = vector.broadcast %and3A_1152 : i32 to vector<16xi32>
        %and3A_1154 = arith.andi %get3A_1148, %and3A_1153 : vector<16xi32>
        %bitcast_convert_type3A_1155 = tpu.bitcast %and3A_1154 : vector<16xi32> -> vector<16xf32>
        %add3A_1156 = arith.addf %scan3A_1134, %bitcast_convert_type3A_1155 : vector<16xf32>
        %get3A_1157 = arith.constant 2 : i32
        %get3A_1158 = arith.index_cast %get3A_1157 : i32 to index
        %get3A_1159 = arith.index_cast %add3A_1143 : i32 to index
        %get3A_1160 = arith.constant 16 : index
        %get3A_1161 = tpu.vector_load %arg6[%get3A_1158, %get3A_1159, %get3A_1160] {strides = array<i32>} : memref<4x100x48xi32, #tpu.memory_space<vmem>>, vector<1x1x16xi32>,
        %get3A_1162 = vector.shape_cast %get3A_1161 : vector<1x1x16xi32> to vector<16xi32>
        %shift_left3A_1163 = arith.constant 16 : i32
        %shift_left3A_1164 = vector.broadcast %shift_left3A_1163 : i32 to vector<16xi32>
        %shift_left3A_1165 = arith.shli %get3A_1162, %shift_left3A_1164 : vector<16xi32>
        %bitcast_convert_type3A_1166 = tpu.bitcast %shift_left3A_1165 : vector<16xi32> -> vector<16xf32>
        %add3A_1167 = arith.addf %scan3A_1135, %bitcast_convert_type3A_1166 : vector<16xf32>
        %and3A_1168 = arith.constant -65536 : i32
        %and3A_1169 = vector.broadcast %and3A_1168 : i32 to vector<16xi32>
        %and3A_1170 = arith.andi %get3A_1162, %and3A_1169 : vector<16xi32>
        %bitcast_convert_type3A_1171 = tpu.bitcast %and3A_1170 : vector<16xi32> -> vector<16xf32>
        %add3A_1172 = arith.addf %scan3A_1136, %bitcast_convert_type3A_1171 : vector<16xf32>
        %get3A_1173 = arith.constant 2 : i32
        %get3A_1174 = arith.index_cast %get3A_1173 : i32 to index
        %get3A_1175 = arith.index_cast %add3A_1143 : i32 to index
        %get3A_1176 = arith.constant 32 : index
        %get3A_1177 = tpu.vector_load %arg6[%get3A_1174, %get3A_1175, %get3A_1176] {strides = array<i32>} : memref<4x100x48xi32, #tpu.memory_space<vmem>>, vector<1x1x16xi32>,
        %get3A_1178 = vector.shape_cast %get3A_1177 : vector<1x1x16xi32> to vector<16xi32>
        %shift_left3A_1179 = arith.constant 16 : i32
        %shift_left3A_1180 = vector.broadcast %shift_left3A_1179 : i32 to vector<16xi32>
        %shift_left3A_1181 = arith.shli %get3A_1178, %shift_left3A_1180 : vector<16xi32>
        %bitcast_convert_type3A_1182 = tpu.bitcast %shift_left3A_1181 : vector<16xi32> -> vector<16xf32>
        %add3A_1183 = arith.addf %scan3A_1137, %bitcast_convert_type3A_1182 : vector<16xf32>
        %mul3A_1184 = arith.constant 2 : i32
        %mul3A_1185 = arith.muli %mul3A_1184, %scan3A_1132 : i32
        %add3A_1186 = arith.constant 0 : i32
        %add3A_1187 = arith.addi %add3A_1186, %mul3A_1185 : i32
        %add3A_1188 = arith.constant 1 : i32
        %add3A_1189 = arith.addi %add3A_1187, %add3A_1188 : i32
        %get3A_1190 = arith.constant 2 : i32
        %get3A_1191 = arith.index_cast %get3A_1190 : i32 to index
        %get3A_1192 = arith.index_cast %add3A_1189 : i32 to index
        %get3A_1193 = arith.constant 0 : index
        %get3A_1194 = tpu.vector_load %arg6[%get3A_1191, %get3A_1192, %get3A_1193] {strides = array<i32>} : memref<4x100x48xi32, #tpu.memory_space<vmem>>, vector<1x1x16xi32>,
        %get3A_1195 = vector.shape_cast %get3A_1194 : vector<1x1x16xi32> to vector<16xi32>
        %shift_left3A_1196 = arith.constant 16 : i32
        %shift_left3A_1197 = vector.broadcast %shift_left3A_1196 : i32 to vector<16xi32>
        %shift_left3A_1198 = arith.shli %get3A_1195, %shift_left3A_1197 : vector<16xi32>
        %bitcast_convert_type3A_1199 = tpu.bitcast %shift_left3A_1198 : vector<16xi32> -> vector<16xf32>
        %add3A_1200 = arith.addf %add3A_1151, %bitcast_convert_type3A_1199 : vector<16xf32>
        %and3A_1201 = arith.constant -65536 : i32
        %and3A_1202 = vector.broadcast %and3A_1201 : i32 to vector<16xi32>
        %and3A_1203 = arith.andi %get3A_1195, %and3A_1202 : vector<16xi32>
        %bitcast_convert_type3A_1204 = tpu.bitcast %and3A_1203 : vector<16xi32> -> vector<16xf32>
        %add3A_1205 = arith.addf %add3A_1156, %bitcast_convert_type3A_1204 : vector<16xf32>
        %get3A_1206 = arith.constant 2 : i32
        %get3A_1207 = arith.index_cast %get3A_1206 : i32 to index
        %get3A_1208 = arith.index_cast %add3A_1189 : i32 to index
        %get3A_1209 = arith.constant 16 : index
        %get3A_1210 = tpu.vector_load %arg6[%get3A_1207, %get3A_1208, %get3A_1209] {strides = array<i32>} : memref<4x100x48xi32, #tpu.memory_space<vmem>>, vector<1x1x16xi32>,
        %get3A_1211 = vector.shape_cast %get3A_1210 : vector<1x1x16xi32> to vector<16xi32>
        %shift_left3A_1212 = arith.constant 16 : i32
        %shift_left3A_1213 = vector.broadcast %shift_left3A_1212 : i32 to vector<16xi32>
        %shift_left3A_1214 = arith.shli %get3A_1211, %shift_left3A_1213 : vector<16xi32>
        %bitcast_convert_type3A_1215 = tpu.bitcast %shift_left3A_1214 : vector<16xi32> -> vector<16xf32>
        %add3A_1216 = arith.addf %add3A_1167, %bitcast_convert_type3A_1215 : vector<16xf32>
        %and3A_1217 = arith.constant -65536 : i32
        %and3A_1218 = vector.broadcast %and3A_1217 : i32 to vector<16xi32>
        %and3A_1219 = arith.andi %get3A_1211, %and3A_1218 : vector<16xi32>
        %bitcast_convert_type3A_1220 = tpu.bitcast %and3A_1219 : vector<16xi32> -> vector<16xf32>
        %add3A_1221 = arith.addf %add3A_1172, %bitcast_convert_type3A_1220 : vector<16xf32>
        %get3A_1222 = arith.constant 2 : i32
        %get3A_1223 = arith.index_cast %get3A_1222 : i32 to index
        %get3A_1224 = arith.index_cast %add3A_1189 : i32 to index
        %get3A_1225 = arith.constant 32 : index
        %get3A_1226 = tpu.vector_load %arg6[%get3A_1223, %get3A_1224, %get3A_1225] {strides = array<i32>} : memref<4x100x48xi32, #tpu.memory_space<vmem>>, vector<1x1x16xi32>,
        %get3A_1227 = vector.shape_cast %get3A_1226 : vector<1x1x16xi32> to vector<16xi32>
        %shift_left3A_1228 = arith.constant 16 : i32
        %shift_left3A_1229 = vector.broadcast %shift_left3A_1228 : i32 to vector<16xi32>
        %shift_left3A_1230 = arith.shli %get3A_1227, %shift_left3A_1229 : vector<16xi32>
        %bitcast_convert_type3A_1231 = tpu.bitcast %shift_left3A_1230 : vector<16xi32> -> vector<16xf32>
        %add3A_1232 = arith.addf %add3A_1183, %bitcast_convert_type3A_1231 : vector<16xf32>
        scf.yield %add3A_1200, %add3A_1205, %add3A_1216, %add3A_1221, %add3A_1232 : vector<16xf32>, vector<16xf32>, vector<16xf32>, vector<16xf32>, vector<16xf32>
      }
      %scan3A_623 = arith.constant 25 : i32
      %add3A_624 = arith.constant 9.99999993E-9 : f32
      %add3A_625 = vector.broadcast %add3A_624 : f32 to vector<16xf32>
      %add3A_626 = arith.addf %scan3A_622#4, %add3A_625 : vector<16xf32>
      %div3A_627 = arith.constant 1.000000e+00 : f32
      %div3A_628 = vector.broadcast %div3A_627 : f32 to vector<16xf32>
      %div3A_629 = arith.divf %div3A_628, %add3A_626 : vector<16xf32>
      %mul3A_630 = arith.mulf %scan3A_622#0, %div3A_629 : vector<16xf32>
      %jit3A_631 = arith.constant 64 : i32
      %eq3A_632 = arith.constant 0 : i32
      %eq3A_633 = arith.cmpi eq, %jit3A_631, %eq3A_632 : i32
      %jit3A_634 = arith.constant 1 : i32
      %select_n3A_635 = arith.select %eq3A_633, %jit3A_634, %jit3A_631 : i32
      %rem3A_636 = arith.remsi %add3A_607, %select_n3A_635 : i32
      %ne3A_637 = arith.constant 0 : i32
      %ne3A_638 = arith.cmpi ne, %rem3A_636, %ne3A_637 : i32
      %lt3A_639 = arith.constant 0 : i32
      %lt3A_640 = arith.cmpi slt, %rem3A_636, %lt3A_639 : i32
      %lt3A_641 = arith.constant 0 : i32
      %lt3A_642 = arith.cmpi slt, %select_n3A_635, %lt3A_641 : i32
      %ne3A_643 = arith.xori %lt3A_640, %lt3A_642 : i1
      %and3A_644 = arith.andi %ne3A_643, %ne3A_638 : i1
      %add3A_645 = arith.addi %rem3A_636, %select_n3A_635 : i32
      %select_n3A_646 = arith.select %and3A_644, %add3A_645, %rem3A_636 : i32
      %swap3A_647 = arith.index_cast %select_n3A_646 : i32 to index
      %swap3A_648 = arith.constant 0 : index
      %swap3A_649 = tpu.vector_load %arg7[%swap3A_647, %swap3A_648] {strides = array<i32>} : memref<64x64xf32, #tpu.memory_space<vmem>>, vector<1x16xf32>,
      %swap3A_650 = vector.shape_cast %swap3A_649 : vector<1x16xf32> to vector<16xf32>
      %swap3A_651 = vector.shape_cast %mul3A_630 : vector<16xf32> to vector<1x16xf32>
      tpu.vector_store %arg7[%swap3A_647, %swap3A_648], %swap3A_651 {strides = array<i32>} : memref<64x64xf32, #tpu.memory_space<vmem>>, vector<1x16xf32>,
      %mul3A_652 = arith.mulf %scan3A_622#1, %div3A_629 : vector<16xf32>
      %jit3A_653 = arith.constant 64 : i32
      %eq3A_654 = arith.constant 0 : i32
      %eq3A_655 = arith.cmpi eq, %jit3A_653, %eq3A_654 : i32
      %jit3A_656 = arith.constant 1 : i32
      %select_n3A_657 = arith.select %eq3A_655, %jit3A_656, %jit3A_653 : i32
      %rem3A_658 = arith.remsi %add3A_607, %select_n3A_657 : i32
      %ne3A_659 = arith.constant 0 : i32
      %ne3A_660 = arith.cmpi ne, %rem3A_658, %ne3A_659 : i32
      %lt3A_661 = arith.constant 0 : i32
      %lt3A_662 = arith.cmpi slt, %rem3A_658, %lt3A_661 : i32
      %lt3A_663 = arith.constant 0 : i32
      %lt3A_664 = arith.cmpi slt, %select_n3A_657, %lt3A_663 : i32
      %ne3A_665 = arith.xori %lt3A_662, %lt3A_664 : i1
      %and3A_666 = arith.andi %ne3A_665, %ne3A_660 : i1
      %add3A_667 = arith.addi %rem3A_658, %select_n3A_657 : i32
      %select_n3A_668 = arith.select %and3A_666, %add3A_667, %rem3A_658 : i32
      %swap3A_669 = arith.index_cast %select_n3A_668 : i32 to index
      %swap3A_670 = arith.constant 16 : index
      %swap3A_671 = tpu.vector_load %arg7[%swap3A_669, %swap3A_670] {strides = array<i32>} : memref<64x64xf32, #tpu.memory_space<vmem>>, vector<1x16xf32>,
      %swap3A_672 = vector.shape_cast %swap3A_671 : vector<1x16xf32> to vector<16xf32>
      %swap3A_673 = vector.shape_cast %mul3A_652 : vector<16xf32> to vector<1x16xf32>
      tpu.vector_store %arg7[%swap3A_669, %swap3A_670], %swap3A_673 {strides = array<i32>} : memref<64x64xf32, #tpu.memory_space<vmem>>, vector<1x16xf32>,
      %mul3A_674 = arith.mulf %scan3A_622#2, %div3A_629 : vector<16xf32>
      %jit3A_675 = arith.constant 64 : i32
      %eq3A_676 = arith.constant 0 : i32
      %eq3A_677 = arith.cmpi eq, %jit3A_675, %eq3A_676 : i32
      %jit3A_678 = arith.constant 1 : i32
      %select_n3A_679 = arith.select %eq3A_677, %jit3A_678, %jit3A_675 : i32
      %rem3A_680 = arith.remsi %add3A_607, %select_n3A_679 : i32
      %ne3A_681 = arith.constant 0 : i32
      %ne3A_682 = arith.cmpi ne, %rem3A_680, %ne3A_681 : i32
      %lt3A_683 = arith.constant 0 : i32
      %lt3A_684 = arith.cmpi slt, %rem3A_680, %lt3A_683 : i32
      %lt3A_685 = arith.constant 0 : i32
      %lt3A_686 = arith.cmpi slt, %select_n3A_679, %lt3A_685 : i32
      %ne3A_687 = arith.xori %lt3A_684, %lt3A_686 : i1
      %and3A_688 = arith.andi %ne3A_687, %ne3A_682 : i1
      %add3A_689 = arith.addi %rem3A_680, %select_n3A_679 : i32
      %select_n3A_690 = arith.select %and3A_688, %add3A_689, %rem3A_680 : i32
      %swap3A_691 = arith.index_cast %select_n3A_690 : i32 to index
      %swap3A_692 = arith.constant 32 : index
      %swap3A_693 = tpu.vector_load %arg7[%swap3A_691, %swap3A_692] {strides = array<i32>} : memref<64x64xf32, #tpu.memory_space<vmem>>, vector<1x16xf32>,
      %swap3A_694 = vector.shape_cast %swap3A_693 : vector<1x16xf32> to vector<16xf32>
      %swap3A_695 = vector.shape_cast %mul3A_674 : vector<16xf32> to vector<1x16xf32>
      tpu.vector_store %arg7[%swap3A_691, %swap3A_692], %swap3A_695 {strides = array<i32>} : memref<64x64xf32, #tpu.memory_space<vmem>>, vector<1x16xf32>,
      %mul3A_696 = arith.mulf %scan3A_622#3, %div3A_629 : vector<16xf32>
      %jit3A_697 = arith.constant 64 : i32
      %eq3A_698 = arith.constant 0 : i32
      %eq3A_699 = arith.cmpi eq, %jit3A_697, %eq3A_698 : i32
      %jit3A_700 = arith.constant 1 : i32
      %select_n3A_701 = arith.select %eq3A_699, %jit3A_700, %jit3A_697 : i32
      %rem3A_702 = arith.remsi %add3A_607, %select_n3A_701 : i32
      %ne3A_703 = arith.constant 0 : i32
      %ne3A_704 = arith.cmpi ne, %rem3A_702, %ne3A_703 : i32
      %lt3A_705 = arith.constant 0 : i32
      %lt3A_706 = arith.cmpi slt, %rem3A_702, %lt3A_705 : i32
      %lt3A_707 = arith.constant 0 : i32
      %lt3A_708 = arith.cmpi slt, %select_n3A_701, %lt3A_707 : i32
      %ne3A_709 = arith.xori %lt3A_706, %lt3A_708 : i1
      %and3A_710 = arith.andi %ne3A_709, %ne3A_704 : i1
      %add3A_711 = arith.addi %rem3A_702, %select_n3A_701 : i32
      %select_n3A_712 = arith.select %and3A_710, %add3A_711, %rem3A_702 : i32
      %swap3A_713 = arith.index_cast %select_n3A_712 : i32 to index
      %swap3A_714 = arith.constant 48 : index
      %swap3A_715 = tpu.vector_load %arg7[%swap3A_713, %swap3A_714] {strides = array<i32>} : memref<64x64xf32, #tpu.memory_space<vmem>>, vector<1x16xf32>,
      %swap3A_716 = vector.shape_cast %swap3A_715 : vector<1x16xf32> to vector<16xf32>
      %swap3A_717 = vector.shape_cast %mul3A_696 : vector<16xf32> to vector<1x16xf32>
      tpu.vector_store %arg7[%swap3A_713, %swap3A_714], %swap3A_717 {strides = array<i32>} : memref<64x64xf32, #tpu.memory_space<vmem>>, vector<1x16xf32>,
      %mul3A_718 = arith.constant 2 : i32
      %mul3A_719 = arith.muli %mul3A_718, %add3A_592 : i32
      %add3A_720 = arith.constant 1 : i32
      %add3A_721 = arith.addi %mul3A_719, %add3A_720 : i32
      %broadcast_in_dim3A_722 = arith.constant 0.000000e+00 : f32
      %broadcast_in_dim3A_723 = vector.broadcast %broadcast_in_dim3A_722 : f32 to vector<16xf32>
      %broadcast_in_dim3A_724 = arith.constant 0.000000e+00 : f32
      %broadcast_in_dim3A_725 = vector.broadcast %broadcast_in_dim3A_724 : f32 to vector<16xf32>
      %broadcast_in_dim3A_726 = arith.constant 0.000000e+00 : f32
      %broadcast_in_dim3A_727 = vector.broadcast %broadcast_in_dim3A_726 : f32 to vector<16xf32>
      %broadcast_in_dim3A_728 = arith.constant 0.000000e+00 : f32
      %broadcast_in_dim3A_729 = vector.broadcast %broadcast_in_dim3A_728 : f32 to vector<16xf32>
      %broadcast_in_dim3A_730 = arith.constant 0.000000e+00 : f32
      %broadcast_in_dim3A_731 = vector.broadcast %broadcast_in_dim3A_730 : f32 to vector<16xf32>
      %scan3A_732 = arith.constant 0 : i32
      %scan3A_733 = arith.constant 25 : i32
      %scan3A_734 = arith.addi %scan3A_732, %scan3A_733 : i32
      %scan3A_735 = arith.constant 1 : i32
      %scan3A_736:5 = scf.for %scan3A_1132 = %scan3A_732 to %scan3A_734 step %scan3A_735 iter_args(%scan3A_1133 = %broadcast_in_dim3A_723, %scan3A_1134 = %broadcast_in_dim3A_725, %scan3A_1135 = %broadcast_in_dim3A_727, %scan3A_1136 = %broadcast_in_dim3A_729, %scan3A_1137 = %broadcast_in_dim3A_731) -> (vector<16xf32>, vector<16xf32>, vector<16xf32>, vector<16xf32>, vector<16xf32>)  : i32 {
        %mul3A_1138 = arith.constant 2 : i32
        %mul3A_1139 = arith.muli %mul3A_1138, %scan3A_1132 : i32
        %add3A_1140 = arith.constant 50 : i32
        %add3A_1141 = arith.addi %add3A_1140, %mul3A_1139 : i32
        %add3A_1142 = arith.constant 0 : i32
        %add3A_1143 = arith.addi %add3A_1141, %add3A_1142 : i32
        %get3A = arith.constant 2 : i32
        %get3A_1144 = arith.index_cast %get3A : i32 to index
        %get3A_1145 = arith.index_cast %add3A_1143 : i32 to index
        %get3A_1146 = arith.constant 0 : index
        %get3A_1147 = tpu.vector_load %arg6[%get3A_1144, %get3A_1145, %get3A_1146] {strides = array<i32>} : memref<4x100x48xi32, #tpu.memory_space<vmem>>, vector<1x1x16xi32>,
        %get3A_1148 = vector.shape_cast %get3A_1147 : vector<1x1x16xi32> to vector<16xi32>
        %shift_left3A = arith.constant 16 : i32
        %shift_left3A_1149 = vector.broadcast %shift_left3A : i32 to vector<16xi32>
        %shift_left3A_1150 = arith.shli %get3A_1148, %shift_left3A_1149 : vector<16xi32>
        %bitcast_convert_type3A = tpu.bitcast %shift_left3A_1150 : vector<16xi32> -> vector<16xf32>
        %add3A_1151 = arith.addf %scan3A_1133, %bitcast_convert_type3A : vector<16xf32>
        %and3A_1152 = arith.constant -65536 : i32
        %and3A_1153 = vector.broadcast %and3A_1152 : i32 to vector<16xi32>
        %and3A_1154 = arith.andi %get3A_1148, %and3A_1153 : vector<16xi32>
        %bitcast_convert_type3A_1155 = tpu.bitcast %and3A_1154 : vector<16xi32> -> vector<16xf32>
        %add3A_1156 = arith.addf %scan3A_1134, %bitcast_convert_type3A_1155 : vector<16xf32>
        %get3A_1157 = arith.constant 2 : i32
        %get3A_1158 = arith.index_cast %get3A_1157 : i32 to index
        %get3A_1159 = arith.index_cast %add3A_1143 : i32 to index
        %get3A_1160 = arith.constant 16 : index
        %get3A_1161 = tpu.vector_load %arg6[%get3A_1158, %get3A_1159, %get3A_1160] {strides = array<i32>} : memref<4x100x48xi32, #tpu.memory_space<vmem>>, vector<1x1x16xi32>,
        %get3A_1162 = vector.shape_cast %get3A_1161 : vector<1x1x16xi32> to vector<16xi32>
        %shift_left3A_1163 = arith.constant 16 : i32
        %shift_left3A_1164 = vector.broadcast %shift_left3A_1163 : i32 to vector<16xi32>
        %shift_left3A_1165 = arith.shli %get3A_1162, %shift_left3A_1164 : vector<16xi32>
        %bitcast_convert_type3A_1166 = tpu.bitcast %shift_left3A_1165 : vector<16xi32> -> vector<16xf32>
        %add3A_1167 = arith.addf %scan3A_1135, %bitcast_convert_type3A_1166 : vector<16xf32>
        %and3A_1168 = arith.constant -65536 : i32
        %and3A_1169 = vector.broadcast %and3A_1168 : i32 to vector<16xi32>
        %and3A_1170 = arith.andi %get3A_1162, %and3A_1169 : vector<16xi32>
        %bitcast_convert_type3A_1171 = tpu.bitcast %and3A_1170 : vector<16xi32> -> vector<16xf32>
        %add3A_1172 = arith.addf %scan3A_1136, %bitcast_convert_type3A_1171 : vector<16xf32>
        %get3A_1173 = arith.constant 2 : i32
        %get3A_1174 = arith.index_cast %get3A_1173 : i32 to index
        %get3A_1175 = arith.index_cast %add3A_1143 : i32 to index
        %get3A_1176 = arith.constant 32 : index
        %get3A_1177 = tpu.vector_load %arg6[%get3A_1174, %get3A_1175, %get3A_1176] {strides = array<i32>} : memref<4x100x48xi32, #tpu.memory_space<vmem>>, vector<1x1x16xi32>,
        %get3A_1178 = vector.shape_cast %get3A_1177 : vector<1x1x16xi32> to vector<16xi32>
        %shift_left3A_1179 = arith.constant 16 : i32
        %shift_left3A_1180 = vector.broadcast %shift_left3A_1179 : i32 to vector<16xi32>
        %shift_left3A_1181 = arith.shli %get3A_1178, %shift_left3A_1180 : vector<16xi32>
        %bitcast_convert_type3A_1182 = tpu.bitcast %shift_left3A_1181 : vector<16xi32> -> vector<16xf32>
        %add3A_1183 = arith.addf %scan3A_1137, %bitcast_convert_type3A_1182 : vector<16xf32>
        %mul3A_1184 = arith.constant 2 : i32
        %mul3A_1185 = arith.muli %mul3A_1184, %scan3A_1132 : i32
        %add3A_1186 = arith.constant 50 : i32
        %add3A_1187 = arith.addi %add3A_1186, %mul3A_1185 : i32
        %add3A_1188 = arith.constant 1 : i32
        %add3A_1189 = arith.addi %add3A_1187, %add3A_1188 : i32
        %get3A_1190 = arith.constant 2 : i32
        %get3A_1191 = arith.index_cast %get3A_1190 : i32 to index
        %get3A_1192 = arith.index_cast %add3A_1189 : i32 to index
        %get3A_1193 = arith.constant 0 : index
        %get3A_1194 = tpu.vector_load %arg6[%get3A_1191, %get3A_1192, %get3A_1193] {strides = array<i32>} : memref<4x100x48xi32, #tpu.memory_space<vmem>>, vector<1x1x16xi32>,
        %get3A_1195 = vector.shape_cast %get3A_1194 : vector<1x1x16xi32> to vector<16xi32>
        %shift_left3A_1196 = arith.constant 16 : i32
        %shift_left3A_1197 = vector.broadcast %shift_left3A_1196 : i32 to vector<16xi32>
        %shift_left3A_1198 = arith.shli %get3A_1195, %shift_left3A_1197 : vector<16xi32>
        %bitcast_convert_type3A_1199 = tpu.bitcast %shift_left3A_1198 : vector<16xi32> -> vector<16xf32>
        %add3A_1200 = arith.addf %add3A_1151, %bitcast_convert_type3A_1199 : vector<16xf32>
        %and3A_1201 = arith.constant -65536 : i32
        %and3A_1202 = vector.broadcast %and3A_1201 : i32 to vector<16xi32>
        %and3A_1203 = arith.andi %get3A_1195, %and3A_1202 : vector<16xi32>
        %bitcast_convert_type3A_1204 = tpu.bitcast %and3A_1203 : vector<16xi32> -> vector<16xf32>
        %add3A_1205 = arith.addf %add3A_1156, %bitcast_convert_type3A_1204 : vector<16xf32>
        %get3A_1206 = arith.constant 2 : i32
        %get3A_1207 = arith.index_cast %get3A_1206 : i32 to index
        %get3A_1208 = arith.index_cast %add3A_1189 : i32 to index
        %get3A_1209 = arith.constant 16 : index
        %get3A_1210 = tpu.vector_load %arg6[%get3A_1207, %get3A_1208, %get3A_1209] {strides = array<i32>} : memref<4x100x48xi32, #tpu.memory_space<vmem>>, vector<1x1x16xi32>,
        %get3A_1211 = vector.shape_cast %get3A_1210 : vector<1x1x16xi32> to vector<16xi32>
        %shift_left3A_1212 = arith.constant 16 : i32
        %shift_left3A_1213 = vector.broadcast %shift_left3A_1212 : i32 to vector<16xi32>
        %shift_left3A_1214 = arith.shli %get3A_1211, %shift_left3A_1213 : vector<16xi32>
        %bitcast_convert_type3A_1215 = tpu.bitcast %shift_left3A_1214 : vector<16xi32> -> vector<16xf32>
        %add3A_1216 = arith.addf %add3A_1167, %bitcast_convert_type3A_1215 : vector<16xf32>
        %and3A_1217 = arith.constant -65536 : i32
        %and3A_1218 = vector.broadcast %and3A_1217 : i32 to vector<16xi32>
        %and3A_1219 = arith.andi %get3A_1211, %and3A_1218 : vector<16xi32>
        %bitcast_convert_type3A_1220 = tpu.bitcast %and3A_1219 : vector<16xi32> -> vector<16xf32>
        %add3A_1221 = arith.addf %add3A_1172, %bitcast_convert_type3A_1220 : vector<16xf32>
        %get3A_1222 = arith.constant 2 : i32
        %get3A_1223 = arith.index_cast %get3A_1222 : i32 to index
        %get3A_1224 = arith.index_cast %add3A_1189 : i32 to index
        %get3A_1225 = arith.constant 32 : index
        %get3A_1226 = tpu.vector_load %arg6[%get3A_1223, %get3A_1224, %get3A_1225] {strides = array<i32>} : memref<4x100x48xi32, #tpu.memory_space<vmem>>, vector<1x1x16xi32>,
        %get3A_1227 = vector.shape_cast %get3A_1226 : vector<1x1x16xi32> to vector<16xi32>
        %shift_left3A_1228 = arith.constant 16 : i32
        %shift_left3A_1229 = vector.broadcast %shift_left3A_1228 : i32 to vector<16xi32>
        %shift_left3A_1230 = arith.shli %get3A_1227, %shift_left3A_1229 : vector<16xi32>
        %bitcast_convert_type3A_1231 = tpu.bitcast %shift_left3A_1230 : vector<16xi32> -> vector<16xf32>
        %add3A_1232 = arith.addf %add3A_1183, %bitcast_convert_type3A_1231 : vector<16xf32>
        scf.yield %add3A_1200, %add3A_1205, %add3A_1216, %add3A_1221, %add3A_1232 : vector<16xf32>, vector<16xf32>, vector<16xf32>, vector<16xf32>, vector<16xf32>
      }
      %scan3A_737 = arith.constant 25 : i32
      %add3A_738 = arith.constant 9.99999993E-9 : f32
      %add3A_739 = vector.broadcast %add3A_738 : f32 to vector<16xf32>
      %add3A_740 = arith.addf %scan3A_736#4, %add3A_739 : vector<16xf32>
      %div3A_741 = arith.constant 1.000000e+00 : f32
      %div3A_742 = vector.broadcast %div3A_741 : f32 to vector<16xf32>
      %div3A_743 = arith.divf %div3A_742, %add3A_740 : vector<16xf32>
      %mul3A_744 = arith.mulf %scan3A_736#0, %div3A_743 : vector<16xf32>
      %jit3A_745 = arith.constant 64 : i32
      %eq3A_746 = arith.constant 0 : i32
      %eq3A_747 = arith.cmpi eq, %jit3A_745, %eq3A_746 : i32
      %jit3A_748 = arith.constant 1 : i32
      %select_n3A_749 = arith.select %eq3A_747, %jit3A_748, %jit3A_745 : i32
      %rem3A_750 = arith.remsi %add3A_721, %select_n3A_749 : i32
      %ne3A_751 = arith.constant 0 : i32
      %ne3A_752 = arith.cmpi ne, %rem3A_750, %ne3A_751 : i32
      %lt3A_753 = arith.constant 0 : i32
      %lt3A_754 = arith.cmpi slt, %rem3A_750, %lt3A_753 : i32
      %lt3A_755 = arith.constant 0 : i32
      %lt3A_756 = arith.cmpi slt, %select_n3A_749, %lt3A_755 : i32
      %ne3A_757 = arith.xori %lt3A_754, %lt3A_756 : i1
      %and3A_758 = arith.andi %ne3A_757, %ne3A_752 : i1
      %add3A_759 = arith.addi %rem3A_750, %select_n3A_749 : i32
      %select_n3A_760 = arith.select %and3A_758, %add3A_759, %rem3A_750 : i32
      %swap3A_761 = arith.index_cast %select_n3A_760 : i32 to index
      %swap3A_762 = arith.constant 0 : index
      %swap3A_763 = tpu.vector_load %arg7[%swap3A_761, %swap3A_762] {strides = array<i32>} : memref<64x64xf32, #tpu.memory_space<vmem>>, vector<1x16xf32>,
      %swap3A_764 = vector.shape_cast %swap3A_763 : vector<1x16xf32> to vector<16xf32>
      %swap3A_765 = vector.shape_cast %mul3A_744 : vector<16xf32> to vector<1x16xf32>
      tpu.vector_store %arg7[%swap3A_761, %swap3A_762], %swap3A_765 {strides = array<i32>} : memref<64x64xf32, #tpu.memory_space<vmem>>, vector<1x16xf32>,
      %mul3A_766 = arith.mulf %scan3A_736#1, %div3A_743 : vector<16xf32>
      %jit3A_767 = arith.constant 64 : i32
      %eq3A_768 = arith.constant 0 : i32
      %eq3A_769 = arith.cmpi eq, %jit3A_767, %eq3A_768 : i32
      %jit3A_770 = arith.constant 1 : i32
      %select_n3A_771 = arith.select %eq3A_769, %jit3A_770, %jit3A_767 : i32
      %rem3A_772 = arith.remsi %add3A_721, %select_n3A_771 : i32
      %ne3A_773 = arith.constant 0 : i32
      %ne3A_774 = arith.cmpi ne, %rem3A_772, %ne3A_773 : i32
      %lt3A_775 = arith.constant 0 : i32
      %lt3A_776 = arith.cmpi slt, %rem3A_772, %lt3A_775 : i32
      %lt3A_777 = arith.constant 0 : i32
      %lt3A_778 = arith.cmpi slt, %select_n3A_771, %lt3A_777 : i32
      %ne3A_779 = arith.xori %lt3A_776, %lt3A_778 : i1
      %and3A_780 = arith.andi %ne3A_779, %ne3A_774 : i1
      %add3A_781 = arith.addi %rem3A_772, %select_n3A_771 : i32
      %select_n3A_782 = arith.select %and3A_780, %add3A_781, %rem3A_772 : i32
      %swap3A_783 = arith.index_cast %select_n3A_782 : i32 to index
      %swap3A_784 = arith.constant 16 : index
      %swap3A_785 = tpu.vector_load %arg7[%swap3A_783, %swap3A_784] {strides = array<i32>} : memref<64x64xf32, #tpu.memory_space<vmem>>, vector<1x16xf32>,
      %swap3A_786 = vector.shape_cast %swap3A_785 : vector<1x16xf32> to vector<16xf32>
      %swap3A_787 = vector.shape_cast %mul3A_766 : vector<16xf32> to vector<1x16xf32>
      tpu.vector_store %arg7[%swap3A_783, %swap3A_784], %swap3A_787 {strides = array<i32>} : memref<64x64xf32, #tpu.memory_space<vmem>>, vector<1x16xf32>,
      %mul3A_788 = arith.mulf %scan3A_736#2, %div3A_743 : vector<16xf32>
      %jit3A_789 = arith.constant 64 : i32
      %eq3A_790 = arith.constant 0 : i32
      %eq3A_791 = arith.cmpi eq, %jit3A_789, %eq3A_790 : i32
      %jit3A_792 = arith.constant 1 : i32
      %select_n3A_793 = arith.select %eq3A_791, %jit3A_792, %jit3A_789 : i32
      %rem3A_794 = arith.remsi %add3A_721, %select_n3A_793 : i32
      %ne3A_795 = arith.constant 0 : i32
      %ne3A_796 = arith.cmpi ne, %rem3A_794, %ne3A_795 : i32
      %lt3A_797 = arith.constant 0 : i32
      %lt3A_798 = arith.cmpi slt, %rem3A_794, %lt3A_797 : i32
      %lt3A_799 = arith.constant 0 : i32
      %lt3A_800 = arith.cmpi slt, %select_n3A_793, %lt3A_799 : i32
      %ne3A_801 = arith.xori %lt3A_798, %lt3A_800 : i1
      %and3A_802 = arith.andi %ne3A_801, %ne3A_796 : i1
      %add3A_803 = arith.addi %rem3A_794, %select_n3A_793 : i32
      %select_n3A_804 = arith.select %and3A_802, %add3A_803, %rem3A_794 : i32
      %swap3A_805 = arith.index_cast %select_n3A_804 : i32 to index
      %swap3A_806 = arith.constant 32 : index
      %swap3A_807 = tpu.vector_load %arg7[%swap3A_805, %swap3A_806] {strides = array<i32>} : memref<64x64xf32, #tpu.memory_space<vmem>>, vector<1x16xf32>,
      %swap3A_808 = vector.shape_cast %swap3A_807 : vector<1x16xf32> to vector<16xf32>
      %swap3A_809 = vector.shape_cast %mul3A_788 : vector<16xf32> to vector<1x16xf32>
      tpu.vector_store %arg7[%swap3A_805, %swap3A_806], %swap3A_809 {strides = array<i32>} : memref<64x64xf32, #tpu.memory_space<vmem>>, vector<1x16xf32>,
      %mul3A_810 = arith.mulf %scan3A_736#3, %div3A_743 : vector<16xf32>
      %jit3A_811 = arith.constant 64 : i32
      %eq3A_812 = arith.constant 0 : i32
      %eq3A_813 = arith.cmpi eq, %jit3A_811, %eq3A_812 : i32
      %jit3A_814 = arith.constant 1 : i32
      %select_n3A_815 = arith.select %eq3A_813, %jit3A_814, %jit3A_811 : i32
      %rem3A_816 = arith.remsi %add3A_721, %select_n3A_815 : i32
      %ne3A_817 = arith.constant 0 : i32
      %ne3A_818 = arith.cmpi ne, %rem3A_816, %ne3A_817 : i32
      %lt3A_819 = arith.constant 0 : i32
      %lt3A_820 = arith.cmpi slt, %rem3A_816, %lt3A_819 : i32
      %lt3A_821 = arith.constant 0 : i32
      %lt3A_822 = arith.cmpi slt, %select_n3A_815, %lt3A_821 : i32
      %ne3A_823 = arith.xori %lt3A_820, %lt3A_822 : i1
      %and3A_824 = arith.andi %ne3A_823, %ne3A_818 : i1
      %add3A_825 = arith.addi %rem3A_816, %select_n3A_815 : i32
      %select_n3A_826 = arith.select %and3A_824, %add3A_825, %rem3A_816 : i32
      %swap3A_827 = arith.index_cast %select_n3A_826 : i32 to index
      %swap3A_828 = arith.constant 48 : index
      %swap3A_829 = tpu.vector_load %arg7[%swap3A_827, %swap3A_828] {strides = array<i32>} : memref<64x64xf32, #tpu.memory_space<vmem>>, vector<1x16xf32>,
      %swap3A_830 = vector.shape_cast %swap3A_829 : vector<1x16xf32> to vector<16xf32>
      %swap3A_831 = vector.shape_cast %mul3A_810 : vector<16xf32> to vector<1x16xf32>
      tpu.vector_store %arg7[%swap3A_827, %swap3A_828], %swap3A_831 {strides = array<i32>} : memref<64x64xf32, #tpu.memory_space<vmem>>, vector<1x16xf32>,
      %add3A_832 = arith.constant 4 : i32
      %add3A_833 = arith.addi %add3A_592, %add3A_832 : i32
      %lt3A_834 = arith.constant 256 : i32
      %lt3A_835 = arith.cmpi slt, %add3A_833, %lt3A_834 : i32
      %convert_element_type3A_836 = arith.extui %lt3A_835 : i1 to i32
      %cond3A_837 = arith.constant 0 : i32
      %cond3A_838 = arith.cmpi ne, %convert_element_type3A_836, %cond3A_837 : i32
      scf.if %cond3A_838 {
        %add3A_1132 = arith.constant 4 : i32
        %add3A_1133 = arith.addi %add3A_592, %add3A_1132 : i32
        %dma_start3A_1134 = arith.constant 2 : i32
        %dma_start3A_1135 = arith.constant 0 : i32
        %dma_start3A_1136 = arith.constant 0 : i32
        %dma_start3A_1137 = tpu.memref_slice %arg6[%dma_start3A_1134, %dma_start3A_1135, %dma_start3A_1136] : memref<4x100x48xi32, #tpu.memory_space<vmem>> -> memref<1x100x48xi32, #tpu.memory_space<vmem>>
        %dma_start3A_1138 = tpu.memref_squeeze %dma_start3A_1137 : memref<1x100x48xi32, #tpu.memory_space<vmem>> -> memref<100x48xi32, #tpu.memory_space<vmem>>
        %dma_start3A_1139 = arith.constant 0 : i32
        %dma_start3A_1140 = tpu.memref_slice %arg5[%add3A_1133, %dma_start3A_1139] : memref<256x100xi32, #tpu.memory_space<vmem>> -> memref<1x100xi32, #tpu.memory_space<vmem>>
        %dma_start3A_1141 = tpu.memref_squeeze %dma_start3A_1140 : memref<1x100xi32, #tpu.memory_space<vmem>> -> memref<100xi32, #tpu.memory_space<vmem>>
        %dma_start3A_1142 = arith.constant 0 : i32
        %dma_start3A_1143 = arith.constant 0 : i32
        %dma_start3A_1144 = tpu.memref_slice %arg8[%dma_start3A_1142, %dma_start3A_1143] : memref<18176x48xi32, #tpu.memory_space<vmem_shared>> -> memref<18176x48xi32, #tpu.memory_space<vmem_shared>>
        tpu.enqueue_indirect_dma source(%dma_start3A_1144 : memref<18176x48xi32, #tpu.memory_space<vmem_shared>>) target(%dma_start3A_1138 : memref<100x48xi32, #tpu.memory_space<vmem>>) offsets(%dma_start3A_1141 : memref<100xi32, #tpu.memory_space<vmem>>) semaphore(%arg11 : memref<!tpu.dma_semaphore, #tpu.memory_space<semaphore_mem>>)
      } else {
      }
      %jit3A_839 = arith.constant 32 : i32
      %eq3A_840 = arith.constant 0 : i32
      %eq3A_841 = arith.cmpi eq, %jit3A_839, %eq3A_840 : i32
      %jit3A_842 = arith.constant 1 : i32
      %select_n3A_843 = arith.select %eq3A_841, %jit3A_842, %jit3A_839 : i32
      %rem3A_844 = arith.remsi %add3A_592, %select_n3A_843 : i32
      %ne3A_845 = arith.constant 0 : i32
      %ne3A_846 = arith.cmpi ne, %rem3A_844, %ne3A_845 : i32
      %lt3A_847 = arith.constant 0 : i32
      %lt3A_848 = arith.cmpi slt, %rem3A_844, %lt3A_847 : i32
      %lt3A_849 = arith.constant 0 : i32
      %lt3A_850 = arith.cmpi slt, %select_n3A_843, %lt3A_849 : i32
      %ne3A_851 = arith.xori %lt3A_848, %lt3A_850 : i1
      %and3A_852 = arith.andi %ne3A_851, %ne3A_846 : i1
      %add3A_853 = arith.addi %rem3A_844, %select_n3A_843 : i32
      %select_n3A_854 = arith.select %and3A_852, %add3A_853, %rem3A_844 : i32
      %eq3A_855 = arith.constant 31 : i32
      %eq3A_856 = arith.cmpi eq, %select_n3A_854, %eq3A_855 : i32
      %convert_element_type3A_857 = arith.extui %eq3A_856 : i1 to i32
      %cond3A_858 = arith.constant 0 : i32
      %cond3A_859 = arith.cmpi ne, %convert_element_type3A_857, %cond3A_858 : i32
      scf.if %cond3A_859 {
        %mul3A_1132 = arith.constant 512 : i32
        %mul3A_1133 = arith.muli %add3A, %mul3A_1132 : i32
        %jit3A_1134 = arith.constant 32 : i32
        %div3A_1135 = arith.divsi %add3A_592, %jit3A_1134 : i32
        %sign3A = arith.constant 0 : i32
        %sign3A_1136 = arith.cmpi sgt, %add3A_592, %sign3A : i32
        %sign3A_1137 = arith.extui %sign3A_1136 : i1 to i32
        %sign3A_1138 = arith.constant 0 : i32
        %sign3A_1139 = arith.cmpi slt, %add3A_592, %sign3A_1138 : i32
        %sign3A_1140 = arith.extui %sign3A_1139 : i1 to i32
        %sign3A_1141 = arith.subi %sign3A_1137, %sign3A_1140 : i32
        %sign3A_1142 = arith.constant 0 : i32
        %sign3A_1143 = arith.cmpi sgt, %jit3A_1134, %sign3A_1142 : i32
        %sign3A_1144 = arith.extui %sign3A_1143 : i1 to i32
        %sign3A_1145 = arith.constant 0 : i32
        %sign3A_1146 = arith.cmpi slt, %jit3A_1134, %sign3A_1145 : i32
        %sign3A_1147 = arith.extui %sign3A_1146 : i1 to i32
        %sign3A_1148 = arith.subi %sign3A_1144, %sign3A_1147 : i32
        %ne3A_1149 = arith.cmpi ne, %sign3A_1141, %sign3A_1148 : i32
        %rem3A_1150 = arith.remsi %add3A_592, %jit3A_1134 : i32
        %ne3A_1151 = arith.constant 0 : i32
        %ne3A_1152 = arith.cmpi ne, %rem3A_1150, %ne3A_1151 : i32
        %and3A_1153 = arith.andi %ne3A_1149, %ne3A_1152 : i1
        %sub3A = arith.constant 1 : i32
        %sub3A_1154 = arith.subi %div3A_1135, %sub3A : i32
        %select_n3A_1155 = arith.select %and3A_1153, %sub3A_1154, %div3A_1135 : i32
        %mul3A_1156 = arith.constant 64 : i32
        %mul3A_1157 = arith.muli %select_n3A_1155, %mul3A_1156 : i32
        %add3A_1158 = arith.addi %mul3A_1133, %mul3A_1157 : i32
        "tpu.region"() ({
          %run_scoped3A = tpu.sem_alloc : memref<!tpu.dma_semaphore, #tpu.memory_space<semaphore_mem>>
          %dma_start3A_1159 = arith.constant 0 : i32
          %dma_start3A_1160 = tpu.memref_slice %arg4[%add3A_1158, %dma_start3A_1159] : memref<16384x64xf32, #tpu.memory_space<hbm>> -> memref<64x64xf32, #tpu.memory_space<hbm>>
          %dma_start3A_1161 = arith.constant 0 : i32
          %dma_start3A_1162 = tpu.memref_slice %arg4[%add3A_1158, %dma_start3A_1161] : memref<16384x64xf32, #tpu.memory_space<hbm>> -> memref<64x64xf32, #tpu.memory_space<hbm>>
          tpu.enqueue_dma source(%arg7 : memref<64x64xf32, #tpu.memory_space<vmem>>) target(%dma_start3A_1162 : memref<64x64xf32, #tpu.memory_space<hbm>>) target_semaphore(%run_scoped3A : memref<!tpu.dma_semaphore, #tpu.memory_space<semaphore_mem>>)
          %dma_wait3A_1163 = arith.constant 0 : i32
          %dma_wait3A_1164 = tpu.memref_slice %arg4[%add3A_1158, %dma_wait3A_1163] : memref<16384x64xf32, #tpu.memory_space<hbm>> -> memref<64x64xf32, #tpu.memory_space<hbm>>
          %dma_wait3A_1165 = arith.constant 0 : i32
          %dma_wait3A_1166 = tpu.memref_slice %arg4[%add3A_1158, %dma_wait3A_1165] : memref<16384x64xf32, #tpu.memory_space<hbm>> -> memref<64x64xf32, #tpu.memory_space<hbm>>
          tpu.wait_dma2 semaphore(%run_scoped3A : memref<!tpu.dma_semaphore, #tpu.memory_space<semaphore_mem>>) src(%arg7 : memref<64x64xf32, #tpu.memory_space<vmem>>) dst(%dma_wait3A_1166 : memref<64x64xf32, #tpu.memory_space<hbm>>)
          tpu.yield
        }) : () -> ()
      } else {
      }
      %mul3A_860 = arith.constant 4 : i32
      %mul3A_861 = arith.muli %mul3A_860, %scan3A_58 : i32
      %add3A_862 = arith.constant 3 : i32
      %add3A_863 = arith.addi %mul3A_861, %add3A_862 : i32
      %dma_wait3A_864 = arith.constant 3 : i32
      %dma_wait3A_865 = arith.constant 0 : i32
      %dma_wait3A_866 = arith.constant 0 : i32
      %dma_wait3A_867 = tpu.memref_slice %arg6[%dma_wait3A_864, %dma_wait3A_865, %dma_wait3A_866] : memref<4x100x48xi32, #tpu.memory_space<vmem>> -> memref<1x100x48xi32, #tpu.memory_space<vmem>>
      %dma_wait3A_868 = tpu.memref_squeeze %dma_wait3A_867 : memref<1x100x48xi32, #tpu.memory_space<vmem>> -> memref<100x48xi32, #tpu.memory_space<vmem>>
      %dma_wait3A_869 = arith.constant 0 : i32
      %dma_wait3A_870 = tpu.memref_slice %arg5[%add3A_863, %dma_wait3A_869] : memref<256x100xi32, #tpu.memory_space<vmem>> -> memref<1x100xi32, #tpu.memory_space<vmem>>
      %dma_wait3A_871 = tpu.memref_squeeze %dma_wait3A_870 : memref<1x100xi32, #tpu.memory_space<vmem>> -> memref<100xi32, #tpu.memory_space<vmem>>
      %dma_wait3A_872 = arith.constant 0 : i32
      %dma_wait3A_873 = arith.constant 0 : i32
      %dma_wait3A_874 = tpu.memref_slice %arg8[%dma_wait3A_872, %dma_wait3A_873] : memref<18176x48xi32, #tpu.memory_space<vmem_shared>> -> memref<18176x48xi32, #tpu.memory_space<vmem_shared>>
      tpu.wait_indirect_dma semaphore(%arg12 : memref<!tpu.dma_semaphore, #tpu.memory_space<semaphore_mem>>) src(%dma_wait3A_874 : memref<18176x48xi32, #tpu.memory_space<vmem_shared>>) dst(%dma_wait3A_868 : memref<100x48xi32, #tpu.memory_space<vmem>>)
      %mul3A_875 = arith.constant 2 : i32
      %mul3A_876 = arith.muli %mul3A_875, %add3A_863 : i32
      %add3A_877 = arith.constant 0 : i32
      %add3A_878 = arith.addi %mul3A_876, %add3A_877 : i32
      %broadcast_in_dim3A_879 = arith.constant 0.000000e+00 : f32
      %broadcast_in_dim3A_880 = vector.broadcast %broadcast_in_dim3A_879 : f32 to vector<16xf32>
      %broadcast_in_dim3A_881 = arith.constant 0.000000e+00 : f32
      %broadcast_in_dim3A_882 = vector.broadcast %broadcast_in_dim3A_881 : f32 to vector<16xf32>
      %broadcast_in_dim3A_883 = arith.constant 0.000000e+00 : f32
      %broadcast_in_dim3A_884 = vector.broadcast %broadcast_in_dim3A_883 : f32 to vector<16xf32>
      %broadcast_in_dim3A_885 = arith.constant 0.000000e+00 : f32
      %broadcast_in_dim3A_886 = vector.broadcast %broadcast_in_dim3A_885 : f32 to vector<16xf32>
      %broadcast_in_dim3A_887 = arith.constant 0.000000e+00 : f32
      %broadcast_in_dim3A_888 = vector.broadcast %broadcast_in_dim3A_887 : f32 to vector<16xf32>
      %scan3A_889 = arith.constant 0 : i32
      %scan3A_890 = arith.constant 25 : i32
      %scan3A_891 = arith.addi %scan3A_889, %scan3A_890 : i32
      %scan3A_892 = arith.constant 1 : i32
      %scan3A_893:5 = scf.for %scan3A_1132 = %scan3A_889 to %scan3A_891 step %scan3A_892 iter_args(%scan3A_1133 = %broadcast_in_dim3A_880, %scan3A_1134 = %broadcast_in_dim3A_882, %scan3A_1135 = %broadcast_in_dim3A_884, %scan3A_1136 = %broadcast_in_dim3A_886, %scan3A_1137 = %broadcast_in_dim3A_888) -> (vector<16xf32>, vector<16xf32>, vector<16xf32>, vector<16xf32>, vector<16xf32>)  : i32 {
        %mul3A_1138 = arith.constant 2 : i32
        %mul3A_1139 = arith.muli %mul3A_1138, %scan3A_1132 : i32
        %add3A_1140 = arith.constant 0 : i32
        %add3A_1141 = arith.addi %add3A_1140, %mul3A_1139 : i32
        %add3A_1142 = arith.constant 0 : i32
        %add3A_1143 = arith.addi %add3A_1141, %add3A_1142 : i32
        %get3A = arith.constant 3 : i32
        %get3A_1144 = arith.index_cast %get3A : i32 to index
        %get3A_1145 = arith.index_cast %add3A_1143 : i32 to index
        %get3A_1146 = arith.constant 0 : index
        %get3A_1147 = tpu.vector_load %arg6[%get3A_1144, %get3A_1145, %get3A_1146] {strides = array<i32>} : memref<4x100x48xi32, #tpu.memory_space<vmem>>, vector<1x1x16xi32>,
        %get3A_1148 = vector.shape_cast %get3A_1147 : vector<1x1x16xi32> to vector<16xi32>
        %shift_left3A = arith.constant 16 : i32
        %shift_left3A_1149 = vector.broadcast %shift_left3A : i32 to vector<16xi32>
        %shift_left3A_1150 = arith.shli %get3A_1148, %shift_left3A_1149 : vector<16xi32>
        %bitcast_convert_type3A = tpu.bitcast %shift_left3A_1150 : vector<16xi32> -> vector<16xf32>
        %add3A_1151 = arith.addf %scan3A_1133, %bitcast_convert_type3A : vector<16xf32>
        %and3A_1152 = arith.constant -65536 : i32
        %and3A_1153 = vector.broadcast %and3A_1152 : i32 to vector<16xi32>
        %and3A_1154 = arith.andi %get3A_1148, %and3A_1153 : vector<16xi32>
        %bitcast_convert_type3A_1155 = tpu.bitcast %and3A_1154 : vector<16xi32> -> vector<16xf32>
        %add3A_1156 = arith.addf %scan3A_1134, %bitcast_convert_type3A_1155 : vector<16xf32>
        %get3A_1157 = arith.constant 3 : i32
        %get3A_1158 = arith.index_cast %get3A_1157 : i32 to index
        %get3A_1159 = arith.index_cast %add3A_1143 : i32 to index
        %get3A_1160 = arith.constant 16 : index
        %get3A_1161 = tpu.vector_load %arg6[%get3A_1158, %get3A_1159, %get3A_1160] {strides = array<i32>} : memref<4x100x48xi32, #tpu.memory_space<vmem>>, vector<1x1x16xi32>,
        %get3A_1162 = vector.shape_cast %get3A_1161 : vector<1x1x16xi32> to vector<16xi32>
        %shift_left3A_1163 = arith.constant 16 : i32
        %shift_left3A_1164 = vector.broadcast %shift_left3A_1163 : i32 to vector<16xi32>
        %shift_left3A_1165 = arith.shli %get3A_1162, %shift_left3A_1164 : vector<16xi32>
        %bitcast_convert_type3A_1166 = tpu.bitcast %shift_left3A_1165 : vector<16xi32> -> vector<16xf32>
        %add3A_1167 = arith.addf %scan3A_1135, %bitcast_convert_type3A_1166 : vector<16xf32>
        %and3A_1168 = arith.constant -65536 : i32
        %and3A_1169 = vector.broadcast %and3A_1168 : i32 to vector<16xi32>
        %and3A_1170 = arith.andi %get3A_1162, %and3A_1169 : vector<16xi32>
        %bitcast_convert_type3A_1171 = tpu.bitcast %and3A_1170 : vector<16xi32> -> vector<16xf32>
        %add3A_1172 = arith.addf %scan3A_1136, %bitcast_convert_type3A_1171 : vector<16xf32>
        %get3A_1173 = arith.constant 3 : i32
        %get3A_1174 = arith.index_cast %get3A_1173 : i32 to index
        %get3A_1175 = arith.index_cast %add3A_1143 : i32 to index
        %get3A_1176 = arith.constant 32 : index
        %get3A_1177 = tpu.vector_load %arg6[%get3A_1174, %get3A_1175, %get3A_1176] {strides = array<i32>} : memref<4x100x48xi32, #tpu.memory_space<vmem>>, vector<1x1x16xi32>,
        %get3A_1178 = vector.shape_cast %get3A_1177 : vector<1x1x16xi32> to vector<16xi32>
        %shift_left3A_1179 = arith.constant 16 : i32
        %shift_left3A_1180 = vector.broadcast %shift_left3A_1179 : i32 to vector<16xi32>
        %shift_left3A_1181 = arith.shli %get3A_1178, %shift_left3A_1180 : vector<16xi32>
        %bitcast_convert_type3A_1182 = tpu.bitcast %shift_left3A_1181 : vector<16xi32> -> vector<16xf32>
        %add3A_1183 = arith.addf %scan3A_1137, %bitcast_convert_type3A_1182 : vector<16xf32>
        %mul3A_1184 = arith.constant 2 : i32
        %mul3A_1185 = arith.muli %mul3A_1184, %scan3A_1132 : i32
        %add3A_1186 = arith.constant 0 : i32
        %add3A_1187 = arith.addi %add3A_1186, %mul3A_1185 : i32
        %add3A_1188 = arith.constant 1 : i32
        %add3A_1189 = arith.addi %add3A_1187, %add3A_1188 : i32
        %get3A_1190 = arith.constant 3 : i32
        %get3A_1191 = arith.index_cast %get3A_1190 : i32 to index
        %get3A_1192 = arith.index_cast %add3A_1189 : i32 to index
        %get3A_1193 = arith.constant 0 : index
        %get3A_1194 = tpu.vector_load %arg6[%get3A_1191, %get3A_1192, %get3A_1193] {strides = array<i32>} : memref<4x100x48xi32, #tpu.memory_space<vmem>>, vector<1x1x16xi32>,
        %get3A_1195 = vector.shape_cast %get3A_1194 : vector<1x1x16xi32> to vector<16xi32>
        %shift_left3A_1196 = arith.constant 16 : i32
        %shift_left3A_1197 = vector.broadcast %shift_left3A_1196 : i32 to vector<16xi32>
        %shift_left3A_1198 = arith.shli %get3A_1195, %shift_left3A_1197 : vector<16xi32>
        %bitcast_convert_type3A_1199 = tpu.bitcast %shift_left3A_1198 : vector<16xi32> -> vector<16xf32>
        %add3A_1200 = arith.addf %add3A_1151, %bitcast_convert_type3A_1199 : vector<16xf32>
        %and3A_1201 = arith.constant -65536 : i32
        %and3A_1202 = vector.broadcast %and3A_1201 : i32 to vector<16xi32>
        %and3A_1203 = arith.andi %get3A_1195, %and3A_1202 : vector<16xi32>
        %bitcast_convert_type3A_1204 = tpu.bitcast %and3A_1203 : vector<16xi32> -> vector<16xf32>
        %add3A_1205 = arith.addf %add3A_1156, %bitcast_convert_type3A_1204 : vector<16xf32>
        %get3A_1206 = arith.constant 3 : i32
        %get3A_1207 = arith.index_cast %get3A_1206 : i32 to index
        %get3A_1208 = arith.index_cast %add3A_1189 : i32 to index
        %get3A_1209 = arith.constant 16 : index
        %get3A_1210 = tpu.vector_load %arg6[%get3A_1207, %get3A_1208, %get3A_1209] {strides = array<i32>} : memref<4x100x48xi32, #tpu.memory_space<vmem>>, vector<1x1x16xi32>,
        %get3A_1211 = vector.shape_cast %get3A_1210 : vector<1x1x16xi32> to vector<16xi32>
        %shift_left3A_1212 = arith.constant 16 : i32
        %shift_left3A_1213 = vector.broadcast %shift_left3A_1212 : i32 to vector<16xi32>
        %shift_left3A_1214 = arith.shli %get3A_1211, %shift_left3A_1213 : vector<16xi32>
        %bitcast_convert_type3A_1215 = tpu.bitcast %shift_left3A_1214 : vector<16xi32> -> vector<16xf32>
        %add3A_1216 = arith.addf %add3A_1167, %bitcast_convert_type3A_1215 : vector<16xf32>
        %and3A_1217 = arith.constant -65536 : i32
        %and3A_1218 = vector.broadcast %and3A_1217 : i32 to vector<16xi32>
        %and3A_1219 = arith.andi %get3A_1211, %and3A_1218 : vector<16xi32>
        %bitcast_convert_type3A_1220 = tpu.bitcast %and3A_1219 : vector<16xi32> -> vector<16xf32>
        %add3A_1221 = arith.addf %add3A_1172, %bitcast_convert_type3A_1220 : vector<16xf32>
        %get3A_1222 = arith.constant 3 : i32
        %get3A_1223 = arith.index_cast %get3A_1222 : i32 to index
        %get3A_1224 = arith.index_cast %add3A_1189 : i32 to index
        %get3A_1225 = arith.constant 32 : index
        %get3A_1226 = tpu.vector_load %arg6[%get3A_1223, %get3A_1224, %get3A_1225] {strides = array<i32>} : memref<4x100x48xi32, #tpu.memory_space<vmem>>, vector<1x1x16xi32>,
        %get3A_1227 = vector.shape_cast %get3A_1226 : vector<1x1x16xi32> to vector<16xi32>
        %shift_left3A_1228 = arith.constant 16 : i32
        %shift_left3A_1229 = vector.broadcast %shift_left3A_1228 : i32 to vector<16xi32>
        %shift_left3A_1230 = arith.shli %get3A_1227, %shift_left3A_1229 : vector<16xi32>
        %bitcast_convert_type3A_1231 = tpu.bitcast %shift_left3A_1230 : vector<16xi32> -> vector<16xf32>
        %add3A_1232 = arith.addf %add3A_1183, %bitcast_convert_type3A_1231 : vector<16xf32>
        scf.yield %add3A_1200, %add3A_1205, %add3A_1216, %add3A_1221, %add3A_1232 : vector<16xf32>, vector<16xf32>, vector<16xf32>, vector<16xf32>, vector<16xf32>
      }
      %scan3A_894 = arith.constant 25 : i32
      %add3A_895 = arith.constant 9.99999993E-9 : f32
      %add3A_896 = vector.broadcast %add3A_895 : f32 to vector<16xf32>
      %add3A_897 = arith.addf %scan3A_893#4, %add3A_896 : vector<16xf32>
      %div3A_898 = arith.constant 1.000000e+00 : f32
      %div3A_899 = vector.broadcast %div3A_898 : f32 to vector<16xf32>
      %div3A_900 = arith.divf %div3A_899, %add3A_897 : vector<16xf32>
      %mul3A_901 = arith.mulf %scan3A_893#0, %div3A_900 : vector<16xf32>
      %jit3A_902 = arith.constant 64 : i32
      %eq3A_903 = arith.constant 0 : i32
      %eq3A_904 = arith.cmpi eq, %jit3A_902, %eq3A_903 : i32
      %jit3A_905 = arith.constant 1 : i32
      %select_n3A_906 = arith.select %eq3A_904, %jit3A_905, %jit3A_902 : i32
      %rem3A_907 = arith.remsi %add3A_878, %select_n3A_906 : i32
      %ne3A_908 = arith.constant 0 : i32
      %ne3A_909 = arith.cmpi ne, %rem3A_907, %ne3A_908 : i32
      %lt3A_910 = arith.constant 0 : i32
      %lt3A_911 = arith.cmpi slt, %rem3A_907, %lt3A_910 : i32
      %lt3A_912 = arith.constant 0 : i32
      %lt3A_913 = arith.cmpi slt, %select_n3A_906, %lt3A_912 : i32
      %ne3A_914 = arith.xori %lt3A_911, %lt3A_913 : i1
      %and3A_915 = arith.andi %ne3A_914, %ne3A_909 : i1
      %add3A_916 = arith.addi %rem3A_907, %select_n3A_906 : i32
      %select_n3A_917 = arith.select %and3A_915, %add3A_916, %rem3A_907 : i32
      %swap3A_918 = arith.index_cast %select_n3A_917 : i32 to index
      %swap3A_919 = arith.constant 0 : index
      %swap3A_920 = tpu.vector_load %arg7[%swap3A_918, %swap3A_919] {strides = array<i32>} : memref<64x64xf32, #tpu.memory_space<vmem>>, vector<1x16xf32>,
      %swap3A_921 = vector.shape_cast %swap3A_920 : vector<1x16xf32> to vector<16xf32>
      %swap3A_922 = vector.shape_cast %mul3A_901 : vector<16xf32> to vector<1x16xf32>
      tpu.vector_store %arg7[%swap3A_918, %swap3A_919], %swap3A_922 {strides = array<i32>} : memref<64x64xf32, #tpu.memory_space<vmem>>, vector<1x16xf32>,
      %mul3A_923 = arith.mulf %scan3A_893#1, %div3A_900 : vector<16xf32>
      %jit3A_924 = arith.constant 64 : i32
      %eq3A_925 = arith.constant 0 : i32
      %eq3A_926 = arith.cmpi eq, %jit3A_924, %eq3A_925 : i32
      %jit3A_927 = arith.constant 1 : i32
      %select_n3A_928 = arith.select %eq3A_926, %jit3A_927, %jit3A_924 : i32
      %rem3A_929 = arith.remsi %add3A_878, %select_n3A_928 : i32
      %ne3A_930 = arith.constant 0 : i32
      %ne3A_931 = arith.cmpi ne, %rem3A_929, %ne3A_930 : i32
      %lt3A_932 = arith.constant 0 : i32
      %lt3A_933 = arith.cmpi slt, %rem3A_929, %lt3A_932 : i32
      %lt3A_934 = arith.constant 0 : i32
      %lt3A_935 = arith.cmpi slt, %select_n3A_928, %lt3A_934 : i32
      %ne3A_936 = arith.xori %lt3A_933, %lt3A_935 : i1
      %and3A_937 = arith.andi %ne3A_936, %ne3A_931 : i1
      %add3A_938 = arith.addi %rem3A_929, %select_n3A_928 : i32
      %select_n3A_939 = arith.select %and3A_937, %add3A_938, %rem3A_929 : i32
      %swap3A_940 = arith.index_cast %select_n3A_939 : i32 to index
      %swap3A_941 = arith.constant 16 : index
      %swap3A_942 = tpu.vector_load %arg7[%swap3A_940, %swap3A_941] {strides = array<i32>} : memref<64x64xf32, #tpu.memory_space<vmem>>, vector<1x16xf32>,
      %swap3A_943 = vector.shape_cast %swap3A_942 : vector<1x16xf32> to vector<16xf32>
      %swap3A_944 = vector.shape_cast %mul3A_923 : vector<16xf32> to vector<1x16xf32>
      tpu.vector_store %arg7[%swap3A_940, %swap3A_941], %swap3A_944 {strides = array<i32>} : memref<64x64xf32, #tpu.memory_space<vmem>>, vector<1x16xf32>,
      %mul3A_945 = arith.mulf %scan3A_893#2, %div3A_900 : vector<16xf32>
      %jit3A_946 = arith.constant 64 : i32
      %eq3A_947 = arith.constant 0 : i32
      %eq3A_948 = arith.cmpi eq, %jit3A_946, %eq3A_947 : i32
      %jit3A_949 = arith.constant 1 : i32
      %select_n3A_950 = arith.select %eq3A_948, %jit3A_949, %jit3A_946 : i32
      %rem3A_951 = arith.remsi %add3A_878, %select_n3A_950 : i32
      %ne3A_952 = arith.constant 0 : i32
      %ne3A_953 = arith.cmpi ne, %rem3A_951, %ne3A_952 : i32
      %lt3A_954 = arith.constant 0 : i32
      %lt3A_955 = arith.cmpi slt, %rem3A_951, %lt3A_954 : i32
      %lt3A_956 = arith.constant 0 : i32
      %lt3A_957 = arith.cmpi slt, %select_n3A_950, %lt3A_956 : i32
      %ne3A_958 = arith.xori %lt3A_955, %lt3A_957 : i1
      %and3A_959 = arith.andi %ne3A_958, %ne3A_953 : i1
      %add3A_960 = arith.addi %rem3A_951, %select_n3A_950 : i32
      %select_n3A_961 = arith.select %and3A_959, %add3A_960, %rem3A_951 : i32
      %swap3A_962 = arith.index_cast %select_n3A_961 : i32 to index
      %swap3A_963 = arith.constant 32 : index
      %swap3A_964 = tpu.vector_load %arg7[%swap3A_962, %swap3A_963] {strides = array<i32>} : memref<64x64xf32, #tpu.memory_space<vmem>>, vector<1x16xf32>,
      %swap3A_965 = vector.shape_cast %swap3A_964 : vector<1x16xf32> to vector<16xf32>
      %swap3A_966 = vector.shape_cast %mul3A_945 : vector<16xf32> to vector<1x16xf32>
      tpu.vector_store %arg7[%swap3A_962, %swap3A_963], %swap3A_966 {strides = array<i32>} : memref<64x64xf32, #tpu.memory_space<vmem>>, vector<1x16xf32>,
      %mul3A_967 = arith.mulf %scan3A_893#3, %div3A_900 : vector<16xf32>
      %jit3A_968 = arith.constant 64 : i32
      %eq3A_969 = arith.constant 0 : i32
      %eq3A_970 = arith.cmpi eq, %jit3A_968, %eq3A_969 : i32
      %jit3A_971 = arith.constant 1 : i32
      %select_n3A_972 = arith.select %eq3A_970, %jit3A_971, %jit3A_968 : i32
      %rem3A_973 = arith.remsi %add3A_878, %select_n3A_972 : i32
      %ne3A_974 = arith.constant 0 : i32
      %ne3A_975 = arith.cmpi ne, %rem3A_973, %ne3A_974 : i32
      %lt3A_976 = arith.constant 0 : i32
      %lt3A_977 = arith.cmpi slt, %rem3A_973, %lt3A_976 : i32
      %lt3A_978 = arith.constant 0 : i32
      %lt3A_979 = arith.cmpi slt, %select_n3A_972, %lt3A_978 : i32
      %ne3A_980 = arith.xori %lt3A_977, %lt3A_979 : i1
      %and3A_981 = arith.andi %ne3A_980, %ne3A_975 : i1
      %add3A_982 = arith.addi %rem3A_973, %select_n3A_972 : i32
      %select_n3A_983 = arith.select %and3A_981, %add3A_982, %rem3A_973 : i32
      %swap3A_984 = arith.index_cast %select_n3A_983 : i32 to index
      %swap3A_985 = arith.constant 48 : index
      %swap3A_986 = tpu.vector_load %arg7[%swap3A_984, %swap3A_985] {strides = array<i32>} : memref<64x64xf32, #tpu.memory_space<vmem>>, vector<1x16xf32>,
      %swap3A_987 = vector.shape_cast %swap3A_986 : vector<1x16xf32> to vector<16xf32>
      %swap3A_988 = vector.shape_cast %mul3A_967 : vector<16xf32> to vector<1x16xf32>
      tpu.vector_store %arg7[%swap3A_984, %swap3A_985], %swap3A_988 {strides = array<i32>} : memref<64x64xf32, #tpu.memory_space<vmem>>, vector<1x16xf32>,
      %mul3A_989 = arith.constant 2 : i32
      %mul3A_990 = arith.muli %mul3A_989, %add3A_863 : i32
      %add3A_991 = arith.constant 1 : i32
      %add3A_992 = arith.addi %mul3A_990, %add3A_991 : i32
      %broadcast_in_dim3A_993 = arith.constant 0.000000e+00 : f32
      %broadcast_in_dim3A_994 = vector.broadcast %broadcast_in_dim3A_993 : f32 to vector<16xf32>
      %broadcast_in_dim3A_995 = arith.constant 0.000000e+00 : f32
      %broadcast_in_dim3A_996 = vector.broadcast %broadcast_in_dim3A_995 : f32 to vector<16xf32>
      %broadcast_in_dim3A_997 = arith.constant 0.000000e+00 : f32
      %broadcast_in_dim3A_998 = vector.broadcast %broadcast_in_dim3A_997 : f32 to vector<16xf32>
      %broadcast_in_dim3A_999 = arith.constant 0.000000e+00 : f32
      %broadcast_in_dim3A_1000 = vector.broadcast %broadcast_in_dim3A_999 : f32 to vector<16xf32>
      %broadcast_in_dim3A_1001 = arith.constant 0.000000e+00 : f32
      %broadcast_in_dim3A_1002 = vector.broadcast %broadcast_in_dim3A_1001 : f32 to vector<16xf32>
      %scan3A_1003 = arith.constant 0 : i32
      %scan3A_1004 = arith.constant 25 : i32
      %scan3A_1005 = arith.addi %scan3A_1003, %scan3A_1004 : i32
      %scan3A_1006 = arith.constant 1 : i32
      %scan3A_1007:5 = scf.for %scan3A_1132 = %scan3A_1003 to %scan3A_1005 step %scan3A_1006 iter_args(%scan3A_1133 = %broadcast_in_dim3A_994, %scan3A_1134 = %broadcast_in_dim3A_996, %scan3A_1135 = %broadcast_in_dim3A_998, %scan3A_1136 = %broadcast_in_dim3A_1000, %scan3A_1137 = %broadcast_in_dim3A_1002) -> (vector<16xf32>, vector<16xf32>, vector<16xf32>, vector<16xf32>, vector<16xf32>)  : i32 {
        %mul3A_1138 = arith.constant 2 : i32
        %mul3A_1139 = arith.muli %mul3A_1138, %scan3A_1132 : i32
        %add3A_1140 = arith.constant 50 : i32
        %add3A_1141 = arith.addi %add3A_1140, %mul3A_1139 : i32
        %add3A_1142 = arith.constant 0 : i32
        %add3A_1143 = arith.addi %add3A_1141, %add3A_1142 : i32
        %get3A = arith.constant 3 : i32
        %get3A_1144 = arith.index_cast %get3A : i32 to index
        %get3A_1145 = arith.index_cast %add3A_1143 : i32 to index
        %get3A_1146 = arith.constant 0 : index
        %get3A_1147 = tpu.vector_load %arg6[%get3A_1144, %get3A_1145, %get3A_1146] {strides = array<i32>} : memref<4x100x48xi32, #tpu.memory_space<vmem>>, vector<1x1x16xi32>,
        %get3A_1148 = vector.shape_cast %get3A_1147 : vector<1x1x16xi32> to vector<16xi32>
        %shift_left3A = arith.constant 16 : i32
        %shift_left3A_1149 = vector.broadcast %shift_left3A : i32 to vector<16xi32>
        %shift_left3A_1150 = arith.shli %get3A_1148, %shift_left3A_1149 : vector<16xi32>
        %bitcast_convert_type3A = tpu.bitcast %shift_left3A_1150 : vector<16xi32> -> vector<16xf32>
        %add3A_1151 = arith.addf %scan3A_1133, %bitcast_convert_type3A : vector<16xf32>
        %and3A_1152 = arith.constant -65536 : i32
        %and3A_1153 = vector.broadcast %and3A_1152 : i32 to vector<16xi32>
        %and3A_1154 = arith.andi %get3A_1148, %and3A_1153 : vector<16xi32>
        %bitcast_convert_type3A_1155 = tpu.bitcast %and3A_1154 : vector<16xi32> -> vector<16xf32>
        %add3A_1156 = arith.addf %scan3A_1134, %bitcast_convert_type3A_1155 : vector<16xf32>
        %get3A_1157 = arith.constant 3 : i32
        %get3A_1158 = arith.index_cast %get3A_1157 : i32 to index
        %get3A_1159 = arith.index_cast %add3A_1143 : i32 to index
        %get3A_1160 = arith.constant 16 : index
        %get3A_1161 = tpu.vector_load %arg6[%get3A_1158, %get3A_1159, %get3A_1160] {strides = array<i32>} : memref<4x100x48xi32, #tpu.memory_space<vmem>>, vector<1x1x16xi32>,
        %get3A_1162 = vector.shape_cast %get3A_1161 : vector<1x1x16xi32> to vector<16xi32>
        %shift_left3A_1163 = arith.constant 16 : i32
        %shift_left3A_1164 = vector.broadcast %shift_left3A_1163 : i32 to vector<16xi32>
        %shift_left3A_1165 = arith.shli %get3A_1162, %shift_left3A_1164 : vector<16xi32>
        %bitcast_convert_type3A_1166 = tpu.bitcast %shift_left3A_1165 : vector<16xi32> -> vector<16xf32>
        %add3A_1167 = arith.addf %scan3A_1135, %bitcast_convert_type3A_1166 : vector<16xf32>
        %and3A_1168 = arith.constant -65536 : i32
        %and3A_1169 = vector.broadcast %and3A_1168 : i32 to vector<16xi32>
        %and3A_1170 = arith.andi %get3A_1162, %and3A_1169 : vector<16xi32>
        %bitcast_convert_type3A_1171 = tpu.bitcast %and3A_1170 : vector<16xi32> -> vector<16xf32>
        %add3A_1172 = arith.addf %scan3A_1136, %bitcast_convert_type3A_1171 : vector<16xf32>
        %get3A_1173 = arith.constant 3 : i32
        %get3A_1174 = arith.index_cast %get3A_1173 : i32 to index
        %get3A_1175 = arith.index_cast %add3A_1143 : i32 to index
        %get3A_1176 = arith.constant 32 : index
        %get3A_1177 = tpu.vector_load %arg6[%get3A_1174, %get3A_1175, %get3A_1176] {strides = array<i32>} : memref<4x100x48xi32, #tpu.memory_space<vmem>>, vector<1x1x16xi32>,
        %get3A_1178 = vector.shape_cast %get3A_1177 : vector<1x1x16xi32> to vector<16xi32>
        %shift_left3A_1179 = arith.constant 16 : i32
        %shift_left3A_1180 = vector.broadcast %shift_left3A_1179 : i32 to vector<16xi32>
        %shift_left3A_1181 = arith.shli %get3A_1178, %shift_left3A_1180 : vector<16xi32>
        %bitcast_convert_type3A_1182 = tpu.bitcast %shift_left3A_1181 : vector<16xi32> -> vector<16xf32>
        %add3A_1183 = arith.addf %scan3A_1137, %bitcast_convert_type3A_1182 : vector<16xf32>
        %mul3A_1184 = arith.constant 2 : i32
        %mul3A_1185 = arith.muli %mul3A_1184, %scan3A_1132 : i32
        %add3A_1186 = arith.constant 50 : i32
        %add3A_1187 = arith.addi %add3A_1186, %mul3A_1185 : i32
        %add3A_1188 = arith.constant 1 : i32
        %add3A_1189 = arith.addi %add3A_1187, %add3A_1188 : i32
        %get3A_1190 = arith.constant 3 : i32
        %get3A_1191 = arith.index_cast %get3A_1190 : i32 to index
        %get3A_1192 = arith.index_cast %add3A_1189 : i32 to index
        %get3A_1193 = arith.constant 0 : index
        %get3A_1194 = tpu.vector_load %arg6[%get3A_1191, %get3A_1192, %get3A_1193] {strides = array<i32>} : memref<4x100x48xi32, #tpu.memory_space<vmem>>, vector<1x1x16xi32>,
        %get3A_1195 = vector.shape_cast %get3A_1194 : vector<1x1x16xi32> to vector<16xi32>
        %shift_left3A_1196 = arith.constant 16 : i32
        %shift_left3A_1197 = vector.broadcast %shift_left3A_1196 : i32 to vector<16xi32>
        %shift_left3A_1198 = arith.shli %get3A_1195, %shift_left3A_1197 : vector<16xi32>
        %bitcast_convert_type3A_1199 = tpu.bitcast %shift_left3A_1198 : vector<16xi32> -> vector<16xf32>
        %add3A_1200 = arith.addf %add3A_1151, %bitcast_convert_type3A_1199 : vector<16xf32>
        %and3A_1201 = arith.constant -65536 : i32
        %and3A_1202 = vector.broadcast %and3A_1201 : i32 to vector<16xi32>
        %and3A_1203 = arith.andi %get3A_1195, %and3A_1202 : vector<16xi32>
        %bitcast_convert_type3A_1204 = tpu.bitcast %and3A_1203 : vector<16xi32> -> vector<16xf32>
        %add3A_1205 = arith.addf %add3A_1156, %bitcast_convert_type3A_1204 : vector<16xf32>
        %get3A_1206 = arith.constant 3 : i32
        %get3A_1207 = arith.index_cast %get3A_1206 : i32 to index
        %get3A_1208 = arith.index_cast %add3A_1189 : i32 to index
        %get3A_1209 = arith.constant 16 : index
        %get3A_1210 = tpu.vector_load %arg6[%get3A_1207, %get3A_1208, %get3A_1209] {strides = array<i32>} : memref<4x100x48xi32, #tpu.memory_space<vmem>>, vector<1x1x16xi32>,
        %get3A_1211 = vector.shape_cast %get3A_1210 : vector<1x1x16xi32> to vector<16xi32>
        %shift_left3A_1212 = arith.constant 16 : i32
        %shift_left3A_1213 = vector.broadcast %shift_left3A_1212 : i32 to vector<16xi32>
        %shift_left3A_1214 = arith.shli %get3A_1211, %shift_left3A_1213 : vector<16xi32>
        %bitcast_convert_type3A_1215 = tpu.bitcast %shift_left3A_1214 : vector<16xi32> -> vector<16xf32>
        %add3A_1216 = arith.addf %add3A_1167, %bitcast_convert_type3A_1215 : vector<16xf32>
        %and3A_1217 = arith.constant -65536 : i32
        %and3A_1218 = vector.broadcast %and3A_1217 : i32 to vector<16xi32>
        %and3A_1219 = arith.andi %get3A_1211, %and3A_1218 : vector<16xi32>
        %bitcast_convert_type3A_1220 = tpu.bitcast %and3A_1219 : vector<16xi32> -> vector<16xf32>
        %add3A_1221 = arith.addf %add3A_1172, %bitcast_convert_type3A_1220 : vector<16xf32>
        %get3A_1222 = arith.constant 3 : i32
        %get3A_1223 = arith.index_cast %get3A_1222 : i32 to index
        %get3A_1224 = arith.index_cast %add3A_1189 : i32 to index
        %get3A_1225 = arith.constant 32 : index
        %get3A_1226 = tpu.vector_load %arg6[%get3A_1223, %get3A_1224, %get3A_1225] {strides = array<i32>} : memref<4x100x48xi32, #tpu.memory_space<vmem>>, vector<1x1x16xi32>,
        %get3A_1227 = vector.shape_cast %get3A_1226 : vector<1x1x16xi32> to vector<16xi32>
        %shift_left3A_1228 = arith.constant 16 : i32
        %shift_left3A_1229 = vector.broadcast %shift_left3A_1228 : i32 to vector<16xi32>
        %shift_left3A_1230 = arith.shli %get3A_1227, %shift_left3A_1229 : vector<16xi32>
        %bitcast_convert_type3A_1231 = tpu.bitcast %shift_left3A_1230 : vector<16xi32> -> vector<16xf32>
        %add3A_1232 = arith.addf %add3A_1183, %bitcast_convert_type3A_1231 : vector<16xf32>
        scf.yield %add3A_1200, %add3A_1205, %add3A_1216, %add3A_1221, %add3A_1232 : vector<16xf32>, vector<16xf32>, vector<16xf32>, vector<16xf32>, vector<16xf32>
      }
      %scan3A_1008 = arith.constant 25 : i32
      %add3A_1009 = arith.constant 9.99999993E-9 : f32
      %add3A_1010 = vector.broadcast %add3A_1009 : f32 to vector<16xf32>
      %add3A_1011 = arith.addf %scan3A_1007#4, %add3A_1010 : vector<16xf32>
      %div3A_1012 = arith.constant 1.000000e+00 : f32
      %div3A_1013 = vector.broadcast %div3A_1012 : f32 to vector<16xf32>
      %div3A_1014 = arith.divf %div3A_1013, %add3A_1011 : vector<16xf32>
      %mul3A_1015 = arith.mulf %scan3A_1007#0, %div3A_1014 : vector<16xf32>
      %jit3A_1016 = arith.constant 64 : i32
      %eq3A_1017 = arith.constant 0 : i32
      %eq3A_1018 = arith.cmpi eq, %jit3A_1016, %eq3A_1017 : i32
      %jit3A_1019 = arith.constant 1 : i32
      %select_n3A_1020 = arith.select %eq3A_1018, %jit3A_1019, %jit3A_1016 : i32
      %rem3A_1021 = arith.remsi %add3A_992, %select_n3A_1020 : i32
      %ne3A_1022 = arith.constant 0 : i32
      %ne3A_1023 = arith.cmpi ne, %rem3A_1021, %ne3A_1022 : i32
      %lt3A_1024 = arith.constant 0 : i32
      %lt3A_1025 = arith.cmpi slt, %rem3A_1021, %lt3A_1024 : i32
      %lt3A_1026 = arith.constant 0 : i32
      %lt3A_1027 = arith.cmpi slt, %select_n3A_1020, %lt3A_1026 : i32
      %ne3A_1028 = arith.xori %lt3A_1025, %lt3A_1027 : i1
      %and3A_1029 = arith.andi %ne3A_1028, %ne3A_1023 : i1
      %add3A_1030 = arith.addi %rem3A_1021, %select_n3A_1020 : i32
      %select_n3A_1031 = arith.select %and3A_1029, %add3A_1030, %rem3A_1021 : i32
      %swap3A_1032 = arith.index_cast %select_n3A_1031 : i32 to index
      %swap3A_1033 = arith.constant 0 : index
      %swap3A_1034 = tpu.vector_load %arg7[%swap3A_1032, %swap3A_1033] {strides = array<i32>} : memref<64x64xf32, #tpu.memory_space<vmem>>, vector<1x16xf32>,
      %swap3A_1035 = vector.shape_cast %swap3A_1034 : vector<1x16xf32> to vector<16xf32>
      %swap3A_1036 = vector.shape_cast %mul3A_1015 : vector<16xf32> to vector<1x16xf32>
      tpu.vector_store %arg7[%swap3A_1032, %swap3A_1033], %swap3A_1036 {strides = array<i32>} : memref<64x64xf32, #tpu.memory_space<vmem>>, vector<1x16xf32>,
      %mul3A_1037 = arith.mulf %scan3A_1007#1, %div3A_1014 : vector<16xf32>
      %jit3A_1038 = arith.constant 64 : i32
      %eq3A_1039 = arith.constant 0 : i32
      %eq3A_1040 = arith.cmpi eq, %jit3A_1038, %eq3A_1039 : i32
      %jit3A_1041 = arith.constant 1 : i32
      %select_n3A_1042 = arith.select %eq3A_1040, %jit3A_1041, %jit3A_1038 : i32
      %rem3A_1043 = arith.remsi %add3A_992, %select_n3A_1042 : i32
      %ne3A_1044 = arith.constant 0 : i32
      %ne3A_1045 = arith.cmpi ne, %rem3A_1043, %ne3A_1044 : i32
      %lt3A_1046 = arith.constant 0 : i32
      %lt3A_1047 = arith.cmpi slt, %rem3A_1043, %lt3A_1046 : i32
      %lt3A_1048 = arith.constant 0 : i32
      %lt3A_1049 = arith.cmpi slt, %select_n3A_1042, %lt3A_1048 : i32
      %ne3A_1050 = arith.xori %lt3A_1047, %lt3A_1049 : i1
      %and3A_1051 = arith.andi %ne3A_1050, %ne3A_1045 : i1
      %add3A_1052 = arith.addi %rem3A_1043, %select_n3A_1042 : i32
      %select_n3A_1053 = arith.select %and3A_1051, %add3A_1052, %rem3A_1043 : i32
      %swap3A_1054 = arith.index_cast %select_n3A_1053 : i32 to index
      %swap3A_1055 = arith.constant 16 : index
      %swap3A_1056 = tpu.vector_load %arg7[%swap3A_1054, %swap3A_1055] {strides = array<i32>} : memref<64x64xf32, #tpu.memory_space<vmem>>, vector<1x16xf32>,
      %swap3A_1057 = vector.shape_cast %swap3A_1056 : vector<1x16xf32> to vector<16xf32>
      %swap3A_1058 = vector.shape_cast %mul3A_1037 : vector<16xf32> to vector<1x16xf32>
      tpu.vector_store %arg7[%swap3A_1054, %swap3A_1055], %swap3A_1058 {strides = array<i32>} : memref<64x64xf32, #tpu.memory_space<vmem>>, vector<1x16xf32>,
      %mul3A_1059 = arith.mulf %scan3A_1007#2, %div3A_1014 : vector<16xf32>
      %jit3A_1060 = arith.constant 64 : i32
      %eq3A_1061 = arith.constant 0 : i32
      %eq3A_1062 = arith.cmpi eq, %jit3A_1060, %eq3A_1061 : i32
      %jit3A_1063 = arith.constant 1 : i32
      %select_n3A_1064 = arith.select %eq3A_1062, %jit3A_1063, %jit3A_1060 : i32
      %rem3A_1065 = arith.remsi %add3A_992, %select_n3A_1064 : i32
      %ne3A_1066 = arith.constant 0 : i32
      %ne3A_1067 = arith.cmpi ne, %rem3A_1065, %ne3A_1066 : i32
      %lt3A_1068 = arith.constant 0 : i32
      %lt3A_1069 = arith.cmpi slt, %rem3A_1065, %lt3A_1068 : i32
      %lt3A_1070 = arith.constant 0 : i32
      %lt3A_1071 = arith.cmpi slt, %select_n3A_1064, %lt3A_1070 : i32
      %ne3A_1072 = arith.xori %lt3A_1069, %lt3A_1071 : i1
      %and3A_1073 = arith.andi %ne3A_1072, %ne3A_1067 : i1
      %add3A_1074 = arith.addi %rem3A_1065, %select_n3A_1064 : i32
      %select_n3A_1075 = arith.select %and3A_1073, %add3A_1074, %rem3A_1065 : i32
      %swap3A_1076 = arith.index_cast %select_n3A_1075 : i32 to index
      %swap3A_1077 = arith.constant 32 : index
      %swap3A_1078 = tpu.vector_load %arg7[%swap3A_1076, %swap3A_1077] {strides = array<i32>} : memref<64x64xf32, #tpu.memory_space<vmem>>, vector<1x16xf32>,
      %swap3A_1079 = vector.shape_cast %swap3A_1078 : vector<1x16xf32> to vector<16xf32>
      %swap3A_1080 = vector.shape_cast %mul3A_1059 : vector<16xf32> to vector<1x16xf32>
      tpu.vector_store %arg7[%swap3A_1076, %swap3A_1077], %swap3A_1080 {strides = array<i32>} : memref<64x64xf32, #tpu.memory_space<vmem>>, vector<1x16xf32>,
      %mul3A_1081 = arith.mulf %scan3A_1007#3, %div3A_1014 : vector<16xf32>
      %jit3A_1082 = arith.constant 64 : i32
      %eq3A_1083 = arith.constant 0 : i32
      %eq3A_1084 = arith.cmpi eq, %jit3A_1082, %eq3A_1083 : i32
      %jit3A_1085 = arith.constant 1 : i32
      %select_n3A_1086 = arith.select %eq3A_1084, %jit3A_1085, %jit3A_1082 : i32
      %rem3A_1087 = arith.remsi %add3A_992, %select_n3A_1086 : i32
      %ne3A_1088 = arith.constant 0 : i32
      %ne3A_1089 = arith.cmpi ne, %rem3A_1087, %ne3A_1088 : i32
      %lt3A_1090 = arith.constant 0 : i32
      %lt3A_1091 = arith.cmpi slt, %rem3A_1087, %lt3A_1090 : i32
      %lt3A_1092 = arith.constant 0 : i32
      %lt3A_1093 = arith.cmpi slt, %select_n3A_1086, %lt3A_1092 : i32
      %ne3A_1094 = arith.xori %lt3A_1091, %lt3A_1093 : i1
      %and3A_1095 = arith.andi %ne3A_1094, %ne3A_1089 : i1
      %add3A_1096 = arith.addi %rem3A_1087, %select_n3A_1086 : i32
      %select_n3A_1097 = arith.select %and3A_1095, %add3A_1096, %rem3A_1087 : i32
      %swap3A_1098 = arith.index_cast %select_n3A_1097 : i32 to index
      %swap3A_1099 = arith.constant 48 : index
      %swap3A_1100 = tpu.vector_load %arg7[%swap3A_1098, %swap3A_1099] {strides = array<i32>} : memref<64x64xf32, #tpu.memory_space<vmem>>, vector<1x16xf32>,
      %swap3A_1101 = vector.shape_cast %swap3A_1100 : vector<1x16xf32> to vector<16xf32>
      %swap3A_1102 = vector.shape_cast %mul3A_1081 : vector<16xf32> to vector<1x16xf32>
      tpu.vector_store %arg7[%swap3A_1098, %swap3A_1099], %swap3A_1102 {strides = array<i32>} : memref<64x64xf32, #tpu.memory_space<vmem>>, vector<1x16xf32>,
      %add3A_1103 = arith.constant 4 : i32
      %add3A_1104 = arith.addi %add3A_863, %add3A_1103 : i32
      %lt3A_1105 = arith.constant 256 : i32
      %lt3A_1106 = arith.cmpi slt, %add3A_1104, %lt3A_1105 : i32
      %convert_element_type3A_1107 = arith.extui %lt3A_1106 : i1 to i32
      %cond3A_1108 = arith.constant 0 : i32
      %cond3A_1109 = arith.cmpi ne, %convert_element_type3A_1107, %cond3A_1108 : i32
      scf.if %cond3A_1109 {
        %add3A_1132 = arith.constant 4 : i32
        %add3A_1133 = arith.addi %add3A_863, %add3A_1132 : i32
        %dma_start3A_1134 = arith.constant 3 : i32
        %dma_start3A_1135 = arith.constant 0 : i32
        %dma_start3A_1136 = arith.constant 0 : i32
        %dma_start3A_1137 = tpu.memref_slice %arg6[%dma_start3A_1134, %dma_start3A_1135, %dma_start3A_1136] : memref<4x100x48xi32, #tpu.memory_space<vmem>> -> memref<1x100x48xi32, #tpu.memory_space<vmem>>
        %dma_start3A_1138 = tpu.memref_squeeze %dma_start3A_1137 : memref<1x100x48xi32, #tpu.memory_space<vmem>> -> memref<100x48xi32, #tpu.memory_space<vmem>>
        %dma_start3A_1139 = arith.constant 0 : i32
        %dma_start3A_1140 = tpu.memref_slice %arg5[%add3A_1133, %dma_start3A_1139] : memref<256x100xi32, #tpu.memory_space<vmem>> -> memref<1x100xi32, #tpu.memory_space<vmem>>
        %dma_start3A_1141 = tpu.memref_squeeze %dma_start3A_1140 : memref<1x100xi32, #tpu.memory_space<vmem>> -> memref<100xi32, #tpu.memory_space<vmem>>
        %dma_start3A_1142 = arith.constant 0 : i32
        %dma_start3A_1143 = arith.constant 0 : i32
        %dma_start3A_1144 = tpu.memref_slice %arg8[%dma_start3A_1142, %dma_start3A_1143] : memref<18176x48xi32, #tpu.memory_space<vmem_shared>> -> memref<18176x48xi32, #tpu.memory_space<vmem_shared>>
        tpu.enqueue_indirect_dma source(%dma_start3A_1144 : memref<18176x48xi32, #tpu.memory_space<vmem_shared>>) target(%dma_start3A_1138 : memref<100x48xi32, #tpu.memory_space<vmem>>) offsets(%dma_start3A_1141 : memref<100xi32, #tpu.memory_space<vmem>>) semaphore(%arg12 : memref<!tpu.dma_semaphore, #tpu.memory_space<semaphore_mem>>)
      } else {
      }
      %jit3A_1110 = arith.constant 32 : i32
      %eq3A_1111 = arith.constant 0 : i32
      %eq3A_1112 = arith.cmpi eq, %jit3A_1110, %eq3A_1111 : i32
      %jit3A_1113 = arith.constant 1 : i32
      %select_n3A_1114 = arith.select %eq3A_1112, %jit3A_1113, %jit3A_1110 : i32
      %rem3A_1115 = arith.remsi %add3A_863, %select_n3A_1114 : i32
      %ne3A_1116 = arith.constant 0 : i32
      %ne3A_1117 = arith.cmpi ne, %rem3A_1115, %ne3A_1116 : i32
      %lt3A_1118 = arith.constant 0 : i32
      %lt3A_1119 = arith.cmpi slt, %rem3A_1115, %lt3A_1118 : i32
      %lt3A_1120 = arith.constant 0 : i32
      %lt3A_1121 = arith.cmpi slt, %select_n3A_1114, %lt3A_1120 : i32
      %ne3A_1122 = arith.xori %lt3A_1119, %lt3A_1121 : i1
      %and3A_1123 = arith.andi %ne3A_1122, %ne3A_1117 : i1
      %add3A_1124 = arith.addi %rem3A_1115, %select_n3A_1114 : i32
      %select_n3A_1125 = arith.select %and3A_1123, %add3A_1124, %rem3A_1115 : i32
      %eq3A_1126 = arith.constant 31 : i32
      %eq3A_1127 = arith.cmpi eq, %select_n3A_1125, %eq3A_1126 : i32
      %convert_element_type3A_1128 = arith.extui %eq3A_1127 : i1 to i32
      %cond3A_1129 = arith.constant 0 : i32
      %cond3A_1130 = arith.cmpi ne, %convert_element_type3A_1128, %cond3A_1129 : i32
      scf.if %cond3A_1130 {
        %mul3A_1132 = arith.constant 512 : i32
        %mul3A_1133 = arith.muli %add3A, %mul3A_1132 : i32
        %jit3A_1134 = arith.constant 32 : i32
        %div3A_1135 = arith.divsi %add3A_863, %jit3A_1134 : i32
        %sign3A = arith.constant 0 : i32
        %sign3A_1136 = arith.cmpi sgt, %add3A_863, %sign3A : i32
        %sign3A_1137 = arith.extui %sign3A_1136 : i1 to i32
        %sign3A_1138 = arith.constant 0 : i32
        %sign3A_1139 = arith.cmpi slt, %add3A_863, %sign3A_1138 : i32
        %sign3A_1140 = arith.extui %sign3A_1139 : i1 to i32
        %sign3A_1141 = arith.subi %sign3A_1137, %sign3A_1140 : i32
        %sign3A_1142 = arith.constant 0 : i32
        %sign3A_1143 = arith.cmpi sgt, %jit3A_1134, %sign3A_1142 : i32
        %sign3A_1144 = arith.extui %sign3A_1143 : i1 to i32
        %sign3A_1145 = arith.constant 0 : i32
        %sign3A_1146 = arith.cmpi slt, %jit3A_1134, %sign3A_1145 : i32
        %sign3A_1147 = arith.extui %sign3A_1146 : i1 to i32
        %sign3A_1148 = arith.subi %sign3A_1144, %sign3A_1147 : i32
        %ne3A_1149 = arith.cmpi ne, %sign3A_1141, %sign3A_1148 : i32
        %rem3A_1150 = arith.remsi %add3A_863, %jit3A_1134 : i32
        %ne3A_1151 = arith.constant 0 : i32
        %ne3A_1152 = arith.cmpi ne, %rem3A_1150, %ne3A_1151 : i32
        %and3A_1153 = arith.andi %ne3A_1149, %ne3A_1152 : i1
        %sub3A = arith.constant 1 : i32
        %sub3A_1154 = arith.subi %div3A_1135, %sub3A : i32
        %select_n3A_1155 = arith.select %and3A_1153, %sub3A_1154, %div3A_1135 : i32
        %mul3A_1156 = arith.constant 64 : i32
        %mul3A_1157 = arith.muli %select_n3A_1155, %mul3A_1156 : i32
        %add3A_1158 = arith.addi %mul3A_1133, %mul3A_1157 : i32
        "tpu.region"() ({
          %run_scoped3A = tpu.sem_alloc : memref<!tpu.dma_semaphore, #tpu.memory_space<semaphore_mem>>
          %dma_start3A_1159 = arith.constant 0 : i32
          %dma_start3A_1160 = tpu.memref_slice %arg4[%add3A_1158, %dma_start3A_1159] : memref<16384x64xf32, #tpu.memory_space<hbm>> -> memref<64x64xf32, #tpu.memory_space<hbm>>
          %dma_start3A_1161 = arith.constant 0 : i32
          %dma_start3A_1162 = tpu.memref_slice %arg4[%add3A_1158, %dma_start3A_1161] : memref<16384x64xf32, #tpu.memory_space<hbm>> -> memref<64x64xf32, #tpu.memory_space<hbm>>
          tpu.enqueue_dma source(%arg7 : memref<64x64xf32, #tpu.memory_space<vmem>>) target(%dma_start3A_1162 : memref<64x64xf32, #tpu.memory_space<hbm>>) target_semaphore(%run_scoped3A : memref<!tpu.dma_semaphore, #tpu.memory_space<semaphore_mem>>)
          %dma_wait3A_1163 = arith.constant 0 : i32
          %dma_wait3A_1164 = tpu.memref_slice %arg4[%add3A_1158, %dma_wait3A_1163] : memref<16384x64xf32, #tpu.memory_space<hbm>> -> memref<64x64xf32, #tpu.memory_space<hbm>>
          %dma_wait3A_1165 = arith.constant 0 : i32
          %dma_wait3A_1166 = tpu.memref_slice %arg4[%add3A_1158, %dma_wait3A_1165] : memref<16384x64xf32, #tpu.memory_space<hbm>> -> memref<64x64xf32, #tpu.memory_space<hbm>>
          tpu.wait_dma2 semaphore(%run_scoped3A : memref<!tpu.dma_semaphore, #tpu.memory_space<semaphore_mem>>) src(%arg7 : memref<64x64xf32, #tpu.memory_space<vmem>>) dst(%dma_wait3A_1166 : memref<64x64xf32, #tpu.memory_space<hbm>>)
          tpu.yield
        }) : () -> ()
      } else {
      }
      %scan3A_1131 = arith.constant 0 : i32
      scf.yield %scan3A_1131 : i32
    }
    %scan3A_57 = arith.constant 64 : i32
    return
  }
}

module attributes {stable_mosaic.version = 14 : i64} {
  func.func @_prep_body(%arg0: i32, %arg1: memref<2272x64xf32, #tpu.memory_space<vmem>>, %arg2: memref<32x64xf32, #tpu.memory_space<vmem>>, %arg3: memref<1x32xf32, #tpu.memory_space<vmem>>, %arg4: memref<1x32xf32, #tpu.memory_space<vmem>>, %arg5: memref<1x1xf32, #tpu.memory_space<smem>>, %arg6: memref<2272x48xi32, #tpu.memory_space<vmem>>) attributes {dimension_semantics = [#tpu.dimension_semantics<arbitrary>], iteration_bounds = array<i64: 8>, scalar_prefetch = 0 : i64, scratch_operands = 0 : i64, tpu.core_type = #tpu.core_type<tc>, window_params = [{transform_indices = @transform_0, window_bounds = array<i64: 2272, 64>}, {pipeline_mode = #tpu.pipeline_mode<synchronous>, transform_indices = @transform_1, window_bounds = array<i64: 32, 64>}, {pipeline_mode = #tpu.pipeline_mode<synchronous>, transform_indices = @transform_2, window_bounds = array<i64: 1, 32>}, {pipeline_mode = #tpu.pipeline_mode<synchronous>, transform_indices = @transform_3, window_bounds = array<i64: 1, 32>}, {transform_indices = @transform_4, window_bounds = array<i64: 1, 1>}, {transform_indices = @transform_5, window_bounds = array<i64: 2272, 48>}]} {
    %get3A = arith.constant 0 : index
    %get3A_0 = arith.constant 0 : index
    %get3A_1 = vector.load %arg1[%get3A, %get3A_0] : memref<2272x64xf32, #tpu.memory_space<vmem>>, vector<2272x64xf32>
    %get3A_2 = arith.constant 0 : index
    %get3A_3 = arith.constant 0 : index
    %get3A_4 = vector.load %arg2[%get3A_2, %get3A_3] : memref<32x64xf32, #tpu.memory_space<vmem>>, vector<32x64xf32>
    %dot_general3A = arith.constant dense<0.000000e+00> : vector<2272x32xf32>
    %dot_general3A_5 = tpu.matmul %get3A_1, %get3A_4, %dot_general3A {dimension_numbers = #tpu.dot_dimension_numbers<[1], [1], [0], [0], [0, 0, 1, 0], [], []>, transpose_lhs_hint = false} : vector<2272x64xf32>, vector<32x64xf32>, vector<2272x32xf32> -> vector<2272x32xf32>
    %get3A_6 = arith.constant 0 : index
    %get3A_7 = arith.constant 0 : index
    %get3A_8 = vector.load %arg3[%get3A_6, %get3A_7] : memref<1x32xf32, #tpu.memory_space<vmem>>, vector<1x32xf32>
    %add3A = vector.broadcast %get3A_8 : vector<1x32xf32> to vector<2272x32xf32>
    %add3A_9 = arith.addf %dot_general3A_5, %add3A : vector<2272x32xf32>
    %tanh3A = math.tanh %add3A_9 : vector<2272x32xf32>
    %get3A_10 = arith.constant 0 : index
    %get3A_11 = arith.constant 0 : index
    %get3A_12 = vector.load %arg4[%get3A_10, %get3A_11] : memref<1x32xf32, #tpu.memory_space<vmem>>, vector<1x32xf32>
    %mul3A = vector.broadcast %get3A_12 : vector<1x32xf32> to vector<2272x32xf32>
    %mul3A_13 = arith.mulf %tanh3A, %mul3A : vector<2272x32xf32>
    %reduce_sum3A = arith.constant dense<0.000000e+00> : vector<2272xf32>
    %reduce_sum3A_14 = vector.multi_reduction <add>, %mul3A_13, %reduce_sum3A [1] : vector<2272x32xf32> to vector<2272xf32>
    %broadcast_in_dim3A = vector.shape_cast %reduce_sum3A_14 : vector<2272xf32> to vector<2272x1xf32>
    %get3A_15 = arith.constant 0 : index
    %get3A_16 = arith.constant 0 : index
    %get3A_17 = memref.load %arg5[%get3A_15, %get3A_16] : memref<1x1xf32, #tpu.memory_space<smem>>
    %add3A_18 = vector.broadcast %get3A_17 : f32 to vector<2272x1xf32>
    %add3A_19 = arith.addf %broadcast_in_dim3A, %add3A_18 : vector<2272x1xf32>
    %exp3A = math.exp %add3A_19 : vector<2272x1xf32>
    %mul3A_20 = arith.constant 2272 : i32
    %mul3A_21 = arith.muli %arg0, %mul3A_20 : i32
    %iota3A = tpu.iota {dimensions = array<i32: 0>} : vector<2272x1xi32>
    %add3A_22 = vector.broadcast %mul3A_21 : i32 to vector<2272x1xi32>
    %add3A_23 = arith.addi %add3A_22, %iota3A : vector<2272x1xi32>
    %ne3A = arith.constant 0 : i32
    %ne3A_24 = vector.broadcast %ne3A : i32 to vector<2272x1xi32>
    %ne3A_25 = arith.cmpi ne, %add3A_23, %ne3A_24 : vector<2272x1xi32>
    %jit3A = arith.constant 0.000000e+00 : f32
    %broadcast_in_dim3A_26 = vector.broadcast %jit3A : f32 to vector<2272x1xf32>
    %select_n3A = arith.select %ne3A_25, %exp3A, %broadcast_in_dim3A_26 : vector<2272x1xi1>, vector<2272x1xf32>
    %mul3A_27 = vector.broadcast %select_n3A : vector<2272x1xf32> to vector<2272x64xf32>
    %mul3A_28 = arith.mulf %get3A_1, %mul3A_27 : vector<2272x64xf32>
    %broadcast_in_dim3A_29 = vector.shape_cast %select_n3A : vector<2272x1xf32> to vector<2272x1xf32>
    %broadcast_in_dim3A_30 = vector.broadcast %broadcast_in_dim3A_29 : vector<2272x1xf32> to vector<2272x16xf32>
    %broadcast_in_dim3A_31 = arith.constant 0.000000e+00 : f32
    %broadcast_in_dim3A_32 = vector.broadcast %broadcast_in_dim3A_31 : f32 to vector<2272x16xf32>
    %slice3A = vector.extract_strided_slice %mul3A_28 {offsets = [0, 0], sizes = [2272, 16], strides = [1, 1]} : vector<2272x64xf32> to vector<2272x16xf32>
    %slice3A_33 = vector.extract_strided_slice %mul3A_28 {offsets = [0, 16], sizes = [2272, 16], strides = [1, 1]} : vector<2272x64xf32> to vector<2272x16xf32>
    %bitcast_convert_type3A = tpu.bitcast %slice3A : vector<2272x16xf32> -> vector<2272x16xi32>
    %add3A_34 = arith.constant 32767 : i32
    %add3A_35 = vector.broadcast %add3A_34 : i32 to vector<2272x16xi32>
    %add3A_36 = arith.addi %bitcast_convert_type3A, %add3A_35 : vector<2272x16xi32>
    %shift_right_arithmetic3A = arith.constant 16 : i32
    %shift_right_arithmetic3A_37 = vector.broadcast %shift_right_arithmetic3A : i32 to vector<2272x16xi32>
    %shift_right_arithmetic3A_38 = arith.shrsi %bitcast_convert_type3A, %shift_right_arithmetic3A_37 : vector<2272x16xi32>
    %and3A = arith.constant 1 : i32
    %and3A_39 = vector.broadcast %and3A : i32 to vector<2272x16xi32>
    %and3A_40 = arith.andi %shift_right_arithmetic3A_38, %and3A_39 : vector<2272x16xi32>
    %add3A_41 = arith.addi %add3A_36, %and3A_40 : vector<2272x16xi32>
    %shift_right_arithmetic3A_42 = arith.constant 16 : i32
    %shift_right_arithmetic3A_43 = vector.broadcast %shift_right_arithmetic3A_42 : i32 to vector<2272x16xi32>
    %shift_right_arithmetic3A_44 = arith.shrsi %add3A_41, %shift_right_arithmetic3A_43 : vector<2272x16xi32>
    %and3A_45 = arith.constant 65535 : i32
    %and3A_46 = vector.broadcast %and3A_45 : i32 to vector<2272x16xi32>
    %and3A_47 = arith.andi %shift_right_arithmetic3A_44, %and3A_46 : vector<2272x16xi32>
    %bitcast_convert_type3A_48 = tpu.bitcast %slice3A_33 : vector<2272x16xf32> -> vector<2272x16xi32>
    %add3A_49 = arith.constant 32767 : i32
    %add3A_50 = vector.broadcast %add3A_49 : i32 to vector<2272x16xi32>
    %add3A_51 = arith.addi %bitcast_convert_type3A_48, %add3A_50 : vector<2272x16xi32>
    %shift_right_arithmetic3A_52 = arith.constant 16 : i32
    %shift_right_arithmetic3A_53 = vector.broadcast %shift_right_arithmetic3A_52 : i32 to vector<2272x16xi32>
    %shift_right_arithmetic3A_54 = arith.shrsi %bitcast_convert_type3A_48, %shift_right_arithmetic3A_53 : vector<2272x16xi32>
    %and3A_55 = arith.constant 1 : i32
    %and3A_56 = vector.broadcast %and3A_55 : i32 to vector<2272x16xi32>
    %and3A_57 = arith.andi %shift_right_arithmetic3A_54, %and3A_56 : vector<2272x16xi32>
    %add3A_58 = arith.addi %add3A_51, %and3A_57 : vector<2272x16xi32>
    %shift_right_arithmetic3A_59 = arith.constant 16 : i32
    %shift_right_arithmetic3A_60 = vector.broadcast %shift_right_arithmetic3A_59 : i32 to vector<2272x16xi32>
    %shift_right_arithmetic3A_61 = arith.shrsi %add3A_58, %shift_right_arithmetic3A_60 : vector<2272x16xi32>
    %and3A_62 = arith.constant 65535 : i32
    %and3A_63 = vector.broadcast %and3A_62 : i32 to vector<2272x16xi32>
    %and3A_64 = arith.andi %shift_right_arithmetic3A_61, %and3A_63 : vector<2272x16xi32>
    %shift_left3A = arith.constant 16 : i32
    %shift_left3A_65 = vector.broadcast %shift_left3A : i32 to vector<2272x16xi32>
    %shift_left3A_66 = arith.shli %and3A_64, %shift_left3A_65 : vector<2272x16xi32>
    %or3A = arith.ori %and3A_47, %shift_left3A_66 : vector<2272x16xi32>
    %slice3A_67 = vector.extract_strided_slice %mul3A_28 {offsets = [0, 32], sizes = [2272, 16], strides = [1, 1]} : vector<2272x64xf32> to vector<2272x16xf32>
    %slice3A_68 = vector.extract_strided_slice %mul3A_28 {offsets = [0, 48], sizes = [2272, 16], strides = [1, 1]} : vector<2272x64xf32> to vector<2272x16xf32>
    %bitcast_convert_type3A_69 = tpu.bitcast %slice3A_67 : vector<2272x16xf32> -> vector<2272x16xi32>
    %add3A_70 = arith.constant 32767 : i32
    %add3A_71 = vector.broadcast %add3A_70 : i32 to vector<2272x16xi32>
    %add3A_72 = arith.addi %bitcast_convert_type3A_69, %add3A_71 : vector<2272x16xi32>
    %shift_right_arithmetic3A_73 = arith.constant 16 : i32
    %shift_right_arithmetic3A_74 = vector.broadcast %shift_right_arithmetic3A_73 : i32 to vector<2272x16xi32>
    %shift_right_arithmetic3A_75 = arith.shrsi %bitcast_convert_type3A_69, %shift_right_arithmetic3A_74 : vector<2272x16xi32>
    %and3A_76 = arith.constant 1 : i32
    %and3A_77 = vector.broadcast %and3A_76 : i32 to vector<2272x16xi32>
    %and3A_78 = arith.andi %shift_right_arithmetic3A_75, %and3A_77 : vector<2272x16xi32>
    %add3A_79 = arith.addi %add3A_72, %and3A_78 : vector<2272x16xi32>
    %shift_right_arithmetic3A_80 = arith.constant 16 : i32
    %shift_right_arithmetic3A_81 = vector.broadcast %shift_right_arithmetic3A_80 : i32 to vector<2272x16xi32>
    %shift_right_arithmetic3A_82 = arith.shrsi %add3A_79, %shift_right_arithmetic3A_81 : vector<2272x16xi32>
    %and3A_83 = arith.constant 65535 : i32
    %and3A_84 = vector.broadcast %and3A_83 : i32 to vector<2272x16xi32>
    %and3A_85 = arith.andi %shift_right_arithmetic3A_82, %and3A_84 : vector<2272x16xi32>
    %bitcast_convert_type3A_86 = tpu.bitcast %slice3A_68 : vector<2272x16xf32> -> vector<2272x16xi32>
    %add3A_87 = arith.constant 32767 : i32
    %add3A_88 = vector.broadcast %add3A_87 : i32 to vector<2272x16xi32>
    %add3A_89 = arith.addi %bitcast_convert_type3A_86, %add3A_88 : vector<2272x16xi32>
    %shift_right_arithmetic3A_90 = arith.constant 16 : i32
    %shift_right_arithmetic3A_91 = vector.broadcast %shift_right_arithmetic3A_90 : i32 to vector<2272x16xi32>
    %shift_right_arithmetic3A_92 = arith.shrsi %bitcast_convert_type3A_86, %shift_right_arithmetic3A_91 : vector<2272x16xi32>
    %and3A_93 = arith.constant 1 : i32
    %and3A_94 = vector.broadcast %and3A_93 : i32 to vector<2272x16xi32>
    %and3A_95 = arith.andi %shift_right_arithmetic3A_92, %and3A_94 : vector<2272x16xi32>
    %add3A_96 = arith.addi %add3A_89, %and3A_95 : vector<2272x16xi32>
    %shift_right_arithmetic3A_97 = arith.constant 16 : i32
    %shift_right_arithmetic3A_98 = vector.broadcast %shift_right_arithmetic3A_97 : i32 to vector<2272x16xi32>
    %shift_right_arithmetic3A_99 = arith.shrsi %add3A_96, %shift_right_arithmetic3A_98 : vector<2272x16xi32>
    %and3A_100 = arith.constant 65535 : i32
    %and3A_101 = vector.broadcast %and3A_100 : i32 to vector<2272x16xi32>
    %and3A_102 = arith.andi %shift_right_arithmetic3A_99, %and3A_101 : vector<2272x16xi32>
    %shift_left3A_103 = arith.constant 16 : i32
    %shift_left3A_104 = vector.broadcast %shift_left3A_103 : i32 to vector<2272x16xi32>
    %shift_left3A_105 = arith.shli %and3A_102, %shift_left3A_104 : vector<2272x16xi32>
    %or3A_106 = arith.ori %and3A_85, %shift_left3A_105 : vector<2272x16xi32>
    %bitcast_convert_type3A_107 = tpu.bitcast %broadcast_in_dim3A_30 : vector<2272x16xf32> -> vector<2272x16xi32>
    %add3A_108 = arith.constant 32767 : i32
    %add3A_109 = vector.broadcast %add3A_108 : i32 to vector<2272x16xi32>
    %add3A_110 = arith.addi %bitcast_convert_type3A_107, %add3A_109 : vector<2272x16xi32>
    %shift_right_arithmetic3A_111 = arith.constant 16 : i32
    %shift_right_arithmetic3A_112 = vector.broadcast %shift_right_arithmetic3A_111 : i32 to vector<2272x16xi32>
    %shift_right_arithmetic3A_113 = arith.shrsi %bitcast_convert_type3A_107, %shift_right_arithmetic3A_112 : vector<2272x16xi32>
    %and3A_114 = arith.constant 1 : i32
    %and3A_115 = vector.broadcast %and3A_114 : i32 to vector<2272x16xi32>
    %and3A_116 = arith.andi %shift_right_arithmetic3A_113, %and3A_115 : vector<2272x16xi32>
    %add3A_117 = arith.addi %add3A_110, %and3A_116 : vector<2272x16xi32>
    %shift_right_arithmetic3A_118 = arith.constant 16 : i32
    %shift_right_arithmetic3A_119 = vector.broadcast %shift_right_arithmetic3A_118 : i32 to vector<2272x16xi32>
    %shift_right_arithmetic3A_120 = arith.shrsi %add3A_117, %shift_right_arithmetic3A_119 : vector<2272x16xi32>
    %and3A_121 = arith.constant 65535 : i32
    %and3A_122 = vector.broadcast %and3A_121 : i32 to vector<2272x16xi32>
    %and3A_123 = arith.andi %shift_right_arithmetic3A_120, %and3A_122 : vector<2272x16xi32>
    %bitcast_convert_type3A_124 = tpu.bitcast %broadcast_in_dim3A_32 : vector<2272x16xf32> -> vector<2272x16xi32>
    %add3A_125 = arith.constant 32767 : i32
    %add3A_126 = vector.broadcast %add3A_125 : i32 to vector<2272x16xi32>
    %add3A_127 = arith.addi %bitcast_convert_type3A_124, %add3A_126 : vector<2272x16xi32>
    %shift_right_arithmetic3A_128 = arith.constant 16 : i32
    %shift_right_arithmetic3A_129 = vector.broadcast %shift_right_arithmetic3A_128 : i32 to vector<2272x16xi32>
    %shift_right_arithmetic3A_130 = arith.shrsi %bitcast_convert_type3A_124, %shift_right_arithmetic3A_129 : vector<2272x16xi32>
    %and3A_131 = arith.constant 1 : i32
    %and3A_132 = vector.broadcast %and3A_131 : i32 to vector<2272x16xi32>
    %and3A_133 = arith.andi %shift_right_arithmetic3A_130, %and3A_132 : vector<2272x16xi32>
    %add3A_134 = arith.addi %add3A_127, %and3A_133 : vector<2272x16xi32>
    %shift_right_arithmetic3A_135 = arith.constant 16 : i32
    %shift_right_arithmetic3A_136 = vector.broadcast %shift_right_arithmetic3A_135 : i32 to vector<2272x16xi32>
    %shift_right_arithmetic3A_137 = arith.shrsi %add3A_134, %shift_right_arithmetic3A_136 : vector<2272x16xi32>
    %and3A_138 = arith.constant 65535 : i32
    %and3A_139 = vector.broadcast %and3A_138 : i32 to vector<2272x16xi32>
    %and3A_140 = arith.andi %shift_right_arithmetic3A_137, %and3A_139 : vector<2272x16xi32>
    %shift_left3A_141 = arith.constant 16 : i32
    %shift_left3A_142 = vector.broadcast %shift_left3A_141 : i32 to vector<2272x16xi32>
    %shift_left3A_143 = arith.shli %and3A_140, %shift_left3A_142 : vector<2272x16xi32>
    %or3A_144 = arith.ori %and3A_123, %shift_left3A_143 : vector<2272x16xi32>
    %concatenate3A = tpu.concatenate %or3A, %or3A_106, %or3A_144 in 1 : vector<2272x16xi32>, vector<2272x16xi32>, vector<2272x16xi32> -> vector<2272x48xi32>
    %swap3A = arith.constant 0 : index
    %swap3A_145 = arith.constant 0 : index
    %swap3A_146 = vector.load %arg6[%swap3A, %swap3A_145] : memref<2272x48xi32, #tpu.memory_space<vmem>>, vector<2272x48xi32>
    tpu.vector_store %arg6[%swap3A, %swap3A_145], %concatenate3A {strides = array<i32>} : memref<2272x48xi32, #tpu.memory_space<vmem>>, vector<2272x48xi32>,
    return
  }
  func.func @transform_0(%arg0: i32) -> (i32, i32) {
    %c0_i32 = arith.constant 0 : i32
    %c0_i32_0 = arith.constant 0 : i32
    return %arg0, %c0_i32 : i32, i32
  }
  func.func @transform_1(%arg0: i32) -> (i32, i32) {
    %c0_i32 = arith.constant 0 : i32
    %c0_i32_0 = arith.constant 0 : i32
    %c0_i32_1 = arith.constant 0 : i32
    return %c0_i32, %c0_i32_0 : i32, i32
  }
  func.func @transform_2(%arg0: i32) -> (i32, i32) {
    %c0_i32 = arith.constant 0 : i32
    %c0_i32_0 = arith.constant 0 : i32
    %c0_i32_1 = arith.constant 0 : i32
    return %c0_i32, %c0_i32_0 : i32, i32
  }
  func.func @transform_3(%arg0: i32) -> (i32, i32) {
    %c0_i32 = arith.constant 0 : i32
    %c0_i32_0 = arith.constant 0 : i32
    %c0_i32_1 = arith.constant 0 : i32
    return %c0_i32, %c0_i32_0 : i32, i32
  }
  func.func @transform_4(%arg0: i32) -> (i32, i32) {
    %c0_i32 = arith.constant 0 : i32
    %c0_i32_0 = arith.constant 0 : i32
    %c0_i32_1 = arith.constant 0 : i32
    return %c0_i32, %c0_i32_0 : i32, i32
  }
  func.func @transform_5(%arg0: i32) -> (i32, i32) {
    %c0_i32 = arith.constant 0 : i32
    %c0_i32_0 = arith.constant 0 : i32
    return %arg0, %c0_i32 : i32, i32
  }
}

</mosaic_0001>

<sc_bundles>
// kernel: kernel.4.cloned.1.call-start
scs
__scs_entry_jumppad:
0x0: {  	(pc) =	sbr.rel $0x88, $3  }
0x1: {  	(tag) =	ssettag $0x0;
	lr =	simm.s32 $0x1  }
0x2: {  	[smem:$0x3F9B] =	sst lr;
	_ =	strace $0xD0000000  }
0x3: {  	_ = 	snop  }
0x4: {  	_ = 	snop  }
0x5: {  	_ = 	snop  }
0x6: {  	_ = 	snop  }
0x7: {  	_ = 	snop  }
__scs_overlays_trampoline_lowered:
0x8: {  	[smem:$0x3FAA] =	sst s0  }
0x9: {  	[smem:$0x3FAB] =	sst s1  }
0xa: {  	[smem:$0x3FAC] =	sst s2  }
0xb: {  	[smem:$0x3FAD] =	sst s3  }
0xc: {  	[smem:$0x3FAE] =	sst s4  }
0xd: {  	[smem:$0x3FAF] =	sst s5  }
0xe: {  	[smem:$0x3FB0] =	sst s6  }
0xf: {  	[smem:$0x3FB1] =	sst s7  }
0x10: {  	[smem:$0x3FB2] =	sst s8  }
0x11: {  	[smem:$0x3FB3] =	sst s9;
	s0 =	simm.s32 @!p0 $0x0  }
0x12: {  	s1 =	sld [smem:$0x3F99];
	s0 =	simm.s32 @p0 $0x1  }
0x13: {  	[smem:$0x3FB4] =	sst s0;
	s0 =	simm.s32 @!p1 $0x0  }
0x14: {  	s2 =	sld [smem:$0x3F98];
	s0 =	simm.s32 @p1 $0x1  }
0x15: {  	[smem:$0x3FB5] =	sst s0;
	s0 =	simm.s32 @!p2 $0x0  }
0x16: {  	s3 =	sld [smem:$0x3FDB];
	s0 =	simm.s32 @p2 $0x1  }
0x17: {  	s4 =	simm.s32 $0x1BF5;
	[smem:$0x3FB7] =	sst s0  }
0x18: {  	s0 =	sld [smem:$0x3F9A];
	_ =	swait.ge [sflag:s4], $0x0  }
0x19: {  	s7 =	sld [smem:$0x3F9B]  }
0x1a: {  	s8 =	sadd.s32 $0xFFFFE003, lr  }
0x1b: {  	s9 =	sadd.s32 $0xFFFFFEF7, lr;
	s5 =	simm.s32 $0xFFFFFFFF;
	p2 =	slt.u32 s8, $0xFFFFF086  }
0x1c: {  	p1 =	slt.u32 s9, $0xF7A;
	s5 =	simm.s32 @!p2 $0x0  }
0x1d: {  	s5 =	simm.s32 @p1 $0x1;
	p0 =	seq.s32 s7, s2  }
0x1e: {  	s7 =	smul.u32 @!p0 $0xF7A, s2;
	p2 =	seq.s32 @!p0 s5, $0x0  }
0x1f: {  	s9 =	smul.u32 $0xF7A, s1;
	s8 =	simm.s32 @!p0 $0x1BF5;
	p2 =	por !p2, p0  }
0x20: {  	[sflag:s8] =	ssyncset.s32 @!p0 $0xFFFFF086;
	s6 =	sadd.s32 @!p0 s3, s7;
	s7 =	simm.s32 @!p0 $0x108  }
0x21: {  	s3 =	sadd.s32 s3, s9;
	s6 =	sadd.s32 @!p0 $0x88, s6;
	s7 =	simm.s32 @p2 $0x1082  }
0x22: {  	[simem:s7], [sflag:s8] =	dma.local @!p0 [hbm:s6], $0xF7A  }
0x23: {  	s9 =	sor.u32 $0xD0000000, s2;
	s6 =	simm.s32 $0x108;
	_ =	swait.ge @!p0 [sflag:s8], $0x0  }
0x24: {  	s3 =	sadd.s32 $0x88, s3;
	s6 =	simm.s32 @!p1 $0x1082;
	[sflag:s4] =	ssyncset.s32 $0xFFFFF086  }
0x25: {  	[simem:s6], [sflag:s4] =	dma.local [hbm:s3], $0xF7A  }
0x26: {  	[smem:$0x3F9B] =	sst s1;
	(tag) =	ssettag s2;
	_ =	strace s9  }
0x27: {  	s1 =	sld [smem:$0x3FAB]  }
0x28: {  	s2 =	sld [smem:$0x3FAC]  }
0x29: {  	s4 =	sld [smem:$0x3FAE]  }
0x2a: {  	p0 =	seq.s32 s5, $0x0;
	s5 =	sld [smem:$0x3FAF]  }
0x2b: {  	s6 =	sld [smem:$0x3FB0]  }
0x2c: {  	s7 =	sld [smem:$0x3FB1]  }
0x2d: {  	s3 =	simm.s32 $0x108;
	s8 =	sld [smem:$0x3FB2]  }
0x2e: {  	s3 =	simm.s32 @!p0 $0x1082;
	s9 =	sld [smem:$0x3FB3]  }
0x2f: {  	lr =	sadd.s32 s0, s3;
	s0 =	sld [smem:$0x3FAA]  }
0x30: {  	s3 =	sld [smem:$0x3FAD]  }
0x31: {  	[smem:$0x3FB6] =	sst s10  }
0x32: {  	s10 =	sld [smem:$0x3FB4];
	_ =	sdelay $0x3  }
0x33: {  	p0 =	seq.s32 s10, $0x1;
	s10 =	sld [smem:$0x3FB6];
	_ =	sdelay $0x3  }
0x34: {  	[smem:$0x3FB6] =	sst s10  }
0x35: {  	s10 =	sld [smem:$0x3FB5];
	_ =	sdelay $0x3  }
0x36: {  	p1 =	seq.s32 s10, $0x1;
	s10 =	sld [smem:$0x3FB6];
	_ =	sdelay $0x3  }
0x37: {  	[smem:$0x3FB6] =	sst s10  }
0x38: {  	s10 =	sld [smem:$0x3FB7]  }
0x39: {  	_ = 	snop;
	(pc) =	sbr.ind lr, $3  }
0x3a: {  	_ = 	snop  }
0x3b: {  	_ = 	snop  }
0x3c: {  	p2 =	seq.s32 s10, $0x1;
	s10 =	sld [smem:$0x3FB6]  }
0x3d: {  	_ =	shalt  }
0x3e: {  	_ =	shalt  }
0x3f: {  	_ =	shalt  }
0x40: {  	_ =	shalt  }
0x41: {  	_ =	shalt  }
0x42: {  	_ =	shalt  }
0x43: {  	_ =	shalt  }
0x44: {  	_ =	shalt  }
0x45: {  	_ =	shalt  }
0x46: {  	_ =	shalt  }
0x47: {  	_ =	shalt  }
0x48: {  	_ =	shalt  }
0x49: {  	_ =	shalt  }
0x4a: {  	_ =	shalt  }
0x4b: {  	_ =	shalt  }
0x4c: {  	_ =	shalt  }
0x4d: {  	_ =	shalt  }
0x4e: {  	_ =	shalt  }
0x4f: {  	_ =	shalt  }
0x50: {  	_ =	shalt  }
0x51: {  	_ =	shalt  }
0x52: {  	_ =	shalt  }
0x53: {  	_ =	shalt  }
0x54: {  	_ =	shalt  }
0x55: {  	_ =	shalt  }
0x56: {  	_ =	shalt  }
0x57: {  	_ =	shalt  }
0x58: {  	_ =	shalt  }
0x59: {  	_ =	shalt  }
0x5a: {  	_ =	shalt  }
0x5b: {  	_ =	shalt  }
0x5c: {  	_ =	shalt  }
0x5d: {  	_ =	shalt  }
0x5e: {  	_ =	shalt  }
0x5f: {  	_ =	shalt  }
0x60: {  	_ =	shalt  }
0x61: {  	_ =	shalt  }
0x62: {  	_ =	shalt  }
0x63: {  	_ =	shalt  }
0x64: {  	_ =	shalt  }
0x65: {  	_ =	shalt  }
0x66: {  	_ =	shalt  }
0x67: {  	_ =	shalt  }
0x68: {  	_ =	shalt  }
0x69: {  	_ =	shalt  }
0x6a: {  	_ =	shalt  }
0x6b: {  	_ =	shalt  }
0x6c: {  	_ =	shalt  }
0x6d: {  	_ =	shalt  }
0x6e: {  	_ =	shalt  }
0x6f: {  	_ =	shalt  }
0x70: {  	_ =	shalt  }
0x71: {  	_ =	shalt  }
0x72: {  	_ =	shalt  }
0x73: {  	_ =	shalt  }
0x74: {  	_ =	shalt  }
0x75: {  	_ =	shalt  }
0x76: {  	_ =	shalt  }
0x77: {  	_ =	shalt  }
0x78: {  	_ =	shalt  }
0x79: {  	_ =	shalt  }
0x7a: {  	_ =	shalt  }
0x7b: {  	_ =	shalt  }
0x7c: {  	_ =	shalt  }
0x7d: {  	_ =	shalt  }
0x7e: {  	_ =	shalt  }
0x7f: {  	_ =	shalt  }
0x80: {  	_ =	shalt  }
0x81: {  	_ =	shalt  }
0x82: {  	_ =	shalt  }
0x83: {  	_ =	shalt  }
0x84: {  	_ =	shalt  }
0x85: {  	_ =	shalt  }
0x86: {  	_ =	shalt  }
0x87: {  	_ =	shalt  }
.Lfunc_end0:
.L_simem_size_0:
called_computation_lowered:
.L_overlay_start_0:
0x88: {  	s2 =	sld [smem:$0x3FD9]  }
0x89: {  	s3 =	sld [smem:$0x3FFE];
	_ =	sdelay $0x1  }
0x8a: {  	s1 =	srdreg.scid  }
0x8b: {  	s0 =	sand.u32 $0x1, s1  }
0x8c: {  	s17 =	sshll.u32 s0, $0xA;
	s2 =	sadd.s32 s3, s2  }
0x8d: {  	s2 =	sadd.s32 s2, s17  }
0x8e: {  	[smem:$0x3FC2] =	sst s2  }
0x8f: {  	_ = 	snop  }
0x90: {  	s2 =	sld [smem:$0x3FD0];
	(tm) =	ssettm $0x1  }
0x91: {  	s18 =	sld [smem:$0x3FFB];
	_ =	sdelay $0x3  }
0x92: {  	_ =	strace s18  }
0x93: {  	s3 =	sld [smem:$0x3FFC];
	_ =	sdelay $0x3  }
0x94: {  	_ =	strace s3  }
0x95: {  	s3 =	sld [smem:$0x3FFD];
	_ =	sdelay $0x3  }
0x96: {  	_ =	strace s3  }
0x97: {  	_ =	strace $0x8FFFFFFF  }
0x98: {  	s19 =	sld [smem:$0x3FDB];
	_ =	sdelay $0x1  }
0x99: {  	s4 =	simm.s32 $_scs_section_size  }
0x9a: {  	s5 =	simm.s32 $_size__tile_overlayer_lowered;
	s6 =	simm.s32 $_tile_overlayer_lowered  }
0x9b: {  	s22 =	simm.s32 $0x1BFF;
	s21 =	sshll.u32 s6, $0x1;
	s3 =	sadd.s32 s4, s19  }
0x9c: {  	s7 =	simm.s32 $0x0;
	s20 =	sshll.u32 s5, $0x1;
	s5 =	sadd.s32 s21, s3  }
0x9d: {  	[timem:s7], [sflag:s22] =	dma.local [hbm:s5], s20  }
0x9e: {  	_ =	swait.ge [sflag:s22], s20  }
0x9f: {  	s4 =	ssub.s32 $0x0, s20;
	[sflag:s22] =	ssyncset.done $0x0  }
0xa0: {  	[sflag:s22] =	ssyncadd.s32 s4;
	_ =	sdelay $0x1  }
0xa1: {  	s23 =	simm.s32 $0x1B8B  }
0xa2: {  	_ =	swait.ge [sflag:s23], $0x1  }
0xa3: {  	[sflag:s23] =	ssyncset.done $0x0  }
0xa4: {  	s25 =	simm.s32 $0x1B8E;
	s24 =	sld [smem:$0x3FFE];
	[sflag:s23] =	ssyncadd.s32 $0xFFFFFFFF  }
0xa5: {  	s26 =	simm.s32 $execute0_lowered;
	[smem:$0x3FD2] =	sst s25  }
0xa6: {  	s5 =	sshll.u32 s26, $0x1;
	_ =	strace $0x80000046;
	[dreg:$0x1] =	wrdreg $0xFFFFFFFF  }
0xa7: {  	s28 =	simm.s32 $_size_execute0_lowered;
	s3 =	sadd.s32 s3, s5;
	[dreg:$0x0] =	wrdreg $0x0  }
0xa8: {  	s5 =	sshll.u32 s28, $0x1;
	[dreg:$0x2] =	wrdreg s3  }
0xa9: {  	[dreg:$0x3] =	wrdreg s5  }
0xaa: {  	[dreg:$0x4] =	wrdreg $0xC0  }
0xab: {  	_ =	task [dreg:s7], $0x5FFFF  }
0xac: {  	[dreg:$0x1] =	wrdreg $0xFFFFFFFF  }
0xad: {  	[dreg:$0x0] =	wrdreg $0x60  }
0xae: {  	[dreg:$0x2] =	wrdreg s24  }
0xaf: {  	[dreg:$0x3] =	wrdreg s2  }
0xb0: {  	[dreg:$0x4] =	wrdreg $0xC3000  }
0xb1: {  	[dreg:$0x5] =	wrdreg $0x9  }
0xb2: {  	_ =	task.clear_ibuf [dreg:s7], $0x6FFFF;
	_ =	strace $0x90000046  }
0xb3: {  	s29 =	simm.s32 $0x9;
	_ =	strace $0x80000048  }
0xb4: {  	_ =	swait.ge [sflag:s29], $0x1  }
0xb5: {  	[sflag:s29] =	ssyncadd.s32 $0xFFFFFFFF  }
0xb6: {  	_ =	strace $0x90000048  }
0xb7: {  	_ =	sfence  }
0xb8: {  	s30 =	sld [smem:$0x0];
	_ =	sdelay $0x2  }
0xb9: {  	s31 =	sshll.u32 s1, $0xD;
	s1 =	sshrl.u32 s1, $0x2  }
0xba: {  	s3 =	sand.u32 $0x4000, s31;
	s1 =	sadd.s32 s1, s30  }
0xbb: {  	s0 =	sor.u32 s3, s0;
	s1 =	sshll.u32 s1, $0x11  }
0xbc: {  	s0 =	sor.u32 s1, s0  }
0xbd: {  	s0 =	sadd.s32 $0x8F2B, s0  }
0xbe: {  	[sflag:s0] =	ssyncadd.remote.s32 $0x1  }
0xbf: {  	_ =	sfence.sel $0xFFFF  }
0xc0: {  	[dreg:$0x0] =	wrdreg $0xFFFFFFFF;
	(pc) =	sbr.abs _section_cstart, $3  }
0xc1: {  	[dreg:$0x1] =	wrdreg $0xFFFFFFFF  }
0xc2: {  	_ =	task.clear_ibuf [dreg:s7], $0x2FFFF;
	_ =	strace $0x9FFFFFFF  }
0xc3: {  	(tm) =	ssettm $0x7FFFFFFF  }
tec
execute0_lowered:
.L_overlay_start_1:
0x0: {  	(tag) =	ssettag $0x1  }
0x1: {  	s4 =	rddreg [dreg:$0x0]  }
0x2: {  	s7 =	rddreg [dreg:$0x1]  }
0x3: {  	s2 =	rddreg [dreg:$0x2];
	s1 =	stileid.u32  }
0x4: {  	s3 =	srdreg.scid;
	s0 =	rddreg [dreg:$0x3];
	s13 =	simm.s32 $0x68  }
0x5: {  	s14 =	simm.s32 $0x7AC0;
	s15 =	simm.s32 $0xD0;
	s16 =	simm.s32 $0x8D80  }
0x6: {  	s17 =	simm.s32 $0x138;
	s18 =	simm.s32 $0xA040;
	s19 =	simm.s32 $0x1  }
0x7: {  	s20 =	simm.s32 $0x2;
	s21 =	simm.s32 $0x3;
	s22 =	simm.s32 $0x4  }
0x8: {  	s23 =	simm.s32 $0x0;
	s5 =	sand.u32 $0x1, s3;
	s6 =	sshll.u32 s1, $0x1  }
0x9: {  	s3 =	simm.s32 $0x0;
	s8 =	smul.u32 $0xD500, s1;
	s30 =	sshll.u32 s1, $0x6  }
0xa: {  	s6 =	sor.u32 s5, s6;
	[smem:$0x7FF] =	sst s3;
	s5 =	ssub.s32 $0x2, s5  }
0xb: {  	s9 =	smul.u32 $0xD00, s6;
	_ =	strace $0x80000047;
	s10 =	sshrl.u32 s8, $0x3  }
0xc: {  	s29 =	sshrl.u32 s5, $0x1;
	s12 =	sadd.s32 s8, s2;
	s31 =	sshll.u32 s6, $0xC  }
0xd: {  	s10 =	sadd.s32 s10, s4;
	s11 =	ssub.s32 s5, s29;
	s5 =	sor.u32 $0x1C05, s30  }
0xe: {  	s7 =	sadd.s32 s7, s31;
	s9 =	sadd.s32 s9, s4;
	s4 =	sadd.s32 $0xC00, s10  }
0xf: {  	s8 =	smax.u32 s11, $0x1;
	s10 =	simm.s32 $0x5;
	s11 =	simm.s32 $0x64  }
0x10: {  	s6 =	sadd.s32 $0x1B600, s9;
	s9 =	sshrl.u32 s12, $0x3;
	s12 =	simm.s32 $0x6800  }
.LBB2_1:
0x11: {  	[spmem:s9], [sflag:s5] =	dma.local [hbm:s4], $0x1AA0  }
0x12: {  	_ =	swait.ge [sflag:s10], $0x1AA0  }
0x13: {  	[sflag:s10] =	ssyncset.done $0x0  }
0x14: {  	[sflag:s10] =	ssyncadd.s32 $0xFFFFE560  }
0x15: {  	[tilespmem:s3], [sflag:$0x5] =	stream.linear.gather [hbm4b:s6+s3], $0x6800, $0x38;
	[tilespmem:$0x19800] =	vst v63  }
0x16: {  	_ =	swait.ge [sflag:s10], $0x6800  }
0x17: {  	[sflag:s10] =	ssyncset.done $0x0  }
0x18: {  	[sflag:s10] =	ssyncadd.s32 $0xFFFF9800  }
0x19: {  	[bflag:$0x0] =	sbarrier.arrive $0xFFFF  }
0x1a: {  	[tilespmem:s12], [sflag:$0x1] =	stream.indirect.gather [spmem:s2], $0x30, s3, s11, $0xb8;
	[tilespmem:$0x19800] =	vst v63  }
0x1b: {  	_ = 	snop  }
0x1c: {  	[tilespmem:s14], [sflag:$0x2] =	stream.indirect.gather [spmem:s2], $0x30, s13, s11, $0xb8;
	[tilespmem:$0x19800] =	vst v63  }
0x1d: {  	_ = 	snop  }
0x1e: {  	[tilespmem:s16], [sflag:$0x3] =	stream.indirect.gather [spmem:s2], $0x30, s15, s11, $0xb8;
	[tilespmem:$0x19800] =	vst v63  }
0x1f: {  	s24 =	simm.s32 $0x0  }
0x20: {  	[tilespmem:s18], [sflag:$0x4] =	stream.indirect.gather [spmem:s2], $0x30, s17, s11, $0xb8;
	[tilespmem:$0x19800] =	vst v63  }
.LBB2_2:
0x21: {  	_ =	swait.ge [sflag:s19], $0x12C0  }
0x22: {  	[sflag:s19] =	ssyncset.done $0x0  }
0x23: {  	s26 =	simm.s32 $0x0;
	[sflag:s19] =	ssyncadd.s32 $0xFFFFED40  }
0x24: {  	v1 =	vld [tilespmem:s26+$0x6800]  }
0x25: {  	v2 =	vld [tilespmem:s26+$0x6830]  }
0x26: {  	v11 =	vld [tilespmem:s26+$0x6840]  }
0x27: {  	v3 =	vld [tilespmem:s26+$0x6810]  }
0x28: {  	v10 =	vld [tilespmem:s26+$0x6820]  }
0x29: {  	v12 =	vimm.f32 $0.0e+00;
	v0 =	vshll.u32 v1, $0x10  }
0x2a: {  	s25 =	simm.s32 $0x60;
	v4 =	vld [tilespmem:s26+$0x6850];
	v8 =	vshll.u32 v2, $0x10;
	v7 =	vadd.f32 v0, v12  }
0x2b: {  	v9 =	vand.u32 $0xFFFF0000, v1;
	v5 =	vand.u32 $0xFFFF0000, v2;
	v6 =	vshll.u32 v11, $0x10;
	v0 =	vld [tilespmem:s25+$0x6800]  }
0x2c: {  	v2 =	vld [tilespmem:s25+$0x6830];
	v13 =	vshll.u32 v3, $0x10;
	v14 =	vand.u32 $0xFFFF0000, v3;
	v7 =	vadd.f32 v8, v7  }
0x2d: {  	v1 =	vld [tilespmem:s25+$0x6840];
	v8 =	vadd.f32 v9, v12;
	v9 =	vadd.f32 v13, v12;
	v13 =	vshll.u32 v10, $0x10  }
0x2e: {  	s26 =	simm.s32 $0x300;
	v3 =	vld [tilespmem:s25+$0x6810];
	v11 =	vand.u32 $0xFFFF0000, v11;
	v10 =	vadd.f32 v14, v12;
	v12 =	vadd.f32 v13, v12  }
.LBB2_3:
0x2f: {  	p0 =	sne.s32 s26, $0x2400;
	v13 =	vld [tilespmem:s25+$0x6820];
	v8 =	vadd.f32 v5, v8;
	v9 =	vadd.f32 v6, v9;
	v4 =	vshll.u32 v4, $0x10  }
0x30: {  	v5 =	vshll.u32 v0, $0x10;
	v10 =	vadd.f32 v11, v10;
	v11 =	vadd.f32 v4, v12  }
.Ltmp0:
0x31: {  	v7 =	vadd.f32 v5, v7;
	v12 =	vshll.u32 v2, $0x10;
	v4 =	vld [tilespmem:s25+$0x6850];
	s25 =	sshra.s32 s26, $0x2;
	(pc) =	sbr.rel @p0 .LBB2_3-.Ltmp0, $4  }
0x32: {  	v14 =	vand.u32 $0xFFFF0000, v0;
	v5 =	vand.u32 $0xFFFF0000, v2;
	v0 =	vld [tilespmem:s25+$0x6800];
	v6 =	vshll.u32 v1, $0x10;
	v15 =	vmovc v1  }
0x33: {  	v2 =	vld [tilespmem:s25+$0x6830];
	v16 =	vshll.u32 v3, $0x10;
	v17 =	vand.u32 $0xFFFF0000, v3;
	v7 =	vadd.f32 v12, v7  }
0x34: {  	v8 =	vadd.f32 v14, v8;
	v1 =	vld [tilespmem:s25+$0x6840];
	v9 =	vadd.f32 v16, v9;
	v12 =	vshll.u32 v13, $0x10  }
0x35: {  	s26 =	sadd.s32 $0x180, s26;
	v10 =	vadd.f32 v17, v10;
	v3 =	vld [tilespmem:s25+$0x6810];
	v12 =	vadd.f32 v12, v11;
	v11 =	vand.u32 $0xFFFF0000, v15  }
0x36: {  	v13 =	vld [tilespmem:s25+$0x6820];
	_ =	sdelay $0x1  }
0x37: {  	v14 =	vld [tilespmem:s25+$0x6850]  }
0x38: {  	v4 =	vshll.u32 v4, $0x10  }
0x39: {  	v4 =	vadd.f32 v4, v12  }
0x3a: {  	v12 =	vshll.u32 v13, $0x10  }
0x3b: {  	v4 =	vadd.f32 v12, v4  }
0x3c: {  	v12 =	vshll.u32 v14, $0x10  }
0x3d: {  	v4 =	vadd.f32 v12, v4;
	_ =	sdelay $0x1  }
0x3e: {  	v4 =	vadd.f32 $9.999999930e-09, v4;
	_ =	sdelay $0x1  }
0x3f: {  	(erf) = vrcp.f32 v4;
	_ =	sdelay $0x3  }
0x40: {  	v4 =	vadd.f32 v5, v8  }
0x41: {  	v5 =	vadd.f32 v6, v9;
	v6 =	vshll.u32 v0, $0x10;
	v0 =	vand.u32 $0xFFFF0000, v0  }
0x42: {  	v6 =	vadd.f32 v6, v7;
	v7 =	vshll.u32 v2, $0x10;
	v2 =	vand.u32 $0xFFFF0000, v2  }
0x43: {  	v8 =	vadd.f32 v11, v10;
	v9 =	vshll.u32 v3, $0x10;
	v0 =	vadd.f32 v0, v4  }
0x44: {  	v3 =	vand.u32 $0xFFFF0000, v3;
	v5 =	vadd.f32 v9, v5;
	v4 =	vadd.f32 v7, v6  }
0x45: {  	v3 =	vadd.f32 v3, v8;
	v6 =	vshll.u32 v1, $0x10;
	v0 =	vadd.f32 v2, v0;
	v2 =	vpop (erf)  }
0x46: {  	s31 =	sshll.u32 s24, $0x9;
	v1 =	vand.u32 $0xFFFF0000, v1;
	v5 =	vadd.f32 v6, v5;
	v4 =	vmul.f32 v2, v4  }
0x47: {  	s26 =	sand.u32 $0xE00, s31;
	v1 =	vadd.f32 v1, v3;
	v0 =	vmul.f32 v2, v0  }
0x48: {  	v3 =	vmul.f32 v2, v5;
	[tilespmem:s26+$0xB300] =	vst v4  }
0x49: {  	[tilespmem:s26+$0xB310] =	vst v0;
	v0 =	vmul.f32 v2, v1  }
0x4a: {  	[tilespmem:s26+$0xB320] =	vst v3  }
0x4b: {  	s28 =	simm.s32 $0x0;
	[tilespmem:s26+$0xB330] =	vst v0  }
0x4c: {  	v1 =	vld [tilespmem:s28+$0x7160]  }
0x4d: {  	v2 =	vld [tilespmem:s28+$0x7190]  }
0x4e: {  	v11 =	vld [tilespmem:s28+$0x71A0]  }
0x4f: {  	v3 =	vld [tilespmem:s28+$0x7170]  }
0x50: {  	v10 =	vld [tilespmem:s28+$0x7180]  }
0x51: {  	v12 =	vimm.f32 $0.0e+00;
	v0 =	vshll.u32 v1, $0x10  }
0x52: {  	s25 =	simm.s32 $0x60;
	v4 =	vld [tilespmem:s28+$0x71B0];
	v8 =	vshll.u32 v2, $0x10;
	v7 =	vadd.f32 v0, v12  }
0x53: {  	v9 =	vand.u32 $0xFFFF0000, v1;
	v5 =	vand.u32 $0xFFFF0000, v2;
	v6 =	vshll.u32 v11, $0x10;
	v0 =	vld [tilespmem:s25+$0x7160]  }
0x54: {  	v2 =	vld [tilespmem:s25+$0x7190];
	v13 =	vshll.u32 v3, $0x10;
	v14 =	vand.u32 $0xFFFF0000, v3;
	v7 =	vadd.f32 v8, v7  }
0x55: {  	v1 =	vld [tilespmem:s25+$0x71A0];
	v8 =	vadd.f32 v9, v12;
	v9 =	vadd.f32 v13, v12;
	v13 =	vshll.u32 v10, $0x10  }
0x56: {  	s28 =	simm.s32 $0x300;
	v3 =	vld [tilespmem:s25+$0x7170];
	v11 =	vand.u32 $0xFFFF0000, v11;
	v10 =	vadd.f32 v14, v12;
	v12 =	vadd.f32 v13, v12  }
.LBB2_5:
0x57: {  	p0 =	sne.s32 s28, $0x2400;
	v13 =	vld [tilespmem:s25+$0x7180];
	v8 =	vadd.f32 v5, v8;
	v9 =	vadd.f32 v6, v9;
	v4 =	vshll.u32 v4, $0x10  }
0x58: {  	v5 =	vshll.u32 v0, $0x10;
	v10 =	vadd.f32 v11, v10;
	v11 =	vadd.f32 v4, v12  }
.Ltmp1:
0x59: {  	v7 =	vadd.f32 v5, v7;
	v12 =	vshll.u32 v2, $0x10;
	v4 =	vld [tilespmem:s25+$0x71B0];
	s25 =	sshra.s32 s28, $0x2;
	(pc) =	sbr.rel @p0 .LBB2_5-.Ltmp1, $4  }
0x5a: {  	v14 =	vand.u32 $0xFFFF0000, v0;
	v5 =	vand.u32 $0xFFFF0000, v2;
	v0 =	vld [tilespmem:s25+$0x7160];
	v6 =	vshll.u32 v1, $0x10;
	v15 =	vmovc v1  }
0x5b: {  	v2 =	vld [tilespmem:s25+$0x7190];
	v16 =	vshll.u32 v3, $0x10;
	v17 =	vand.u32 $0xFFFF0000, v3;
	v7 =	vadd.f32 v12, v7  }
0x5c: {  	v8 =	vadd.f32 v14, v8;
	v1 =	vld [tilespmem:s25+$0x71A0];
	v9 =	vadd.f32 v16, v9;
	v12 =	vshll.u32 v13, $0x10  }
0x5d: {  	s28 =	sadd.s32 $0x180, s28;
	v10 =	vadd.f32 v17, v10;
	v3 =	vld [tilespmem:s25+$0x7170];
	v12 =	vadd.f32 v12, v11;
	v11 =	vand.u32 $0xFFFF0000, v15  }
0x5e: {  	v13 =	vld [tilespmem:s25+$0x7180];
	_ =	sdelay $0x1  }
0x5f: {  	v14 =	vld [tilespmem:s25+$0x71B0]  }
0x60: {  	v4 =	vshll.u32 v4, $0x10  }
0x61: {  	v4 =	vadd.f32 v4, v12  }
0x62: {  	v12 =	vshll.u32 v13, $0x10  }
0x63: {  	v4 =	vadd.f32 v12, v4  }
0x64: {  	v12 =	vshll.u32 v14, $0x10  }
0x65: {  	v4 =	vadd.f32 v12, v4;
	_ =	sdelay $0x1  }
0x66: {  	v4 =	vadd.f32 $9.999999930e-09, v4;
	_ =	sdelay $0x1  }
0x67: {  	(erf) = vrcp.f32 v4;
	_ =	sdelay $0x3  }
0x68: {  	v4 =	vadd.f32 v5, v8  }
0x69: {  	v5 =	vadd.f32 v6, v9;
	v6 =	vshll.u32 v0, $0x10;
	v0 =	vand.u32 $0xFFFF0000, v0  }
0x6a: {  	v6 =	vadd.f32 v6, v7;
	v7 =	vshll.u32 v2, $0x10;
	v2 =	vand.u32 $0xFFFF0000, v2  }
0x6b: {  	v8 =	vadd.f32 v11, v10;
	v9 =	vshll.u32 v3, $0x10;
	v0 =	vadd.f32 v0, v4  }
0x6c: {  	v3 =	vand.u32 $0xFFFF0000, v3;
	v5 =	vadd.f32 v9, v5;
	v4 =	vadd.f32 v7, v6  }
0x6d: {  	v3 =	vadd.f32 v3, v8;
	v6 =	vshll.u32 v1, $0x10;
	v0 =	vadd.f32 v2, v0;
	v2 =	vpop (erf)  }
0x6e: {  	v1 =	vand.u32 $0xFFFF0000, v1;
	v5 =	vadd.f32 v6, v5;
	v4 =	vmul.f32 v2, v4  }
0x6f: {  	p0 =	seq.s32 s24, $0x3F;
	v1 =	vadd.f32 v1, v3;
	v0 =	vmul.f32 v2, v0  }
0x70: {  	s25 =	smul.u32 @!p0 $0x680, s24;
	v3 =	vmul.f32 v2, v5;
	[tilespmem:s26+$0xB340] =	vst v4  }
0x71: {  	[tilespmem:s26+$0xB350] =	vst v0;
	v0 =	vmul.f32 v2, v1  }
0x72: {  	s25 =	sshra.s32 @!p0 s25, $0x2;
	[tilespmem:s26+$0xB360] =	vst v3  }
0x73: {  	s29 =	simm.s32 @!p0 $0x64;
	s30 =	simm.s32 @!p0 $0x6800;
	s28 =	sadd.s32 @!p0 $0x1A0, s25;
	[tilespmem:s26+$0xB370] =	vst v0  }
0x74: {  	[tilespmem:s30], [sflag:$0x1] =	stream.indirect.gather @!p0 [spmem:s2], $0x30, s28, s29, $0xb8;
	[tilespmem:$0x19800] =	vst v63  }
0x75: {  	_ =	swait.ge [sflag:s20], $0x12C0  }
0x76: {  	[sflag:s20] =	ssyncset.done $0x0  }
0x77: {  	s28 =	simm.s32 $0x0;
	[sflag:s20] =	ssyncadd.s32 $0xFFFFED40  }
0x78: {  	v1 =	vld [tilespmem:s28+$0x7AC0]  }
0x79: {  	v2 =	vld [tilespmem:s28+$0x7AF0]  }
0x7a: {  	v11 =	vld [tilespmem:s28+$0x7B00]  }
0x7b: {  	v3 =	vld [tilespmem:s28+$0x7AD0]  }
0x7c: {  	v10 =	vld [tilespmem:s28+$0x7AE0]  }
0x7d: {  	v12 =	vimm.f32 $0.0e+00;
	v0 =	vshll.u32 v1, $0x10  }
0x7e: {  	s29 =	simm.s32 $0x60;
	v4 =	vld [tilespmem:s28+$0x7B10];
	v8 =	vshll.u32 v2, $0x10;
	v7 =	vadd.f32 v0, v12  }
0x7f: {  	v9 =	vand.u32 $0xFFFF0000, v1;
	v5 =	vand.u32 $0xFFFF0000, v2;
	v6 =	vshll.u32 v11, $0x10;
	v0 =	vld [tilespmem:s29+$0x7AC0]  }
0x80: {  	v2 =	vld [tilespmem:s29+$0x7AF0];
	v13 =	vshll.u32 v3, $0x10;
	v14 =	vand.u32 $0xFFFF0000, v3;
	v7 =	vadd.f32 v8, v7  }
0x81: {  	v1 =	vld [tilespmem:s29+$0x7B00];
	v8 =	vadd.f32 v9, v12;
	v9 =	vadd.f32 v13, v12;
	v13 =	vshll.u32 v10, $0x10  }
0x82: {  	s30 =	simm.s32 $0x300;
	s28 =	sshll.u32 s24, $0x2;
	v3 =	vld [tilespmem:s29+$0x7AD0];
	v11 =	vand.u32 $0xFFFF0000, v11;
	v10 =	vadd.f32 v14, v12;
	v12 =	vadd.f32 v13, v12  }
.LBB2_7:
0x83: {  	p1 =	sne.s32 s30, $0x2400;
	v13 =	vld [tilespmem:s29+$0x7AE0];
	v8 =	vadd.f32 v5, v8;
	v9 =	vadd.f32 v6, v9;
	v4 =	vshll.u32 v4, $0x10  }
0x84: {  	v5 =	vshll.u32 v0, $0x10;
	v10 =	vadd.f32 v11, v10;
	v11 =	vadd.f32 v4, v12  }
.Ltmp2:
0x85: {  	v7 =	vadd.f32 v5, v7;
	v12 =	vshll.u32 v2, $0x10;
	v4 =	vld [tilespmem:s29+$0x7B10];
	s29 =	sshra.s32 s30, $0x2;
	(pc) =	sbr.rel @p1 .LBB2_7-.Ltmp2, $4  }
0x86: {  	v14 =	vand.u32 $0xFFFF0000, v0;
	v5 =	vand.u32 $0xFFFF0000, v2;
	v0 =	vld [tilespmem:s29+$0x7AC0];
	v6 =	vshll.u32 v1, $0x10;
	v15 =	vmovc v1  }
0x87: {  	v2 =	vld [tilespmem:s29+$0x7AF0];
	v16 =	vshll.u32 v3, $0x10;
	v17 =	vand.u32 $0xFFFF0000, v3;
	v7 =	vadd.f32 v12, v7  }
0x88: {  	v8 =	vadd.f32 v14, v8;
	v1 =	vld [tilespmem:s29+$0x7B00];
	v9 =	vadd.f32 v16, v9;
	v12 =	vshll.u32 v13, $0x10  }
0x89: {  	s30 =	sadd.s32 $0x180, s30;
	v10 =	vadd.f32 v17, v10;
	v3 =	vld [tilespmem:s29+$0x7AD0];
	v12 =	vadd.f32 v12, v11;
	v11 =	vand.u32 $0xFFFF0000, v15  }
0x8a: {  	v13 =	vld [tilespmem:s29+$0x7AE0];
	_ =	sdelay $0x1  }
0x8b: {  	v14 =	vld [tilespmem:s29+$0x7B10]  }
0x8c: {  	v4 =	vshll.u32 v4, $0x10  }
0x8d: {  	v4 =	vadd.f32 v4, v12  }
0x8e: {  	v12 =	vshll.u32 v13, $0x10  }
0x8f: {  	v4 =	vadd.f32 v12, v4  }
0x90: {  	v12 =	vshll.u32 v14, $0x10  }
0x91: {  	v4 =	vadd.f32 v12, v4;
	_ =	sdelay $0x1  }
0x92: {  	v4 =	vadd.f32 $9.999999930e-09, v4;
	_ =	sdelay $0x1  }
0x93: {  	(erf) = vrcp.f32 v4;
	_ =	sdelay $0x3  }
0x94: {  	v4 =	vadd.f32 v5, v8  }
0x95: {  	v5 =	vadd.f32 v6, v9;
	v6 =	vshll.u32 v0, $0x10;
	v0 =	vand.u32 $0xFFFF0000, v0  }
0x96: {  	v6 =	vadd.f32 v6, v7;
	v7 =	vshll.u32 v2, $0x10;
	v2 =	vand.u32 $0xFFFF0000, v2  }
0x97: {  	v8 =	vadd.f32 v11, v10;
	v9 =	vshll.u32 v3, $0x10;
	v0 =	vadd.f32 v0, v4  }
0x98: {  	v3 =	vand.u32 $0xFFFF0000, v3;
	v5 =	vadd.f32 v9, v5;
	v4 =	vadd.f32 v7, v6  }
0x99: {  	v3 =	vadd.f32 v3, v8;
	v6 =	vshll.u32 v1, $0x10;
	v0 =	vadd.f32 v2, v0;
	v2 =	vpop (erf)  }
0x9a: {  	v1 =	vand.u32 $0xFFFF0000, v1;
	v5 =	vadd.f32 v6, v5;
	v4 =	vmul.f32 v2, v4  }
0x9b: {  	v1 =	vadd.f32 v1, v3;
	v0 =	vmul.f32 v2, v0  }
0x9c: {  	v3 =	vmul.f32 v2, v5;
	[tilespmem:s26+$0xB380] =	vst v4  }
0x9d: {  	[tilespmem:s26+$0xB390] =	vst v0;
	v0 =	vmul.f32 v2, v1  }
0x9e: {  	[tilespmem:s26+$0xB3A0] =	vst v3  }
0x9f: {  	s30 =	simm.s32 $0x0;
	[tilespmem:s26+$0xB3B0] =	vst v0  }
0xa0: {  	v1 =	vld [tilespmem:s30+$0x8420]  }
0xa1: {  	v2 =	vld [tilespmem:s30+$0x8450]  }
0xa2: {  	v11 =	vld [tilespmem:s30+$0x8460]  }
0xa3: {  	v3 =	vld [tilespmem:s30+$0x8430]  }
0xa4: {  	v10 =	vld [tilespmem:s30+$0x8440]  }
0xa5: {  	v12 =	vimm.f32 $0.0e+00;
	v0 =	vshll.u32 v1, $0x10  }
0xa6: {  	s29 =	simm.s32 $0x60;
	v4 =	vld [tilespmem:s30+$0x8470];
	v8 =	vshll.u32 v2, $0x10;
	v7 =	vadd.f32 v0, v12  }
0xa7: {  	v9 =	vand.u32 $0xFFFF0000, v1;
	v5 =	vand.u32 $0xFFFF0000, v2;
	v6 =	vshll.u32 v11, $0x10;
	v0 =	vld [tilespmem:s29+$0x8420]  }
0xa8: {  	v2 =	vld [tilespmem:s29+$0x8450];
	v13 =	vshll.u32 v3, $0x10;
	v14 =	vand.u32 $0xFFFF0000, v3;
	v7 =	vadd.f32 v8, v7  }
0xa9: {  	v1 =	vld [tilespmem:s29+$0x8460];
	v8 =	vadd.f32 v9, v12;
	v9 =	vadd.f32 v13, v12;
	v13 =	vshll.u32 v10, $0x10  }
0xaa: {  	s30 =	simm.s32 $0x300;
	v3 =	vld [tilespmem:s29+$0x8430];
	v11 =	vand.u32 $0xFFFF0000, v11;
	v10 =	vadd.f32 v14, v12;
	v12 =	vadd.f32 v13, v12  }
.LBB2_9:
0xab: {  	p1 =	sne.s32 s30, $0x2400;
	v13 =	vld [tilespmem:s29+$0x8440];
	v8 =	vadd.f32 v5, v8;
	v9 =	vadd.f32 v6, v9;
	v4 =	vshll.u32 v4, $0x10  }
0xac: {  	v5 =	vshll.u32 v0, $0x10;
	v10 =	vadd.f32 v11, v10;
	v11 =	vadd.f32 v4, v12  }
.Ltmp3:
0xad: {  	v7 =	vadd.f32 v5, v7;
	v12 =	vshll.u32 v2, $0x10;
	v4 =	vld [tilespmem:s29+$0x8470];
	s29 =	sshra.s32 s30, $0x2;
	(pc) =	sbr.rel @p1 .LBB2_9-.Ltmp3, $4  }
0xae: {  	v14 =	vand.u32 $0xFFFF0000, v0;
	v5 =	vand.u32 $0xFFFF0000, v2;
	v0 =	vld [tilespmem:s29+$0x8420];
	v6 =	vshll.u32 v1, $0x10;
	v15 =	vmovc v1  }
0xaf: {  	v2 =	vld [tilespmem:s29+$0x8450];
	v16 =	vshll.u32 v3, $0x10;
	v17 =	vand.u32 $0xFFFF0000, v3;
	v7 =	vadd.f32 v12, v7  }
0xb0: {  	v8 =	vadd.f32 v14, v8;
	v1 =	vld [tilespmem:s29+$0x8460];
	v9 =	vadd.f32 v16, v9;
	v12 =	vshll.u32 v13, $0x10  }
0xb1: {  	s30 =	sadd.s32 $0x180, s30;
	v10 =	vadd.f32 v17, v10;
	v3 =	vld [tilespmem:s29+$0x8430];
	v12 =	vadd.f32 v12, v11;
	v11 =	vand.u32 $0xFFFF0000, v15  }
0xb2: {  	v13 =	vld [tilespmem:s29+$0x8440];
	_ =	sdelay $0x1  }
0xb3: {  	v14 =	vld [tilespmem:s29+$0x8470]  }
0xb4: {  	v4 =	vshll.u32 v4, $0x10  }
0xb5: {  	v4 =	vadd.f32 v4, v12  }
0xb6: {  	v12 =	vshll.u32 v13, $0x10  }
0xb7: {  	v4 =	vadd.f32 v12, v4  }
0xb8: {  	v12 =	vshll.u32 v14, $0x10  }
0xb9: {  	v4 =	vadd.f32 v12, v4;
	_ =	sdelay $0x1  }
0xba: {  	v4 =	vadd.f32 $9.999999930e-09, v4;
	_ =	sdelay $0x1  }
0xbb: {  	(erf) = vrcp.f32 v4;
	_ =	sdelay $0x3  }
0xbc: {  	v4 =	vadd.f32 v5, v8  }
0xbd: {  	v5 =	vadd.f32 v6, v9;
	v6 =	vshll.u32 v0, $0x10;
	v0 =	vand.u32 $0xFFFF0000, v0  }
0xbe: {  	v6 =	vadd.f32 v6, v7;
	v7 =	vshll.u32 v2, $0x10;
	v2 =	vand.u32 $0xFFFF0000, v2  }
0xbf: {  	v8 =	vadd.f32 v11, v10;
	v9 =	vshll.u32 v3, $0x10;
	v0 =	vadd.f32 v0, v4  }
0xc0: {  	v3 =	vand.u32 $0xFFFF0000, v3;
	v5 =	vadd.f32 v9, v5;
	v4 =	vadd.f32 v7, v6  }
0xc1: {  	v3 =	vadd.f32 v3, v8;
	v6 =	vshll.u32 v1, $0x10;
	v0 =	vadd.f32 v2, v0;
	v2 =	vpop (erf)  }
0xc2: {  	v1 =	vand.u32 $0xFFFF0000, v1;
	v5 =	vadd.f32 v6, v5;
	v4 =	vmul.f32 v2, v4  }
0xc3: {  	v1 =	vadd.f32 v1, v3;
	v0 =	vmul.f32 v2, v0  }
0xc4: {  	v3 =	vmul.f32 v2, v5;
	[tilespmem:s26+$0xB3C0] =	vst v4  }
0xc5: {  	[tilespmem:s26+$0xB3D0] =	vst v0;
	v0 =	vmul.f32 v2, v1  }
0xc6: {  	[tilespmem:s26+$0xB3E0] =	vst v3  }
0xc7: {  	s29 =	sadd.s32 @!p0 $0x208, s25;
	s30 =	simm.s32 @!p0 $0x64;
	s31 =	simm.s32 @!p0 $0x7AC0;
	[tilespmem:s26+$0xB3F0] =	vst v0  }
0xc8: {  	[tilespmem:s31], [sflag:$0x2] =	stream.indirect.gather @!p0 [spmem:s2], $0x30, s29, s30, $0xb8;
	[tilespmem:$0x19800] =	vst v63  }
0xc9: {  	_ =	swait.ge [sflag:s21], $0x12C0  }
0xca: {  	[sflag:s21] =	ssyncset.done $0x0  }
0xcb: {  	s30 =	simm.s32 $0x0;
	[sflag:s21] =	ssyncadd.s32 $0xFFFFED40  }
0xcc: {  	v1 =	vld [tilespmem:s30+$0x8D80]  }
0xcd: {  	v2 =	vld [tilespmem:s30+$0x8DB0]  }
0xce: {  	v11 =	vld [tilespmem:s30+$0x8DC0]  }
0xcf: {  	v3 =	vld [tilespmem:s30+$0x8D90]  }
0xd0: {  	v10 =	vld [tilespmem:s30+$0x8DA0]  }
0xd1: {  	v12 =	vimm.f32 $0.0e+00;
	v0 =	vshll.u32 v1, $0x10  }
0xd2: {  	s29 =	simm.s32 $0x60;
	v4 =	vld [tilespmem:s30+$0x8DD0];
	v8 =	vshll.u32 v2, $0x10;
	v7 =	vadd.f32 v0, v12  }
0xd3: {  	v9 =	vand.u32 $0xFFFF0000, v1;
	v5 =	vand.u32 $0xFFFF0000, v2;
	v6 =	vshll.u32 v11, $0x10;
	v0 =	vld [tilespmem:s29+$0x8D80]  }
0xd4: {  	v2 =	vld [tilespmem:s29+$0x8DB0];
	v13 =	vshll.u32 v3, $0x10;
	v14 =	vand.u32 $0xFFFF0000, v3;
	v7 =	vadd.f32 v8, v7  }
0xd5: {  	v1 =	vld [tilespmem:s29+$0x8DC0];
	v8 =	vadd.f32 v9, v12;
	v9 =	vadd.f32 v13, v12;
	v13 =	vshll.u32 v10, $0x10  }
0xd6: {  	s30 =	simm.s32 $0x300;
	v3 =	vld [tilespmem:s29+$0x8D90];
	v11 =	vand.u32 $0xFFFF0000, v11;
	v10 =	vadd.f32 v14, v12;
	v12 =	vadd.f32 v13, v12  }
.LBB2_11:
0xd7: {  	p1 =	sne.s32 s30, $0x2400;
	v13 =	vld [tilespmem:s29+$0x8DA0];
	v8 =	vadd.f32 v5, v8;
	v9 =	vadd.f32 v6, v9;
	v4 =	vshll.u32 v4, $0x10  }
0xd8: {  	v5 =	vshll.u32 v0, $0x10;
	v10 =	vadd.f32 v11, v10;
	v11 =	vadd.f32 v4, v12  }
.Ltmp4:
0xd9: {  	v7 =	vadd.f32 v5, v7;
	v12 =	vshll.u32 v2, $0x10;
	v4 =	vld [tilespmem:s29+$0x8DD0];
	s29 =	sshra.s32 s30, $0x2;
	(pc) =	sbr.rel @p1 .LBB2_11-.Ltmp4, $4  }
0xda: {  	v14 =	vand.u32 $0xFFFF0000, v0;
	v5 =	vand.u32 $0xFFFF0000, v2;
	v0 =	vld [tilespmem:s29+$0x8D80];
	v6 =	vshll.u32 v1, $0x10;
	v15 =	vmovc v1  }
0xdb: {  	v2 =	vld [tilespmem:s29+$0x8DB0];
	v16 =	vshll.u32 v3, $0x10;
	v17 =	vand.u32 $0xFFFF0000, v3;
	v7 =	vadd.f32 v12, v7  }
0xdc: {  	v8 =	vadd.f32 v14, v8;
	v1 =	vld [tilespmem:s29+$0x8DC0];
	v9 =	vadd.f32 v16, v9;
	v12 =	vshll.u32 v13, $0x10  }
0xdd: {  	s30 =	sadd.s32 $0x180, s30;
	v10 =	vadd.f32 v17, v10;
	v3 =	vld [tilespmem:s29+$0x8D90];
	v12 =	vadd.f32 v12, v11;
	v11 =	vand.u32 $0xFFFF0000, v15  }
0xde: {  	v13 =	vld [tilespmem:s29+$0x8DA0];
	_ =	sdelay $0x1  }
0xdf: {  	v14 =	vld [tilespmem:s29+$0x8DD0]  }
0xe0: {  	v4 =	vshll.u32 v4, $0x10  }
0xe1: {  	v4 =	vadd.f32 v4, v12  }
0xe2: {  	v12 =	vshll.u32 v13, $0x10  }
0xe3: {  	v4 =	vadd.f32 v12, v4  }
0xe4: {  	v12 =	vshll.u32 v14, $0x10  }
0xe5: {  	v4 =	vadd.f32 v12, v4;
	_ =	sdelay $0x1  }
0xe6: {  	v4 =	vadd.f32 $9.999999930e-09, v4;
	_ =	sdelay $0x1  }
0xe7: {  	(erf) = vrcp.f32 v4;
	_ =	sdelay $0x3  }
0xe8: {  	v4 =	vadd.f32 v5, v8  }
0xe9: {  	v5 =	vadd.f32 v6, v9;
	v6 =	vshll.u32 v0, $0x10;
	v0 =	vand.u32 $0xFFFF0000, v0  }
0xea: {  	v6 =	vadd.f32 v6, v7;
	v7 =	vshll.u32 v2, $0x10;
	v2 =	vand.u32 $0xFFFF0000, v2  }
0xeb: {  	v8 =	vadd.f32 v11, v10;
	v9 =	vshll.u32 v3, $0x10;
	v0 =	vadd.f32 v0, v4  }
0xec: {  	v3 =	vand.u32 $0xFFFF0000, v3;
	v5 =	vadd.f32 v9, v5;
	v4 =	vadd.f32 v7, v6  }
0xed: {  	v3 =	vadd.f32 v3, v8;
	v6 =	vshll.u32 v1, $0x10;
	v0 =	vadd.f32 v2, v0;
	v2 =	vpop (erf)  }
0xee: {  	v1 =	vand.u32 $0xFFFF0000, v1;
	v5 =	vadd.f32 v6, v5;
	v4 =	vmul.f32 v2, v4  }
0xef: {  	v1 =	vadd.f32 v1, v3;
	v0 =	vmul.f32 v2, v0  }
0xf0: {  	v3 =	vmul.f32 v2, v5;
	[tilespmem:s26+$0xB400] =	vst v4  }
0xf1: {  	[tilespmem:s26+$0xB410] =	vst v0;
	v0 =	vmul.f32 v2, v1  }
0xf2: {  	[tilespmem:s26+$0xB420] =	vst v3  }
0xf3: {  	s30 =	simm.s32 $0x0;
	[tilespmem:s26+$0xB430] =	vst v0  }
0xf4: {  	v1 =	vld [tilespmem:s30+$0x96E0]  }
0xf5: {  	v2 =	vld [tilespmem:s30+$0x9710]  }
0xf6: {  	v11 =	vld [tilespmem:s30+$0x9720]  }
0xf7: {  	v3 =	vld [tilespmem:s30+$0x96F0]  }
0xf8: {  	v10 =	vld [tilespmem:s30+$0x9700]  }
0xf9: {  	v12 =	vimm.f32 $0.0e+00;
	v0 =	vshll.u32 v1, $0x10  }
0xfa: {  	s29 =	simm.s32 $0x60;
	v4 =	vld [tilespmem:s30+$0x9730];
	v8 =	vshll.u32 v2, $0x10;
	v7 =	vadd.f32 v0, v12  }
0xfb: {  	v9 =	vand.u32 $0xFFFF0000, v1;
	v5 =	vand.u32 $0xFFFF0000, v2;
	v6 =	vshll.u32 v11, $0x10;
	v0 =	vld [tilespmem:s29+$0x96E0]  }
0xfc: {  	v2 =	vld [tilespmem:s29+$0x9710];
	v13 =	vshll.u32 v3, $0x10;
	v14 =	vand.u32 $0xFFFF0000, v3;
	v7 =	vadd.f32 v8, v7  }
0xfd: {  	v1 =	vld [tilespmem:s29+$0x9720];
	v8 =	vadd.f32 v9, v12;
	v9 =	vadd.f32 v13, v12;
	v13 =	vshll.u32 v10, $0x10  }
0xfe: {  	s30 =	simm.s32 $0x300;
	v3 =	vld [tilespmem:s29+$0x96F0];
	v11 =	vand.u32 $0xFFFF0000, v11;
	v10 =	vadd.f32 v14, v12;
	v12 =	vadd.f32 v13, v12  }
.LBB2_13:
0xff: {  	p1 =	sne.s32 s30, $0x2400;
	v13 =	vld [tilespmem:s29+$0x9700];
	v8 =	vadd.f32 v5, v8;
	v9 =	vadd.f32 v6, v9;
	v4 =	vshll.u32 v4, $0x10  }
0x100: {  	v5 =	vshll.u32 v0, $0x10;
	v10 =	vadd.f32 v11, v10;
	v11 =	vadd.f32 v4, v12  }
.Ltmp5:
0x101: {  	v7 =	vadd.f32 v5, v7;
	v12 =	vshll.u32 v2, $0x10;
	v4 =	vld [tilespmem:s29+$0x9730];
	s29 =	sshra.s32 s30, $0x2;
	(pc) =	sbr.rel @p1 .LBB2_13-.Ltmp5, $4  }
0x102: {  	v14 =	vand.u32 $0xFFFF0000, v0;
	v5 =	vand.u32 $0xFFFF0000, v2;
	v0 =	vld [tilespmem:s29+$0x96E0];
	v6 =	vshll.u32 v1, $0x10;
	v15 =	vmovc v1  }
0x103: {  	v2 =	vld [tilespmem:s29+$0x9710];
	v16 =	vshll.u32 v3, $0x10;
	v17 =	vand.u32 $0xFFFF0000, v3;
	v7 =	vadd.f32 v12, v7  }
0x104: {  	v8 =	vadd.f32 v14, v8;
	v1 =	vld [tilespmem:s29+$0x9720];
	v9 =	vadd.f32 v16, v9;
	v12 =	vshll.u32 v13, $0x10  }
0x105: {  	s30 =	sadd.s32 $0x180, s30;
	v10 =	vadd.f32 v17, v10;
	v3 =	vld [tilespmem:s29+$0x96F0];
	v12 =	vadd.f32 v12, v11;
	v11 =	vand.u32 $0xFFFF0000, v15  }
0x106: {  	v13 =	vld [tilespmem:s29+$0x9700];
	_ =	sdelay $0x1  }
0x107: {  	v14 =	vld [tilespmem:s29+$0x9730]  }
0x108: {  	v4 =	vshll.u32 v4, $0x10  }
0x109: {  	v4 =	vadd.f32 v4, v12  }
0x10a: {  	v12 =	vshll.u32 v13, $0x10  }
0x10b: {  	v4 =	vadd.f32 v12, v4  }
0x10c: {  	v12 =	vshll.u32 v14, $0x10  }
0x10d: {  	v4 =	vadd.f32 v12, v4;
	_ =	sdelay $0x1  }
0x10e: {  	v4 =	vadd.f32 $9.999999930e-09, v4;
	_ =	sdelay $0x1  }
0x10f: {  	(erf) = vrcp.f32 v4;
	_ =	sdelay $0x3  }
0x110: {  	v4 =	vadd.f32 v5, v8  }
0x111: {  	v5 =	vadd.f32 v6, v9;
	v6 =	vshll.u32 v0, $0x10;
	v0 =	vand.u32 $0xFFFF0000, v0  }
0x112: {  	v6 =	vadd.f32 v6, v7;
	v7 =	vshll.u32 v2, $0x10;
	v2 =	vand.u32 $0xFFFF0000, v2  }
0x113: {  	v8 =	vadd.f32 v11, v10;
	v9 =	vshll.u32 v3, $0x10;
	v0 =	vadd.f32 v0, v4  }
0x114: {  	v3 =	vand.u32 $0xFFFF0000, v3;
	v5 =	vadd.f32 v9, v5;
	v4 =	vadd.f32 v7, v6  }
0x115: {  	v3 =	vadd.f32 v3, v8;
	v6 =	vshll.u32 v1, $0x10;
	v0 =	vadd.f32 v2, v0;
	v2 =	vpop (erf)  }
0x116: {  	v1 =	vand.u32 $0xFFFF0000, v1;
	v5 =	vadd.f32 v6, v5;
	v4 =	vmul.f32 v2, v4  }
0x117: {  	v1 =	vadd.f32 v1, v3;
	v0 =	vmul.f32 v2, v0  }
0x118: {  	v3 =	vmul.f32 v2, v5;
	[tilespmem:s26+$0xB440] =	vst v4  }
0x119: {  	[tilespmem:s26+$0xB450] =	vst v0;
	v0 =	vmul.f32 v2, v1  }
0x11a: {  	[tilespmem:s26+$0xB460] =	vst v3  }
0x11b: {  	s29 =	simm.s32 @!p0 $0x64;
	s30 =	simm.s32 @!p0 $0x8D80;
	[tilespmem:s26+$0xB470] =	vst v0;
	s26 =	sadd.s32 @!p0 $0x270, s25  }
0x11c: {  	[tilespmem:s30], [sflag:$0x3] =	stream.indirect.gather @!p0 [spmem:s2], $0x30, s26, s29, $0xb8;
	[tilespmem:$0x19800] =	vst v63  }
0x11d: {  	_ =	swait.ge [sflag:s22], $0x12C0  }
0x11e: {  	[sflag:s22] =	ssyncset.done $0x0  }
0x11f: {  	s29 =	simm.s32 $0x0;
	[sflag:s22] =	ssyncadd.s32 $0xFFFFED40  }
0x120: {  	v1 =	vld [tilespmem:s29+$0xA040]  }
0x121: {  	v2 =	vld [tilespmem:s29+$0xA070]  }
0x122: {  	v11 =	vld [tilespmem:s29+$0xA080]  }
0x123: {  	v3 =	vld [tilespmem:s29+$0xA050]  }
0x124: {  	v10 =	vld [tilespmem:s29+$0xA060]  }
0x125: {  	v12 =	vimm.f32 $0.0e+00;
	v0 =	vshll.u32 v1, $0x10  }
0x126: {  	s26 =	simm.s32 $0x60;
	v4 =	vld [tilespmem:s29+$0xA090];
	v8 =	vshll.u32 v2, $0x10;
	v7 =	vadd.f32 v0, v12  }
0x127: {  	v9 =	vand.u32 $0xFFFF0000, v1;
	v5 =	vand.u32 $0xFFFF0000, v2;
	v6 =	vshll.u32 v11, $0x10;
	v0 =	vld [tilespmem:s26+$0xA040]  }
0x128: {  	v2 =	vld [tilespmem:s26+$0xA070];
	v13 =	vshll.u32 v3, $0x10;
	v14 =	vand.u32 $0xFFFF0000, v3;
	v7 =	vadd.f32 v8, v7  }
0x129: {  	v1 =	vld [tilespmem:s26+$0xA080];
	v8 =	vadd.f32 v9, v12;
	v9 =	vadd.f32 v13, v12;
	v13 =	vshll.u32 v10, $0x10  }
0x12a: {  	s29 =	simm.s32 $0x300;
	v3 =	vld [tilespmem:s26+$0xA050];
	v11 =	vand.u32 $0xFFFF0000, v11;
	v10 =	vadd.f32 v14, v12;
	v12 =	vadd.f32 v13, v12  }
.LBB2_15:
0x12b: {  	p1 =	sne.s32 s29, $0x2400;
	v13 =	vld [tilespmem:s26+$0xA060];
	v8 =	vadd.f32 v5, v8;
	v9 =	vadd.f32 v6, v9;
	v4 =	vshll.u32 v4, $0x10  }
0x12c: {  	v5 =	vshll.u32 v0, $0x10;
	v10 =	vadd.f32 v11, v10;
	v11 =	vadd.f32 v4, v12  }
.Ltmp6:
0x12d: {  	v7 =	vadd.f32 v5, v7;
	v12 =	vshll.u32 v2, $0x10;
	v4 =	vld [tilespmem:s26+$0xA090];
	s26 =	sshra.s32 s29, $0x2;
	(pc) =	sbr.rel @p1 .LBB2_15-.Ltmp6, $4  }
0x12e: {  	v14 =	vand.u32 $0xFFFF0000, v0;
	v5 =	vand.u32 $0xFFFF0000, v2;
	v0 =	vld [tilespmem:s26+$0xA040];
	v6 =	vshll.u32 v1, $0x10;
	v15 =	vmovc v1  }
0x12f: {  	v2 =	vld [tilespmem:s26+$0xA070];
	v16 =	vshll.u32 v3, $0x10;
	v17 =	vand.u32 $0xFFFF0000, v3;
	v7 =	vadd.f32 v12, v7  }
0x130: {  	v8 =	vadd.f32 v14, v8;
	v1 =	vld [tilespmem:s26+$0xA080];
	v9 =	vadd.f32 v16, v9;
	v12 =	vshll.u32 v13, $0x10  }
0x131: {  	s29 =	sadd.s32 $0x180, s29;
	v10 =	vadd.f32 v17, v10;
	v3 =	vld [tilespmem:s26+$0xA050];
	v12 =	vadd.f32 v12, v11;
	v11 =	vand.u32 $0xFFFF0000, v15  }
0x132: {  	v13 =	vld [tilespmem:s26+$0xA060];
	_ =	sdelay $0x1  }
0x133: {  	v14 =	vld [tilespmem:s26+$0xA090]  }
0x134: {  	v4 =	vshll.u32 v4, $0x10  }
0x135: {  	v4 =	vadd.f32 v4, v12  }
0x136: {  	v12 =	vshll.u32 v13, $0x10  }
0x137: {  	v4 =	vadd.f32 v12, v4  }
0x138: {  	v12 =	vshll.u32 v14, $0x10  }
0x139: {  	v4 =	vadd.f32 v12, v4;
	_ =	sdelay $0x1  }
0x13a: {  	v4 =	vadd.f32 $9.999999930e-09, v4;
	_ =	sdelay $0x1  }
0x13b: {  	(erf) = vrcp.f32 v4;
	_ =	sdelay $0x3  }
0x13c: {  	v4 =	vadd.f32 v5, v8  }
0x13d: {  	v5 =	vadd.f32 v6, v9;
	v6 =	vshll.u32 v0, $0x10;
	v0 =	vand.u32 $0xFFFF0000, v0  }
0x13e: {  	v6 =	vadd.f32 v6, v7;
	v7 =	vshll.u32 v2, $0x10;
	v2 =	vand.u32 $0xFFFF0000, v2  }
0x13f: {  	v8 =	vadd.f32 v11, v10;
	v9 =	vshll.u32 v3, $0x10;
	v0 =	vadd.f32 v0, v4  }
0x140: {  	v3 =	vand.u32 $0xFFFF0000, v3;
	v5 =	vadd.f32 v9, v5;
	v4 =	vadd.f32 v7, v6  }
0x141: {  	s26 =	sor.u32 $0x3, s28;
	v3 =	vadd.f32 v3, v8;
	v6 =	vshll.u32 v1, $0x10;
	v0 =	vadd.f32 v2, v0;
	v2 =	vpop (erf)  }
0x142: {  	s28 =	sshll.u32 s26, $0x7;
	v1 =	vand.u32 $0xFFFF0000, v1;
	v5 =	vadd.f32 v6, v5;
	v4 =	vmul.f32 v2, v4  }
0x143: {  	s28 =	sand.u32 $0xF80, s28;
	v1 =	vadd.f32 v1, v3;
	v0 =	vmul.f32 v2, v0  }
0x144: {  	v3 =	vmul.f32 v2, v5;
	[tilespmem:s28+$0xB300] =	vst v4  }
0x145: {  	[tilespmem:s28+$0xB310] =	vst v0;
	v0 =	vmul.f32 v2, v1  }
0x146: {  	[tilespmem:s28+$0xB320] =	vst v3  }
0x147: {  	s30 =	simm.s32 $0x0;
	[tilespmem:s28+$0xB330] =	vst v0  }
0x148: {  	v1 =	vld [tilespmem:s30+$0xA9A0]  }
0x149: {  	v2 =	vld [tilespmem:s30+$0xA9D0]  }
0x14a: {  	v11 =	vld [tilespmem:s30+$0xA9E0]  }
0x14b: {  	v3 =	vld [tilespmem:s30+$0xA9B0]  }
0x14c: {  	v10 =	vld [tilespmem:s30+$0xA9C0]  }
0x14d: {  	v12 =	vimm.f32 $0.0e+00;
	v0 =	vshll.u32 v1, $0x10  }
0x14e: {  	s29 =	simm.s32 $0x60;
	v4 =	vld [tilespmem:s30+$0xA9F0];
	v8 =	vshll.u32 v2, $0x10;
	v7 =	vadd.f32 v0, v12  }
0x14f: {  	v9 =	vand.u32 $0xFFFF0000, v1;
	v5 =	vand.u32 $0xFFFF0000, v2;
	v6 =	vshll.u32 v11, $0x10;
	v0 =	vld [tilespmem:s29+$0xA9A0]  }
0x150: {  	v2 =	vld [tilespmem:s29+$0xA9D0];
	v13 =	vshll.u32 v3, $0x10;
	v14 =	vand.u32 $0xFFFF0000, v3;
	v7 =	vadd.f32 v8, v7  }
0x151: {  	v1 =	vld [tilespmem:s29+$0xA9E0];
	v8 =	vadd.f32 v9, v12;
	v9 =	vadd.f32 v13, v12;
	v13 =	vshll.u32 v10, $0x10  }
0x152: {  	s30 =	simm.s32 $0x300;
	v3 =	vld [tilespmem:s29+$0xA9B0];
	v11 =	vand.u32 $0xFFFF0000, v11;
	v10 =	vadd.f32 v14, v12;
	v12 =	vadd.f32 v13, v12  }
.LBB2_17:
0x153: {  	p1 =	sne.s32 s30, $0x2400;
	v13 =	vld [tilespmem:s29+$0xA9C0];
	v8 =	vadd.f32 v5, v8;
	v9 =	vadd.f32 v6, v9;
	v4 =	vshll.u32 v4, $0x10  }
0x154: {  	v5 =	vshll.u32 v0, $0x10;
	v10 =	vadd.f32 v11, v10;
	v11 =	vadd.f32 v4, v12  }
.Ltmp7:
0x155: {  	v7 =	vadd.f32 v5, v7;
	v12 =	vshll.u32 v2, $0x10;
	v4 =	vld [tilespmem:s29+$0xA9F0];
	s29 =	sshra.s32 s30, $0x2;
	(pc) =	sbr.rel @p1 .LBB2_17-.Ltmp7, $4  }
0x156: {  	v14 =	vand.u32 $0xFFFF0000, v0;
	v5 =	vand.u32 $0xFFFF0000, v2;
	v0 =	vld [tilespmem:s29+$0xA9A0];
	v6 =	vshll.u32 v1, $0x10;
	v15 =	vmovc v1  }
0x157: {  	v2 =	vld [tilespmem:s29+$0xA9D0];
	v16 =	vshll.u32 v3, $0x10;
	v17 =	vand.u32 $0xFFFF0000, v3;
	v7 =	vadd.f32 v12, v7  }
0x158: {  	v8 =	vadd.f32 v14, v8;
	v1 =	vld [tilespmem:s29+$0xA9E0];
	v9 =	vadd.f32 v16, v9;
	v12 =	vshll.u32 v13, $0x10  }
0x159: {  	s30 =	sadd.s32 $0x180, s30;
	v10 =	vadd.f32 v17, v10;
	v3 =	vld [tilespmem:s29+$0xA9B0];
	v12 =	vadd.f32 v12, v11;
	v11 =	vand.u32 $0xFFFF0000, v15  }
0x15a: {  	v13 =	vld [tilespmem:s29+$0xA9C0];
	_ =	sdelay $0x1  }
0x15b: {  	v14 =	vld [tilespmem:s29+$0xA9F0]  }
0x15c: {  	v4 =	vshll.u32 v4, $0x10  }
0x15d: {  	v4 =	vadd.f32 v4, v12  }
0x15e: {  	v47 =	vshll.u32 v13, $0x10  }
0x15f: {  	v4 =	vadd.f32 v47, v4  }
0x160: {  	v48 =	vshll.u32 v14, $0x10  }
0x161: {  	v4 =	vadd.f32 v48, v4;
	_ =	sdelay $0x1  }
0x162: {  	v4 =	vadd.f32 $9.999999930e-09, v4;
	_ =	sdelay $0x1  }
0x163: {  	(erf) = vrcp.f32 v4;
	_ =	sdelay $0x3  }
0x164: {  	v49 =	vadd.f32 v5, v8  }
0x165: {  	v50 =	vadd.f32 v6, v9;
	v51 =	vshll.u32 v0, $0x10;
	v52 =	vadd.f32 v11, v10  }
0x166: {  	v54 =	vand.u32 $0xFFFF0000, v0;
	v6 =	vadd.f32 v51, v7;
	v53 =	vshll.u32 v2, $0x10  }
0x167: {  	v55 =	vand.u32 $0xFFFF0000, v2;
	v0 =	vadd.f32 v54, v49;
	v56 =	vshll.u32 v3, $0x10  }
0x168: {  	v57 =	vand.u32 $0xFFFF0000, v3;
	v58 =	vadd.f32 v53, v6;
	v5 =	vadd.f32 v56, v50  }
0x169: {  	v59 =	vshll.u32 v1, $0x10;
	v0 =	vadd.f32 v55, v0;
	v3 =	vadd.f32 v57, v52;
	v60 =	vpop (erf)  }
0x16a: {  	v61 =	vand.u32 $0xFFFF0000, v1;
	v5 =	vadd.f32 v59, v5;
	v4 =	vmul.f32 v60, v58  }
0x16b: {  	v1 =	vadd.f32 v61, v3;
	v0 =	vmul.f32 v60, v0  }
0x16c: {  	v62 =	vmul.f32 v60, v5;
	[tilespmem:s28+$0xB340] =	vst v4  }
0x16d: {  	v63 =	vmul.f32 v60, v1;
	[tilespmem:s28+$0xB350] =	vst v0  }
0x16e: {  	s25 =	sadd.s32 @!p0 $0x2D8, s25;
	[tilespmem:s28+$0xB360] =	vst v62  }
0x16f: {  	s29 =	simm.s32 @!p0 $0xA040;
	s31 =	sand.u32 $0x1F, s26;
	[tilespmem:s28+$0xB370] =	vst v63;
	s28 =	simm.s32 @!p0 $0x64  }
0x170: {  	[tilespmem:s29], [sflag:$0x4] =	stream.indirect.gather @!p0 [spmem:s2], $0x30, s25, s28, $0xb8;
	[tilespmem:$0x19800] =	vst v63  }
0x171: {  	p0 =	sne.s32 s31, $0x1F  }
0x172: {  	s25 =	sshll.u32 @!p0 s24, $0x6  }
0x173: {  	s26 =	simm.s32 @!p0 $0x0;
	s24 =	sadd.s32 $0x1, s24;
	s25 =	sand.u32 @!p0 $0xE00, s25  }
0x174: {  	s28 =	simm.s32 @!p0 $0xB300;
	p1 =	sne.s32 s24, $0x40;
	s25 =	sadd.s32 @!p0 s25, s7  }
0x175: {  	[hbm4b:s25+s26] =	stream.linear.scatter @!p0 [tilespmem:s28], [sflag:$0x5], $0x1000, $0x38;
	[tilespmem:$0x19800] =	vst v63  }
.Ltmp8:
0x176: {  	_ = 	snop;
	(pc) =	sbr.rel @p1 .LBB2_2-.Ltmp8, $4  }
0x177: {  	s25 =	simm.s32 @!p0 $0x5  }
0x178: {  	_ =	swait.ge @!p0 [sflag:s25], $0x1000  }
0x179: {  	[sflag:s25] =	ssyncset.done @!p0 $0x0  }
0x17a: {  	[sflag:s25] =	ssyncadd.s32 @!p0 $0xFFFFF000  }
0x17b: {  	s23 =	sadd.s32 $0x1, s23  }
0x17c: {  	p0 =	sne.s32 s23, s8  }
.Ltmp9:
0x17d: {  	_ = 	snop;
	(pc) =	sbr.rel @p0 .LBB2_1-.Ltmp9, $1  }
0x17e: {  	_ =	sdelay $0x3  }
0x17f: {  	_ =	sfence.sel $0x180000  }
0x180: {  	[bflag:$0x0] =	sbarrier.arrive $0xFFFF  }
0x181: {  	p0 =	sne.s32 s1, $0x0;
	_ =	strace $0x90000047  }
0x182: {  	s0 =	sadd.s32 @!p0 $0x100000, s0;
	[bflag:$0x2] =	sbarrier.arrive $0xFFFF  }
0x183: {  	[sflag:s0] =	ssyncadd.tile.s32 @!p0 $0x1;
	_ =	shalt  }
.Lfunc_end2:
_tile_overlayer_lowered:
.L_overlay_start_2:
0x184: {  	(tag) =	ssettag $0x2  }
0x185: {  	s0 =	rddreg [dreg:$0x0];
	s2 =	stileid.u32  }
0x186: {  	s1 =	rddreg [dreg:$0x1];
	p0 =	sne.s32 s2, $0x0  }
0x187: {  	s3 =	rddreg [dreg:$0x2];
	[bflag:$0x3] =	sbarrier.arrive $0xFFFF;
	s2 =	simm.s32 @!p0 $0x1C05  }
0x188: {  	[timem:s3], [sflag:s2] =	dma.local @!p0 [hbm:s0], s1  }
0x189: {  	s0 =	simm.s32 @!p0 $0x5  }
0x18a: {  	_ =	swait.ge @!p0 [sflag:s0], s1  }
0x18b: {  	s1 =	ssub.s32 @!p0 $0x0, s1;
	[sflag:s0] =	ssyncset.done @!p0 $0x0  }
0x18c: {  	[sflag:s0] =	ssyncadd.s32 @!p0 s1  }
0x18d: {  	[bflag:$0x3] =	sbarrier.arrive $0xFFFF  }
0x18e: {  	_ =	shalt  }

</sc_bundles>
